<compile_context>
chip_gen: v7x
topology: tpu7x:2x2x1
jax: 0.10.2.dev20260603
libtpu: 0.0.44.dev20260713+nightly
codegen_flags: <defaults>
</compile_context>

<pallas_src>
import functools

import jax
import jax.numpy as jnp
from jax import lax
from jax.experimental import pallas as pl
from jax.experimental.pallas import tpu as pltpu
from jax.experimental.pallas import tpu_sc as plsc

_NUM_CLASSES = 1000
_FEAT = 128
_BATCH = 4096
_M = 0.99
_TEMP = 0.1
_BASE_TEMP = 0.1

_NW = 32
_CPW = 32
_CPAD = _NW * _CPW
_NVEC = _FEAT // 16
_MIDX_SZ = _BATCH + 16


def _sc_ema_body(feat_hbm, lab_hbm, proto_hbm, out_hbm,
                 lab_v, midx_v, prot_v, rowb, feat_sh, sem):
    sid = lax.axis_index("s")
    wid = sid * 2 + lax.axis_index("c")
    lo = wid * _CPW
    hi = lo + _CPW

    pltpu.sync_copy(lab_hbm, lab_v.at[pl.ds(0, _BATCH)])
    pltpu.sync_copy(proto_hbm.at[pl.ds(lo, _CPW)], prot_v)

    @pl.when(sid == 0)
    def _():
        pltpu.sync_copy(feat_hbm, feat_sh)

    zero16 = jnp.zeros((16,), jnp.int32)

    pow2 = jnp.left_shift(jnp.int32(1), lax.iota(jnp.int32, 16))

    def sbody(i, cnt):
        base = i * 16
        lv = lab_v[pl.ds(pl.multiple_of(base, 16), 16)]
        m = (lv >= lo) & (lv < hi)
        w = jnp.where(m, pow2, zero16)
        pr = w + lax.rev(w, (0,))
        bits = pr[0]
        for k in range(1, 8):
            bits = bits + pr[k]

        def append(c):
            for k in range(16):
                midx_v[pl.ds(c, 16)] = jnp.full((16,), base + k, jnp.int32)
                c = c + ((bits >> k) & 1)
            return c

        return lax.cond(bits != 0, append, lambda c: c, cnt)

    cnt = lax.fori_loop(0, _BATCH // 16, sbody, 0, unroll=False)

    plsc.subcore_barrier()

    def batch(bi, c):
        b0 = pl.multiple_of(bi * 16, 16)
        iv = midx_v[pl.ds(b0, 16)]
        iv = jnp.minimum(jnp.maximum(iv, 0), _BATCH - 1)
        for k in range(16):
            pltpu.async_copy(feat_sh.at[pl.ds(iv[k], 1)],
                             rowb.at[pl.ds(k, 1)], sem)
        pltpu.make_async_copy(feat_sh.at[pl.ds(0, 16)], rowb, sem).wait()
        jhi = jnp.minimum(cnt - b0, 16)

        def ebody(j, cc):
            idx = midx_v[pl.ds(b0 + j, 16)][0]
            lloc = lab_v[pl.ds(idx, 16)][0] - lo
            ts = []
            ss = jnp.zeros((16,), jnp.float32)
            for k in range(_NVEC):
                p = prot_v[lloc, pl.ds(k * 16, 16)]
                f = rowb[j, pl.ds(k * 16, 16)]
                t = p * _M + f * (1.0 - _M)
                ts.append(t)
                ss = ss + t * t
            ss = ss + lax.rev(ss, (0,))
            s = ss[0]
            for k in range(1, 8):
                s = s + ss[k]
            s = jnp.maximum(s, 1e-30)
            ib = lax.bitcast_convert_type(s, jnp.int32)
            y = lax.bitcast_convert_type(
                jnp.int32(0x5F3759DF) - (ib >> 1), jnp.float32)
            for _ in range(3):
                y = y * (1.5 - 0.5 * s * y * y)
            nrm = s * y
            scale = jnp.where(nrm > 1e-12, y, 1e12)
            for k in range(_NVEC):
                prot_v[lloc, pl.ds(k * 16, 16)] = ts[k] * scale
            return cc

        lax.fori_loop(0, jhi, ebody, 0, unroll=False)
        return c

    nbatch = (cnt + 15) // 16
    lax.fori_loop(0, nbatch, batch, 0, unroll=False)

    pltpu.sync_copy(prot_v, out_hbm.at[pl.ds(lo, _CPW)])


_sc_ema = functools.partial(
    pl.kernel,
    out_type=jax.ShapeDtypeStruct((_CPAD, _FEAT), jnp.float32),
    mesh=plsc.VectorSubcoreMesh(core_axis_name="c", subcore_axis_name="s"),
    scratch_types=[
        pltpu.VMEM((_BATCH + 16,), jnp.int32),
        pltpu.VMEM((_MIDX_SZ,), jnp.int32),
        pltpu.VMEM((_CPW, _FEAT), jnp.float32),
        pltpu.VMEM((16, _FEAT), jnp.float32),
        pltpu.VMEM_SHARED((_BATCH, _FEAT), jnp.float32),
        pltpu.SemaphoreType.DMA,
    ],
)(_sc_ema_body)


def _loss_body(proto_ref, out_ref):
    p = proto_ref[...]
    logits = lax.dot_general(
        p, p, (((1,), (1,)), ((), ())), preferred_element_type=jnp.float32
    ) * (1.0 / _TEMP)
    e = jnp.exp(logits)
    ii = lax.broadcasted_iota(jnp.int32, (_NUM_CLASSES, _NUM_CLASSES), 0)
    jj = lax.broadcasted_iota(jnp.int32, (_NUM_CLASSES, _NUM_CLASSES), 1)
    offdiag = ii != jj
    rowsum = jnp.sum(jnp.where(offdiag, e, 0.0), axis=1)
    diag_e = jnp.max(jnp.where(offdiag, 0.0, e), axis=1)
    mpn = jnp.log(rowsum * (1.0 / (_NUM_CLASSES - 1)))
    valid = jnp.isfinite(diag_e)
    num = jnp.sum(jnp.where(valid, mpn, 0.0))
    den = jnp.maximum(jnp.sum(valid.astype(jnp.int32)), 1).astype(jnp.float32)
    out_ref[0, 0] = (_TEMP / _BASE_TEMP) * num / den


def kernel(features, labels, prototypes):
    labels = labels.astype(jnp.int32)
    protos_pad = jnp.concatenate(
        [prototypes, jnp.zeros((_CPAD - _NUM_CLASSES, _FEAT), jnp.float32)], 0
    )
    protos = _sc_ema(features, labels, protos_pad)
    out = pl.pallas_call(
        _loss_body,
        out_shape=jax.ShapeDtypeStruct((1, 1), jnp.float32),
        in_specs=[pl.BlockSpec(memory_space=pltpu.VMEM)],
        out_specs=pl.BlockSpec(memory_space=pltpu.SMEM),
    )(protos[:_NUM_CLASSES])
    return out[0, 0]

# --- scband reference (transcript-rebuilt; emitter-appended) ---
"""Pipeline reference for scband-dis-loss-65180423684879 (READ-ONLY COPY).

The authoritative reference and input builder live on the scoring server;
editing this copy changes nothing except your own understanding.
"""

import jax, jax.numpy as jnp
import numpy as np

NUM_CLASSES = 1000
FEAT_DIM = 128
BATCH = 4096
PROTO_M = 0.99
TEMPERATURE = 0.1
BASE_TEMPERATURE = 0.1


def _l2_normalize(v):
    # torch F.normalize(v, dim=0): v / max(||v||_2, eps)
    return v / jnp.maximum(jnp.linalg.norm(v), 1e-12)


def setup_inputs(seed: int = 0) -> dict:
    key = jax.random.key(seed)
    k1, k2, k3 = jax.random.split(key, 3)
    features = jax.random.normal(k1, (BATCH, FEAT_DIM), dtype=jnp.float32)
    labels = jax.random.randint(k2, (BATCH,), 0, NUM_CLASSES, dtype=jnp.int64) if jax.config.jax_enable_x64 else jax.random.randint(k2, (BATCH,), 0, NUM_CLASSES, dtype=jnp.int32)
    prototypes = jax.random.normal(k3, (NUM_CLASSES, FEAT_DIM), dtype=jnp.float32)
    return {"features": features, "labels": labels, "prototypes": prototypes}


def reference(features, labels, prototypes):
    # Sequential per-sample EMA update of the class-prototype memory
    # (faithful to the in-place loop in the torch forward: later samples
    # with the same label see the already-updated prototype).
    def body(protos, fl):
        f, l = fl
        tmp_proto = protos[l] * PROTO_M + f * (1.0 - PROTO_M)
        protos = protos.at[l].set(_l2_normalize(tmp_proto))
        return protos, None

    protos, _ = jax.lax.scan(body, prototypes, (features, labels))

    num_cls = NUM_CLASSES
    lab = jnp.arange(num_cls).reshape(-1, 1)
    mask = (1.0 - jnp.equal(lab, lab.T).astype(jnp.float32))
    logits = (protos @ protos.T) / TEMPERATURE
    # torch.scatter(ones, 1, arange.view(-1,1), 0) == 1 - eye
    logits_mask = 1.0 - jnp.eye(num_cls, dtype=jnp.float32)
    mask = mask * logits_mask
    mean_prob_neg = jnp.log((mask * jnp.exp(logits)).sum(1) / mask.sum(1))
    valid = ~jnp.isnan(mean_prob_neg)
    loss = (TEMPERATURE / BASE_TEMPERATURE) * (jnp.where(valid, mean_prob_neg, 0.0).sum() / jnp.maximum(valid.sum(), 1))
    return loss

if __name__ == "__main__":
    import jax
    _d = setup_inputs()
    print(jax.jit(kernel)(*tuple(_d.values())))

</pallas_src>

<mosaic_0001>
#map = affine_map<(d0, d1) -> (0, 0)>
#map1 = affine_map<(d0, d1) -> (0)>
module attributes {stable_mosaic.version = 14 : i64} {
  func.func @_sc_ema_body(%arg0: i32, %arg1: i32, %arg2: memref<4096x128xf32, #tpu.memory_space<hbm>>, %arg3: memref<4096xi32, #tpu.memory_space<hbm>>, %arg4: memref<1024x128xf32, #tpu.memory_space<hbm>>, %arg5: memref<1024x128xf32, #tpu.memory_space<hbm>>, %arg6: memref<4112xi32, #tpu.memory_space<vmem>>, %arg7: memref<4112xi32, #tpu.memory_space<vmem>>, %arg8: memref<32x128xf32, #tpu.memory_space<vmem>>, %arg9: memref<16x128xf32, #tpu.memory_space<vmem>>, %arg10: memref<4096x128xf32, #tpu.memory_space<vmem_shared>>, %arg11: memref<!tpu.dma_semaphore, #tpu.memory_space<semaphore_mem>>) attributes {dimension_semantics = [#tpu.dimension_semantics<core_parallel>, #tpu.dimension_semantics<subcore_parallel>], iteration_bounds = array<i64: 2, 16>, scalar_prefetch = 0 : i64, scratch_operands = 6 : i64, tpu.core_type = #tpu.core_type<sc_vector_subcore>, window_params = [{transform_indices = #map}, {transform_indices = #map1}, {transform_indices = #map}, {transform_indices = #map}]} {
    %mul3A = arith.constant 2 : i32
    %mul3A_0 = arith.muli %arg1, %mul3A : i32
    %add3A = arith.addi %mul3A_0, %arg0 : i32
    %mul3A_1 = arith.constant 32 : i32
    %mul3A_2 = arith.muli %add3A, %mul3A_1 : i32
    %add3A_3 = arith.constant 32 : i32
    %add3A_4 = arith.addi %mul3A_2, %add3A_3 : i32
    "tpu.region"() ({
      %run_scoped3A = tpu.sem_alloc : memref<!tpu.dma_semaphore, #tpu.memory_space<semaphore_mem>>
      %dma_start3A = arith.constant 0 : i32
      %dma_start3A_43 = tpu.memref_slice %arg6[%dma_start3A] : memref<4112xi32, #tpu.memory_space<vmem>> -> memref<4096xi32, #tpu.memory_space<vmem>>
      %dma_start3A_44 = arith.constant 0 : i32
      %dma_start3A_45 = tpu.memref_slice %arg6[%dma_start3A_44] : memref<4112xi32, #tpu.memory_space<vmem>> -> memref<4096xi32, #tpu.memory_space<vmem>>
      tpu.enqueue_dma source(%arg3 : memref<4096xi32, #tpu.memory_space<hbm>>) target(%dma_start3A_45 : memref<4096xi32, #tpu.memory_space<vmem>>) target_semaphore(%run_scoped3A : memref<!tpu.dma_semaphore, #tpu.memory_space<semaphore_mem>>)
      %dma_wait3A = arith.constant 0 : i32
      %dma_wait3A_46 = tpu.memref_slice %arg6[%dma_wait3A] : memref<4112xi32, #tpu.memory_space<vmem>> -> memref<4096xi32, #tpu.memory_space<vmem>>
      %dma_wait3A_47 = arith.constant 0 : i32
      %dma_wait3A_48 = tpu.memref_slice %arg6[%dma_wait3A_47] : memref<4112xi32, #tpu.memory_space<vmem>> -> memref<4096xi32, #tpu.memory_space<vmem>>
      tpu.wait_dma2 semaphore(%run_scoped3A : memref<!tpu.dma_semaphore, #tpu.memory_space<semaphore_mem>>) src(%arg3 : memref<4096xi32, #tpu.memory_space<hbm>>) dst(%dma_wait3A_48 : memref<4096xi32, #tpu.memory_space<vmem>>)
      tpu.yield
    }) : () -> ()
    "tpu.region"() ({
      %run_scoped3A = tpu.sem_alloc : memref<!tpu.dma_semaphore, #tpu.memory_space<semaphore_mem>>
      %dma_start3A = arith.constant 0 : i32
      %dma_start3A_43 = tpu.memref_slice %arg4[%mul3A_2, %dma_start3A] : memref<1024x128xf32, #tpu.memory_space<hbm>> -> memref<32x128xf32, #tpu.memory_space<hbm>>
      %dma_start3A_44 = arith.constant 0 : i32
      %dma_start3A_45 = tpu.memref_slice %arg4[%mul3A_2, %dma_start3A_44] : memref<1024x128xf32, #tpu.memory_space<hbm>> -> memref<32x128xf32, #tpu.memory_space<hbm>>
      tpu.enqueue_dma source(%dma_start3A_45 : memref<32x128xf32, #tpu.memory_space<hbm>>) target(%arg8 : memref<32x128xf32, #tpu.memory_space<vmem>>) target_semaphore(%run_scoped3A : memref<!tpu.dma_semaphore, #tpu.memory_space<semaphore_mem>>)
      %dma_wait3A = arith.constant 0 : i32
      %dma_wait3A_46 = tpu.memref_slice %arg4[%mul3A_2, %dma_wait3A] : memref<1024x128xf32, #tpu.memory_space<hbm>> -> memref<32x128xf32, #tpu.memory_space<hbm>>
      %dma_wait3A_47 = arith.constant 0 : i32
      %dma_wait3A_48 = tpu.memref_slice %arg4[%mul3A_2, %dma_wait3A_47] : memref<1024x128xf32, #tpu.memory_space<hbm>> -> memref<32x128xf32, #tpu.memory_space<hbm>>
      tpu.wait_dma2 semaphore(%run_scoped3A : memref<!tpu.dma_semaphore, #tpu.memory_space<semaphore_mem>>) src(%dma_wait3A_48 : memref<32x128xf32, #tpu.memory_space<hbm>>) dst(%arg8 : memref<32x128xf32, #tpu.memory_space<vmem>>)
      tpu.yield
    }) : () -> ()
    %eq3A = arith.constant 0 : i32
    %eq3A_5 = arith.cmpi eq, %arg1, %eq3A : i32
    %convert_element_type3A = arith.extui %eq3A_5 : i1 to i32
    %cond3A = arith.constant 0 : i32
    %cond3A_6 = arith.cmpi ne, %convert_element_type3A, %cond3A : i32
    scf.if %cond3A_6 {
      "tpu.region"() ({
        %run_scoped3A = tpu.sem_alloc : memref<!tpu.dma_semaphore, #tpu.memory_space<semaphore_mem>>
        tpu.enqueue_dma source(%arg2 : memref<4096x128xf32, #tpu.memory_space<hbm>>) target(%arg10 : memref<4096x128xf32, #tpu.memory_space<vmem_shared>>) target_semaphore(%run_scoped3A : memref<!tpu.dma_semaphore, #tpu.memory_space<semaphore_mem>>)
        tpu.wait_dma2 semaphore(%run_scoped3A : memref<!tpu.dma_semaphore, #tpu.memory_space<semaphore_mem>>) src(%arg2 : memref<4096x128xf32, #tpu.memory_space<hbm>>) dst(%arg10 : memref<4096x128xf32, #tpu.memory_space<vmem_shared>>)
        tpu.yield
      }) : () -> ()
    } else {
    }
    %broadcast_in_dim3A = arith.constant 0 : i32
    %broadcast_in_dim3A_7 = vector.broadcast %broadcast_in_dim3A : i32 to vector<16xi32>
    %iota3A = tpu.iota {dimensions = array<i32: 0>} : vector<16xi32>
    %shift_left3A = arith.constant 1 : i32
    %shift_left3A_8 = vector.broadcast %shift_left3A : i32 to vector<16xi32>
    %shift_left3A_9 = arith.shli %shift_left3A_8, %iota3A : vector<16xi32>
    %scan3A = arith.constant 0 : i32
    %scan3A_10 = arith.constant 0 : i32
    %scan3A_11 = arith.constant 256 : i32
    %scan3A_12 = arith.addi %scan3A_10, %scan3A_11 : i32
    %scan3A_13 = arith.constant 1 : i32
    %scan3A_14 = scf.for %scan3A_43 = %scan3A_10 to %scan3A_12 step %scan3A_13 iter_args(%scan3A_44 = %scan3A) -> (i32)  : i32 {
      %mul3A_45 = arith.constant 16 : i32
      %mul3A_46 = arith.muli %scan3A_43, %mul3A_45 : i32
      %multiple_of3A = tpu.assume_multiple %mul3A_46, 16 : i32
      %get3A = arith.index_cast %multiple_of3A : i32 to index
      %get3A_47 = tpu.vector_load %arg6[%get3A] {strides = array<i32>} : memref<4112xi32, #tpu.memory_space<vmem>>, vector<16xi32>,
      %get3A_48 = vector.shape_cast %get3A_47 : vector<16xi32> to vector<16xi32>
      %ge3A = vector.broadcast %mul3A_2 : i32 to vector<16xi32>
      %ge3A_49 = arith.cmpi sge, %get3A_48, %ge3A : vector<16xi32>
      %lt3A = vector.broadcast %add3A_4 : i32 to vector<16xi32>
      %lt3A_50 = arith.cmpi slt, %get3A_48, %lt3A : vector<16xi32>
      %and3A_51 = arith.andi %ge3A_49, %lt3A_50 : vector<16xi1>
      %select_n3A_52 = arith.select %and3A_51, %shift_left3A_9, %broadcast_in_dim3A_7 : vector<16xi1>, vector<16xi32>
      %rev3A = arith.constant 15 : i32
      %rev3A_53 = vector.broadcast %rev3A : i32 to vector<16xi32>
      %rev3A_54 = tpu.iota {dimensions = array<i32: 0>} : vector<16xi32>
      %rev3A_55 = arith.subi %rev3A_53, %rev3A_54 : vector<16xi32>
      %rev3A_56 = tpu.dynamic_gather %select_n3A_52[%rev3A_55] in [0] : vector<16xi32>, vector<16xi32> -> vector<16xi32>
      %add3A_57 = arith.addi %select_n3A_52, %rev3A_56 : vector<16xi32>
      %slice3A = vector.extract_strided_slice %add3A_57 {offsets = [0], sizes = [1], strides = [1]} : vector<16xi32> to vector<1xi32>
      %squeeze3A = vector.extract %slice3A[0] : i32 from vector<1xi32>
      %slice3A_58 = vector.extract_strided_slice %add3A_57 {offsets = [1], sizes = [1], strides = [1]} : vector<16xi32> to vector<1xi32>
      %squeeze3A_59 = vector.extract %slice3A_58[0] : i32 from vector<1xi32>
      %add3A_60 = arith.addi %squeeze3A, %squeeze3A_59 : i32
      %slice3A_61 = vector.extract_strided_slice %add3A_57 {offsets = [2], sizes = [1], strides = [1]} : vector<16xi32> to vector<1xi32>
      %squeeze3A_62 = vector.extract %slice3A_61[0] : i32 from vector<1xi32>
      %add3A_63 = arith.addi %add3A_60, %squeeze3A_62 : i32
      %slice3A_64 = vector.extract_strided_slice %add3A_57 {offsets = [3], sizes = [1], strides = [1]} : vector<16xi32> to vector<1xi32>
      %squeeze3A_65 = vector.extract %slice3A_64[0] : i32 from vector<1xi32>
      %add3A_66 = arith.addi %add3A_63, %squeeze3A_65 : i32
      %slice3A_67 = vector.extract_strided_slice %add3A_57 {offsets = [4], sizes = [1], strides = [1]} : vector<16xi32> to vector<1xi32>
      %squeeze3A_68 = vector.extract %slice3A_67[0] : i32 from vector<1xi32>
      %add3A_69 = arith.addi %add3A_66, %squeeze3A_68 : i32
      %slice3A_70 = vector.extract_strided_slice %add3A_57 {offsets = [5], sizes = [1], strides = [1]} : vector<16xi32> to vector<1xi32>
      %squeeze3A_71 = vector.extract %slice3A_70[0] : i32 from vector<1xi32>
      %add3A_72 = arith.addi %add3A_69, %squeeze3A_71 : i32
      %slice3A_73 = vector.extract_strided_slice %add3A_57 {offsets = [6], sizes = [1], strides = [1]} : vector<16xi32> to vector<1xi32>
      %squeeze3A_74 = vector.extract %slice3A_73[0] : i32 from vector<1xi32>
      %add3A_75 = arith.addi %add3A_72, %squeeze3A_74 : i32
      %slice3A_76 = vector.extract_strided_slice %add3A_57 {offsets = [7], sizes = [1], strides = [1]} : vector<16xi32> to vector<1xi32>
      %squeeze3A_77 = vector.extract %slice3A_76[0] : i32 from vector<1xi32>
      %add3A_78 = arith.addi %add3A_75, %squeeze3A_77 : i32
      %ne3A_79 = arith.constant 0 : i32
      %ne3A_80 = arith.cmpi ne, %add3A_78, %ne3A_79 : i32
      %convert_element_type3A_81 = arith.extui %ne3A_80 : i1 to i32
      %cond3A_82 = arith.constant 0 : i32
      %cond3A_83 = arith.cmpi ne, %convert_element_type3A_81, %cond3A_82 : i32
      %cond3A_84 = scf.if %cond3A_83 -> (i32) {
        %add3A_85 = arith.constant 0 : i32
        %add3A_86 = arith.addi %mul3A_46, %add3A_85 : i32
        %broadcast_in_dim3A_87 = vector.broadcast %add3A_86 : i32 to vector<16xi32>
        %swap3A = arith.index_cast %scan3A_44 : i32 to index
        %swap3A_88 = tpu.vector_load %arg7[%swap3A] {strides = array<i32>} : memref<4112xi32, #tpu.memory_space<vmem>>, vector<16xi32>,
        %swap3A_89 = vector.shape_cast %swap3A_88 : vector<16xi32> to vector<16xi32>
        %swap3A_90 = vector.shape_cast %broadcast_in_dim3A_87 : vector<16xi32> to vector<16xi32>
        tpu.vector_store %arg7[%swap3A], %swap3A_90 {strides = array<i32>} : memref<4112xi32, #tpu.memory_space<vmem>>, vector<16xi32>,
        %shift_right_arithmetic3A = arith.constant 0 : i32
        %shift_right_arithmetic3A_91 = arith.shrsi %add3A_78, %shift_right_arithmetic3A : i32
        %and3A_92 = arith.constant 1 : i32
        %and3A_93 = arith.andi %shift_right_arithmetic3A_91, %and3A_92 : i32
        %add3A_94 = arith.addi %scan3A_44, %and3A_93 : i32
        %add3A_95 = arith.constant 1 : i32
        %add3A_96 = arith.addi %mul3A_46, %add3A_95 : i32
        %broadcast_in_dim3A_97 = vector.broadcast %add3A_96 : i32 to vector<16xi32>
        %swap3A_98 = arith.index_cast %add3A_94 : i32 to index
        %swap3A_99 = tpu.vector_load %arg7[%swap3A_98] {strides = array<i32>} : memref<4112xi32, #tpu.memory_space<vmem>>, vector<16xi32>,
        %swap3A_100 = vector.shape_cast %swap3A_99 : vector<16xi32> to vector<16xi32>
        %swap3A_101 = vector.shape_cast %broadcast_in_dim3A_97 : vector<16xi32> to vector<16xi32>
        tpu.vector_store %arg7[%swap3A_98], %swap3A_101 {strides = array<i32>} : memref<4112xi32, #tpu.memory_space<vmem>>, vector<16xi32>,
        %shift_right_arithmetic3A_102 = arith.constant 1 : i32
        %shift_right_arithmetic3A_103 = arith.shrsi %add3A_78, %shift_right_arithmetic3A_102 : i32
        %and3A_104 = arith.constant 1 : i32
        %and3A_105 = arith.andi %shift_right_arithmetic3A_103, %and3A_104 : i32
        %add3A_106 = arith.addi %add3A_94, %and3A_105 : i32
        %add3A_107 = arith.constant 2 : i32
        %add3A_108 = arith.addi %mul3A_46, %add3A_107 : i32
        %broadcast_in_dim3A_109 = vector.broadcast %add3A_108 : i32 to vector<16xi32>
        %swap3A_110 = arith.index_cast %add3A_106 : i32 to index
        %swap3A_111 = tpu.vector_load %arg7[%swap3A_110] {strides = array<i32>} : memref<4112xi32, #tpu.memory_space<vmem>>, vector<16xi32>,
        %swap3A_112 = vector.shape_cast %swap3A_111 : vector<16xi32> to vector<16xi32>
        %swap3A_113 = vector.shape_cast %broadcast_in_dim3A_109 : vector<16xi32> to vector<16xi32>
        tpu.vector_store %arg7[%swap3A_110], %swap3A_113 {strides = array<i32>} : memref<4112xi32, #tpu.memory_space<vmem>>, vector<16xi32>,
        %shift_right_arithmetic3A_114 = arith.constant 2 : i32
        %shift_right_arithmetic3A_115 = arith.shrsi %add3A_78, %shift_right_arithmetic3A_114 : i32
        %and3A_116 = arith.constant 1 : i32
        %and3A_117 = arith.andi %shift_right_arithmetic3A_115, %and3A_116 : i32
        %add3A_118 = arith.addi %add3A_106, %and3A_117 : i32
        %add3A_119 = arith.constant 3 : i32
        %add3A_120 = arith.addi %mul3A_46, %add3A_119 : i32
        %broadcast_in_dim3A_121 = vector.broadcast %add3A_120 : i32 to vector<16xi32>
        %swap3A_122 = arith.index_cast %add3A_118 : i32 to index
        %swap3A_123 = tpu.vector_load %arg7[%swap3A_122] {strides = array<i32>} : memref<4112xi32, #tpu.memory_space<vmem>>, vector<16xi32>,
        %swap3A_124 = vector.shape_cast %swap3A_123 : vector<16xi32> to vector<16xi32>
        %swap3A_125 = vector.shape_cast %broadcast_in_dim3A_121 : vector<16xi32> to vector<16xi32>
        tpu.vector_store %arg7[%swap3A_122], %swap3A_125 {strides = array<i32>} : memref<4112xi32, #tpu.memory_space<vmem>>, vector<16xi32>,
        %shift_right_arithmetic3A_126 = arith.constant 3 : i32
        %shift_right_arithmetic3A_127 = arith.shrsi %add3A_78, %shift_right_arithmetic3A_126 : i32
        %and3A_128 = arith.constant 1 : i32
        %and3A_129 = arith.andi %shift_right_arithmetic3A_127, %and3A_128 : i32
        %add3A_130 = arith.addi %add3A_118, %and3A_129 : i32
        %add3A_131 = arith.constant 4 : i32
        %add3A_132 = arith.addi %mul3A_46, %add3A_131 : i32
        %broadcast_in_dim3A_133 = vector.broadcast %add3A_132 : i32 to vector<16xi32>
        %swap3A_134 = arith.index_cast %add3A_130 : i32 to index
        %swap3A_135 = tpu.vector_load %arg7[%swap3A_134] {strides = array<i32>} : memref<4112xi32, #tpu.memory_space<vmem>>, vector<16xi32>,
        %swap3A_136 = vector.shape_cast %swap3A_135 : vector<16xi32> to vector<16xi32>
        %swap3A_137 = vector.shape_cast %broadcast_in_dim3A_133 : vector<16xi32> to vector<16xi32>
        tpu.vector_store %arg7[%swap3A_134], %swap3A_137 {strides = array<i32>} : memref<4112xi32, #tpu.memory_space<vmem>>, vector<16xi32>,
        %shift_right_arithmetic3A_138 = arith.constant 4 : i32
        %shift_right_arithmetic3A_139 = arith.shrsi %add3A_78, %shift_right_arithmetic3A_138 : i32
        %and3A_140 = arith.constant 1 : i32
        %and3A_141 = arith.andi %shift_right_arithmetic3A_139, %and3A_140 : i32
        %add3A_142 = arith.addi %add3A_130, %and3A_141 : i32
        %add3A_143 = arith.constant 5 : i32
        %add3A_144 = arith.addi %mul3A_46, %add3A_143 : i32
        %broadcast_in_dim3A_145 = vector.broadcast %add3A_144 : i32 to vector<16xi32>
        %swap3A_146 = arith.index_cast %add3A_142 : i32 to index
        %swap3A_147 = tpu.vector_load %arg7[%swap3A_146] {strides = array<i32>} : memref<4112xi32, #tpu.memory_space<vmem>>, vector<16xi32>,
        %swap3A_148 = vector.shape_cast %swap3A_147 : vector<16xi32> to vector<16xi32>
        %swap3A_149 = vector.shape_cast %broadcast_in_dim3A_145 : vector<16xi32> to vector<16xi32>
        tpu.vector_store %arg7[%swap3A_146], %swap3A_149 {strides = array<i32>} : memref<4112xi32, #tpu.memory_space<vmem>>, vector<16xi32>,
        %shift_right_arithmetic3A_150 = arith.constant 5 : i32
        %shift_right_arithmetic3A_151 = arith.shrsi %add3A_78, %shift_right_arithmetic3A_150 : i32
        %and3A_152 = arith.constant 1 : i32
        %and3A_153 = arith.andi %shift_right_arithmetic3A_151, %and3A_152 : i32
        %add3A_154 = arith.addi %add3A_142, %and3A_153 : i32
        %add3A_155 = arith.constant 6 : i32
        %add3A_156 = arith.addi %mul3A_46, %add3A_155 : i32
        %broadcast_in_dim3A_157 = vector.broadcast %add3A_156 : i32 to vector<16xi32>
        %swap3A_158 = arith.index_cast %add3A_154 : i32 to index
        %swap3A_159 = tpu.vector_load %arg7[%swap3A_158] {strides = array<i32>} : memref<4112xi32, #tpu.memory_space<vmem>>, vector<16xi32>,
        %swap3A_160 = vector.shape_cast %swap3A_159 : vector<16xi32> to vector<16xi32>
        %swap3A_161 = vector.shape_cast %broadcast_in_dim3A_157 : vector<16xi32> to vector<16xi32>
        tpu.vector_store %arg7[%swap3A_158], %swap3A_161 {strides = array<i32>} : memref<4112xi32, #tpu.memory_space<vmem>>, vector<16xi32>,
        %shift_right_arithmetic3A_162 = arith.constant 6 : i32
        %shift_right_arithmetic3A_163 = arith.shrsi %add3A_78, %shift_right_arithmetic3A_162 : i32
        %and3A_164 = arith.constant 1 : i32
        %and3A_165 = arith.andi %shift_right_arithmetic3A_163, %and3A_164 : i32
        %add3A_166 = arith.addi %add3A_154, %and3A_165 : i32
        %add3A_167 = arith.constant 7 : i32
        %add3A_168 = arith.addi %mul3A_46, %add3A_167 : i32
        %broadcast_in_dim3A_169 = vector.broadcast %add3A_168 : i32 to vector<16xi32>
        %swap3A_170 = arith.index_cast %add3A_166 : i32 to index
        %swap3A_171 = tpu.vector_load %arg7[%swap3A_170] {strides = array<i32>} : memref<4112xi32, #tpu.memory_space<vmem>>, vector<16xi32>,
        %swap3A_172 = vector.shape_cast %swap3A_171 : vector<16xi32> to vector<16xi32>
        %swap3A_173 = vector.shape_cast %broadcast_in_dim3A_169 : vector<16xi32> to vector<16xi32>
        tpu.vector_store %arg7[%swap3A_170], %swap3A_173 {strides = array<i32>} : memref<4112xi32, #tpu.memory_space<vmem>>, vector<16xi32>,
        %shift_right_arithmetic3A_174 = arith.constant 7 : i32
        %shift_right_arithmetic3A_175 = arith.shrsi %add3A_78, %shift_right_arithmetic3A_174 : i32
        %and3A_176 = arith.constant 1 : i32
        %and3A_177 = arith.andi %shift_right_arithmetic3A_175, %and3A_176 : i32
        %add3A_178 = arith.addi %add3A_166, %and3A_177 : i32
        %add3A_179 = arith.constant 8 : i32
        %add3A_180 = arith.addi %mul3A_46, %add3A_179 : i32
        %broadcast_in_dim3A_181 = vector.broadcast %add3A_180 : i32 to vector<16xi32>
        %swap3A_182 = arith.index_cast %add3A_178 : i32 to index
        %swap3A_183 = tpu.vector_load %arg7[%swap3A_182] {strides = array<i32>} : memref<4112xi32, #tpu.memory_space<vmem>>, vector<16xi32>,
        %swap3A_184 = vector.shape_cast %swap3A_183 : vector<16xi32> to vector<16xi32>
        %swap3A_185 = vector.shape_cast %broadcast_in_dim3A_181 : vector<16xi32> to vector<16xi32>
        tpu.vector_store %arg7[%swap3A_182], %swap3A_185 {strides = array<i32>} : memref<4112xi32, #tpu.memory_space<vmem>>, vector<16xi32>,
        %shift_right_arithmetic3A_186 = arith.constant 8 : i32
        %shift_right_arithmetic3A_187 = arith.shrsi %add3A_78, %shift_right_arithmetic3A_186 : i32
        %and3A_188 = arith.constant 1 : i32
        %and3A_189 = arith.andi %shift_right_arithmetic3A_187, %and3A_188 : i32
        %add3A_190 = arith.addi %add3A_178, %and3A_189 : i32
        %add3A_191 = arith.constant 9 : i32
        %add3A_192 = arith.addi %mul3A_46, %add3A_191 : i32
        %broadcast_in_dim3A_193 = vector.broadcast %add3A_192 : i32 to vector<16xi32>
        %swap3A_194 = arith.index_cast %add3A_190 : i32 to index
        %swap3A_195 = tpu.vector_load %arg7[%swap3A_194] {strides = array<i32>} : memref<4112xi32, #tpu.memory_space<vmem>>, vector<16xi32>,
        %swap3A_196 = vector.shape_cast %swap3A_195 : vector<16xi32> to vector<16xi32>
        %swap3A_197 = vector.shape_cast %broadcast_in_dim3A_193 : vector<16xi32> to vector<16xi32>
        tpu.vector_store %arg7[%swap3A_194], %swap3A_197 {strides = array<i32>} : memref<4112xi32, #tpu.memory_space<vmem>>, vector<16xi32>,
        %shift_right_arithmetic3A_198 = arith.constant 9 : i32
        %shift_right_arithmetic3A_199 = arith.shrsi %add3A_78, %shift_right_arithmetic3A_198 : i32
        %and3A_200 = arith.constant 1 : i32
        %and3A_201 = arith.andi %shift_right_arithmetic3A_199, %and3A_200 : i32
        %add3A_202 = arith.addi %add3A_190, %and3A_201 : i32
        %add3A_203 = arith.constant 10 : i32
        %add3A_204 = arith.addi %mul3A_46, %add3A_203 : i32
        %broadcast_in_dim3A_205 = vector.broadcast %add3A_204 : i32 to vector<16xi32>
        %swap3A_206 = arith.index_cast %add3A_202 : i32 to index
        %swap3A_207 = tpu.vector_load %arg7[%swap3A_206] {strides = array<i32>} : memref<4112xi32, #tpu.memory_space<vmem>>, vector<16xi32>,
        %swap3A_208 = vector.shape_cast %swap3A_207 : vector<16xi32> to vector<16xi32>
        %swap3A_209 = vector.shape_cast %broadcast_in_dim3A_205 : vector<16xi32> to vector<16xi32>
        tpu.vector_store %arg7[%swap3A_206], %swap3A_209 {strides = array<i32>} : memref<4112xi32, #tpu.memory_space<vmem>>, vector<16xi32>,
        %shift_right_arithmetic3A_210 = arith.constant 10 : i32
        %shift_right_arithmetic3A_211 = arith.shrsi %add3A_78, %shift_right_arithmetic3A_210 : i32
        %and3A_212 = arith.constant 1 : i32
        %and3A_213 = arith.andi %shift_right_arithmetic3A_211, %and3A_212 : i32
        %add3A_214 = arith.addi %add3A_202, %and3A_213 : i32
        %add3A_215 = arith.constant 11 : i32
        %add3A_216 = arith.addi %mul3A_46, %add3A_215 : i32
        %broadcast_in_dim3A_217 = vector.broadcast %add3A_216 : i32 to vector<16xi32>
        %swap3A_218 = arith.index_cast %add3A_214 : i32 to index
        %swap3A_219 = tpu.vector_load %arg7[%swap3A_218] {strides = array<i32>} : memref<4112xi32, #tpu.memory_space<vmem>>, vector<16xi32>,
        %swap3A_220 = vector.shape_cast %swap3A_219 : vector<16xi32> to vector<16xi32>
        %swap3A_221 = vector.shape_cast %broadcast_in_dim3A_217 : vector<16xi32> to vector<16xi32>
        tpu.vector_store %arg7[%swap3A_218], %swap3A_221 {strides = array<i32>} : memref<4112xi32, #tpu.memory_space<vmem>>, vector<16xi32>,
        %shift_right_arithmetic3A_222 = arith.constant 11 : i32
        %shift_right_arithmetic3A_223 = arith.shrsi %add3A_78, %shift_right_arithmetic3A_222 : i32
        %and3A_224 = arith.constant 1 : i32
        %and3A_225 = arith.andi %shift_right_arithmetic3A_223, %and3A_224 : i32
        %add3A_226 = arith.addi %add3A_214, %and3A_225 : i32
        %add3A_227 = arith.constant 12 : i32
        %add3A_228 = arith.addi %mul3A_46, %add3A_227 : i32
        %broadcast_in_dim3A_229 = vector.broadcast %add3A_228 : i32 to vector<16xi32>
        %swap3A_230 = arith.index_cast %add3A_226 : i32 to index
        %swap3A_231 = tpu.vector_load %arg7[%swap3A_230] {strides = array<i32>} : memref<4112xi32, #tpu.memory_space<vmem>>, vector<16xi32>,
        %swap3A_232 = vector.shape_cast %swap3A_231 : vector<16xi32> to vector<16xi32>
        %swap3A_233 = vector.shape_cast %broadcast_in_dim3A_229 : vector<16xi32> to vector<16xi32>
        tpu.vector_store %arg7[%swap3A_230], %swap3A_233 {strides = array<i32>} : memref<4112xi32, #tpu.memory_space<vmem>>, vector<16xi32>,
        %shift_right_arithmetic3A_234 = arith.constant 12 : i32
        %shift_right_arithmetic3A_235 = arith.shrsi %add3A_78, %shift_right_arithmetic3A_234 : i32
        %and3A_236 = arith.constant 1 : i32
        %and3A_237 = arith.andi %shift_right_arithmetic3A_235, %and3A_236 : i32
        %add3A_238 = arith.addi %add3A_226, %and3A_237 : i32
        %add3A_239 = arith.constant 13 : i32
        %add3A_240 = arith.addi %mul3A_46, %add3A_239 : i32
        %broadcast_in_dim3A_241 = vector.broadcast %add3A_240 : i32 to vector<16xi32>
        %swap3A_242 = arith.index_cast %add3A_238 : i32 to index
        %swap3A_243 = tpu.vector_load %arg7[%swap3A_242] {strides = array<i32>} : memref<4112xi32, #tpu.memory_space<vmem>>, vector<16xi32>,
        %swap3A_244 = vector.shape_cast %swap3A_243 : vector<16xi32> to vector<16xi32>
        %swap3A_245 = vector.shape_cast %broadcast_in_dim3A_241 : vector<16xi32> to vector<16xi32>
        tpu.vector_store %arg7[%swap3A_242], %swap3A_245 {strides = array<i32>} : memref<4112xi32, #tpu.memory_space<vmem>>, vector<16xi32>,
        %shift_right_arithmetic3A_246 = arith.constant 13 : i32
        %shift_right_arithmetic3A_247 = arith.shrsi %add3A_78, %shift_right_arithmetic3A_246 : i32
        %and3A_248 = arith.constant 1 : i32
        %and3A_249 = arith.andi %shift_right_arithmetic3A_247, %and3A_248 : i32
        %add3A_250 = arith.addi %add3A_238, %and3A_249 : i32
        %add3A_251 = arith.constant 14 : i32
        %add3A_252 = arith.addi %mul3A_46, %add3A_251 : i32
        %broadcast_in_dim3A_253 = vector.broadcast %add3A_252 : i32 to vector<16xi32>
        %swap3A_254 = arith.index_cast %add3A_250 : i32 to index
        %swap3A_255 = tpu.vector_load %arg7[%swap3A_254] {strides = array<i32>} : memref<4112xi32, #tpu.memory_space<vmem>>, vector<16xi32>,
        %swap3A_256 = vector.shape_cast %swap3A_255 : vector<16xi32> to vector<16xi32>
        %swap3A_257 = vector.shape_cast %broadcast_in_dim3A_253 : vector<16xi32> to vector<16xi32>
        tpu.vector_store %arg7[%swap3A_254], %swap3A_257 {strides = array<i32>} : memref<4112xi32, #tpu.memory_space<vmem>>, vector<16xi32>,
        %shift_right_arithmetic3A_258 = arith.constant 14 : i32
        %shift_right_arithmetic3A_259 = arith.shrsi %add3A_78, %shift_right_arithmetic3A_258 : i32
        %and3A_260 = arith.constant 1 : i32
        %and3A_261 = arith.andi %shift_right_arithmetic3A_259, %and3A_260 : i32
        %add3A_262 = arith.addi %add3A_250, %and3A_261 : i32
        %add3A_263 = arith.constant 15 : i32
        %add3A_264 = arith.addi %mul3A_46, %add3A_263 : i32
        %broadcast_in_dim3A_265 = vector.broadcast %add3A_264 : i32 to vector<16xi32>
        %swap3A_266 = arith.index_cast %add3A_262 : i32 to index
        %swap3A_267 = tpu.vector_load %arg7[%swap3A_266] {strides = array<i32>} : memref<4112xi32, #tpu.memory_space<vmem>>, vector<16xi32>,
        %swap3A_268 = vector.shape_cast %swap3A_267 : vector<16xi32> to vector<16xi32>
        %swap3A_269 = vector.shape_cast %broadcast_in_dim3A_265 : vector<16xi32> to vector<16xi32>
        tpu.vector_store %arg7[%swap3A_266], %swap3A_269 {strides = array<i32>} : memref<4112xi32, #tpu.memory_space<vmem>>, vector<16xi32>,
        %shift_right_arithmetic3A_270 = arith.constant 15 : i32
        %shift_right_arithmetic3A_271 = arith.shrsi %add3A_78, %shift_right_arithmetic3A_270 : i32
        %and3A_272 = arith.constant 1 : i32
        %and3A_273 = arith.andi %shift_right_arithmetic3A_271, %and3A_272 : i32
        %add3A_274 = arith.addi %add3A_262, %and3A_273 : i32
        scf.yield %add3A_274 : i32
      } else {
        scf.yield %scan3A_44 : i32
      }
      scf.yield %cond3A_84 : i32
    }
    %scan3A_15 = arith.constant 256 : i32
    %barrier3A = arith.constant 0 : index
    tpu.barrier barrier_id(%barrier3A)
    %add3A_16 = arith.constant 15 : i32
    %add3A_17 = arith.addi %scan3A_14, %add3A_16 : i32
    %jit3A = arith.constant 16 : i32
    %div3A = arith.divsi %add3A_17, %jit3A : i32
    %sign3A = arith.constant 0 : i32
    %sign3A_18 = arith.cmpi sgt, %add3A_17, %sign3A : i32
    %sign3A_19 = arith.extui %sign3A_18 : i1 to i32
    %sign3A_20 = arith.constant 0 : i32
    %sign3A_21 = arith.cmpi slt, %add3A_17, %sign3A_20 : i32
    %sign3A_22 = arith.extui %sign3A_21 : i1 to i32
    %sign3A_23 = arith.subi %sign3A_19, %sign3A_22 : i32
    %sign3A_24 = arith.constant 0 : i32
    %sign3A_25 = arith.cmpi sgt, %jit3A, %sign3A_24 : i32
    %sign3A_26 = arith.extui %sign3A_25 : i1 to i32
    %sign3A_27 = arith.constant 0 : i32
    %sign3A_28 = arith.cmpi slt, %jit3A, %sign3A_27 : i32
    %sign3A_29 = arith.extui %sign3A_28 : i1 to i32
    %sign3A_30 = arith.subi %sign3A_26, %sign3A_29 : i32
    %ne3A = arith.cmpi ne, %sign3A_23, %sign3A_30 : i32
    %rem3A = arith.remsi %add3A_17, %jit3A : i32
    %ne3A_31 = arith.constant 0 : i32
    %ne3A_32 = arith.cmpi ne, %rem3A, %ne3A_31 : i32
    %and3A = arith.andi %ne3A, %ne3A_32 : i1
    %sub3A = arith.constant 1 : i32
    %sub3A_33 = arith.subi %div3A, %sub3A : i32
    %select_n3A = arith.select %and3A, %sub3A_33, %div3A : i32
    %while3A = arith.constant 0 : i32
    %while3A_34 = arith.constant 0 : i32
    %while3A_35 = arith.subi %select_n3A, %while3A_34 : i32
    %while3A_36 = arith.addi %while3A_34, %while3A_35 : i32
    %while3A_37 = arith.constant 1 : i32
    %while3A_38 = arith.divsi %while3A_35, %while3A_37 : i32
    %while3A_39 = arith.muli %while3A_38, %while3A_37 : i32
    %while3A_40 = arith.addi %while3A_34, %while3A_39 : i32
    %while3A_41 = arith.constant 1 : i32
    scf.for %while3A_43 = %while3A_34 to %while3A_40 step %while3A_41  : i32 {
      %mul3A_44 = arith.constant 16 : i32
      %mul3A_45 = arith.muli %while3A_43, %mul3A_44 : i32
      %multiple_of3A = tpu.assume_multiple %mul3A_45, 16 : i32
      %get3A = arith.index_cast %multiple_of3A : i32 to index
      %get3A_46 = tpu.vector_load %arg7[%get3A] {strides = array<i32>} : memref<4112xi32, #tpu.memory_space<vmem>>, vector<16xi32>,
      %get3A_47 = vector.shape_cast %get3A_46 : vector<16xi32> to vector<16xi32>
      %max3A = arith.constant 0 : i32
      %max3A_48 = vector.broadcast %max3A : i32 to vector<16xi32>
      %max3A_49 = arith.maxsi %get3A_47, %max3A_48 : vector<16xi32>
      %min3A = arith.constant 4095 : i32
      %min3A_50 = vector.broadcast %min3A : i32 to vector<16xi32>
      %min3A_51 = arith.minsi %max3A_49, %min3A_50 : vector<16xi32>
      %slice3A = vector.extract_strided_slice %min3A_51 {offsets = [0], sizes = [1], strides = [1]} : vector<16xi32> to vector<1xi32>
      %squeeze3A = vector.extract %slice3A[0] : i32 from vector<1xi32>
      %dma_start3A = arith.constant 0 : i32
      %dma_start3A_52 = arith.constant 0 : i32
      %dma_start3A_53 = tpu.memref_slice %arg9[%dma_start3A, %dma_start3A_52] : memref<16x128xf32, #tpu.memory_space<vmem>> -> memref<1x128xf32, #tpu.memory_space<vmem>>
      %dma_start3A_54 = arith.constant 0 : i32
      %dma_start3A_55 = tpu.memref_slice %arg10[%squeeze3A, %dma_start3A_54] : memref<4096x128xf32, #tpu.memory_space<vmem_shared>> -> memref<1x128xf32, #tpu.memory_space<vmem_shared>>
      %dma_start3A_56 = arith.constant 0 : i32
      %dma_start3A_57 = arith.constant 0 : i32
      %dma_start3A_58 = tpu.memref_slice %arg9[%dma_start3A_56, %dma_start3A_57] : memref<16x128xf32, #tpu.memory_space<vmem>> -> memref<1x128xf32, #tpu.memory_space<vmem>>
      %dma_start3A_59 = arith.constant 0 : i32
      %dma_start3A_60 = tpu.memref_slice %arg10[%squeeze3A, %dma_start3A_59] : memref<4096x128xf32, #tpu.memory_space<vmem_shared>> -> memref<1x128xf32, #tpu.memory_space<vmem_shared>>
      tpu.enqueue_dma source(%dma_start3A_60 : memref<1x128xf32, #tpu.memory_space<vmem_shared>>) target(%dma_start3A_58 : memref<1x128xf32, #tpu.memory_space<vmem>>) target_semaphore(%arg11 : memref<!tpu.dma_semaphore, #tpu.memory_space<semaphore_mem>>)
      %slice3A_61 = vector.extract_strided_slice %min3A_51 {offsets = [1], sizes = [1], strides = [1]} : vector<16xi32> to vector<1xi32>
      %squeeze3A_62 = vector.extract %slice3A_61[0] : i32 from vector<1xi32>
      %dma_start3A_63 = arith.constant 1 : i32
      %dma_start3A_64 = arith.constant 0 : i32
      %dma_start3A_65 = tpu.memref_slice %arg9[%dma_start3A_63, %dma_start3A_64] : memref<16x128xf32, #tpu.memory_space<vmem>> -> memref<1x128xf32, #tpu.memory_space<vmem>>
      %dma_start3A_66 = arith.constant 0 : i32
      %dma_start3A_67 = tpu.memref_slice %arg10[%squeeze3A_62, %dma_start3A_66] : memref<4096x128xf32, #tpu.memory_space<vmem_shared>> -> memref<1x128xf32, #tpu.memory_space<vmem_shared>>
      %dma_start3A_68 = arith.constant 1 : i32
      %dma_start3A_69 = arith.constant 0 : i32
      %dma_start3A_70 = tpu.memref_slice %arg9[%dma_start3A_68, %dma_start3A_69] : memref<16x128xf32, #tpu.memory_space<vmem>> -> memref<1x128xf32, #tpu.memory_space<vmem>>
      %dma_start3A_71 = arith.constant 0 : i32
      %dma_start3A_72 = tpu.memref_slice %arg10[%squeeze3A_62, %dma_start3A_71] : memref<4096x128xf32, #tpu.memory_space<vmem_shared>> -> memref<1x128xf32, #tpu.memory_space<vmem_shared>>
      tpu.enqueue_dma source(%dma_start3A_72 : memref<1x128xf32, #tpu.memory_space<vmem_shared>>) target(%dma_start3A_70 : memref<1x128xf32, #tpu.memory_space<vmem>>) target_semaphore(%arg11 : memref<!tpu.dma_semaphore, #tpu.memory_space<semaphore_mem>>)
      %slice3A_73 = vector.extract_strided_slice %min3A_51 {offsets = [2], sizes = [1], strides = [1]} : vector<16xi32> to vector<1xi32>
      %squeeze3A_74 = vector.extract %slice3A_73[0] : i32 from vector<1xi32>
      %dma_start3A_75 = arith.constant 2 : i32
      %dma_start3A_76 = arith.constant 0 : i32
      %dma_start3A_77 = tpu.memref_slice %arg9[%dma_start3A_75, %dma_start3A_76] : memref<16x128xf32, #tpu.memory_space<vmem>> -> memref<1x128xf32, #tpu.memory_space<vmem>>
      %dma_start3A_78 = arith.constant 0 : i32
      %dma_start3A_79 = tpu.memref_slice %arg10[%squeeze3A_74, %dma_start3A_78] : memref<4096x128xf32, #tpu.memory_space<vmem_shared>> -> memref<1x128xf32, #tpu.memory_space<vmem_shared>>
      %dma_start3A_80 = arith.constant 2 : i32
      %dma_start3A_81 = arith.constant 0 : i32
      %dma_start3A_82 = tpu.memref_slice %arg9[%dma_start3A_80, %dma_start3A_81] : memref<16x128xf32, #tpu.memory_space<vmem>> -> memref<1x128xf32, #tpu.memory_space<vmem>>
      %dma_start3A_83 = arith.constant 0 : i32
      %dma_start3A_84 = tpu.memref_slice %arg10[%squeeze3A_74, %dma_start3A_83] : memref<4096x128xf32, #tpu.memory_space<vmem_shared>> -> memref<1x128xf32, #tpu.memory_space<vmem_shared>>
      tpu.enqueue_dma source(%dma_start3A_84 : memref<1x128xf32, #tpu.memory_space<vmem_shared>>) target(%dma_start3A_82 : memref<1x128xf32, #tpu.memory_space<vmem>>) target_semaphore(%arg11 : memref<!tpu.dma_semaphore, #tpu.memory_space<semaphore_mem>>)
      %slice3A_85 = vector.extract_strided_slice %min3A_51 {offsets = [3], sizes = [1], strides = [1]} : vector<16xi32> to vector<1xi32>
      %squeeze3A_86 = vector.extract %slice3A_85[0] : i32 from vector<1xi32>
      %dma_start3A_87 = arith.constant 3 : i32
      %dma_start3A_88 = arith.constant 0 : i32
      %dma_start3A_89 = tpu.memref_slice %arg9[%dma_start3A_87, %dma_start3A_88] : memref<16x128xf32, #tpu.memory_space<vmem>> -> memref<1x128xf32, #tpu.memory_space<vmem>>
      %dma_start3A_90 = arith.constant 0 : i32
      %dma_start3A_91 = tpu.memref_slice %arg10[%squeeze3A_86, %dma_start3A_90] : memref<4096x128xf32, #tpu.memory_space<vmem_shared>> -> memref<1x128xf32, #tpu.memory_space<vmem_shared>>
      %dma_start3A_92 = arith.constant 3 : i32
      %dma_start3A_93 = arith.constant 0 : i32
      %dma_start3A_94 = tpu.memref_slice %arg9[%dma_start3A_92, %dma_start3A_93] : memref<16x128xf32, #tpu.memory_space<vmem>> -> memref<1x128xf32, #tpu.memory_space<vmem>>
      %dma_start3A_95 = arith.constant 0 : i32
      %dma_start3A_96 = tpu.memref_slice %arg10[%squeeze3A_86, %dma_start3A_95] : memref<4096x128xf32, #tpu.memory_space<vmem_shared>> -> memref<1x128xf32, #tpu.memory_space<vmem_shared>>
      tpu.enqueue_dma source(%dma_start3A_96 : memref<1x128xf32, #tpu.memory_space<vmem_shared>>) target(%dma_start3A_94 : memref<1x128xf32, #tpu.memory_space<vmem>>) target_semaphore(%arg11 : memref<!tpu.dma_semaphore, #tpu.memory_space<semaphore_mem>>)
      %slice3A_97 = vector.extract_strided_slice %min3A_51 {offsets = [4], sizes = [1], strides = [1]} : vector<16xi32> to vector<1xi32>
      %squeeze3A_98 = vector.extract %slice3A_97[0] : i32 from vector<1xi32>
      %dma_start3A_99 = arith.constant 4 : i32
      %dma_start3A_100 = arith.constant 0 : i32
      %dma_start3A_101 = tpu.memref_slice %arg9[%dma_start3A_99, %dma_start3A_100] : memref<16x128xf32, #tpu.memory_space<vmem>> -> memref<1x128xf32, #tpu.memory_space<vmem>>
      %dma_start3A_102 = arith.constant 0 : i32
      %dma_start3A_103 = tpu.memref_slice %arg10[%squeeze3A_98, %dma_start3A_102] : memref<4096x128xf32, #tpu.memory_space<vmem_shared>> -> memref<1x128xf32, #tpu.memory_space<vmem_shared>>
      %dma_start3A_104 = arith.constant 4 : i32
      %dma_start3A_105 = arith.constant 0 : i32
      %dma_start3A_106 = tpu.memref_slice %arg9[%dma_start3A_104, %dma_start3A_105] : memref<16x128xf32, #tpu.memory_space<vmem>> -> memref<1x128xf32, #tpu.memory_space<vmem>>
      %dma_start3A_107 = arith.constant 0 : i32
      %dma_start3A_108 = tpu.memref_slice %arg10[%squeeze3A_98, %dma_start3A_107] : memref<4096x128xf32, #tpu.memory_space<vmem_shared>> -> memref<1x128xf32, #tpu.memory_space<vmem_shared>>
      tpu.enqueue_dma source(%dma_start3A_108 : memref<1x128xf32, #tpu.memory_space<vmem_shared>>) target(%dma_start3A_106 : memref<1x128xf32, #tpu.memory_space<vmem>>) target_semaphore(%arg11 : memref<!tpu.dma_semaphore, #tpu.memory_space<semaphore_mem>>)
      %slice3A_109 = vector.extract_strided_slice %min3A_51 {offsets = [5], sizes = [1], strides = [1]} : vector<16xi32> to vector<1xi32>
      %squeeze3A_110 = vector.extract %slice3A_109[0] : i32 from vector<1xi32>
      %dma_start3A_111 = arith.constant 5 : i32
      %dma_start3A_112 = arith.constant 0 : i32
      %dma_start3A_113 = tpu.memref_slice %arg9[%dma_start3A_111, %dma_start3A_112] : memref<16x128xf32, #tpu.memory_space<vmem>> -> memref<1x128xf32, #tpu.memory_space<vmem>>
      %dma_start3A_114 = arith.constant 0 : i32
      %dma_start3A_115 = tpu.memref_slice %arg10[%squeeze3A_110, %dma_start3A_114] : memref<4096x128xf32, #tpu.memory_space<vmem_shared>> -> memref<1x128xf32, #tpu.memory_space<vmem_shared>>
      %dma_start3A_116 = arith.constant 5 : i32
      %dma_start3A_117 = arith.constant 0 : i32
      %dma_start3A_118 = tpu.memref_slice %arg9[%dma_start3A_116, %dma_start3A_117] : memref<16x128xf32, #tpu.memory_space<vmem>> -> memref<1x128xf32, #tpu.memory_space<vmem>>
      %dma_start3A_119 = arith.constant 0 : i32
      %dma_start3A_120 = tpu.memref_slice %arg10[%squeeze3A_110, %dma_start3A_119] : memref<4096x128xf32, #tpu.memory_space<vmem_shared>> -> memref<1x128xf32, #tpu.memory_space<vmem_shared>>
      tpu.enqueue_dma source(%dma_start3A_120 : memref<1x128xf32, #tpu.memory_space<vmem_shared>>) target(%dma_start3A_118 : memref<1x128xf32, #tpu.memory_space<vmem>>) target_semaphore(%arg11 : memref<!tpu.dma_semaphore, #tpu.memory_space<semaphore_mem>>)
      %slice3A_121 = vector.extract_strided_slice %min3A_51 {offsets = [6], sizes = [1], strides = [1]} : vector<16xi32> to vector<1xi32>
      %squeeze3A_122 = vector.extract %slice3A_121[0] : i32 from vector<1xi32>
      %dma_start3A_123 = arith.constant 6 : i32
      %dma_start3A_124 = arith.constant 0 : i32
      %dma_start3A_125 = tpu.memref_slice %arg9[%dma_start3A_123, %dma_start3A_124] : memref<16x128xf32, #tpu.memory_space<vmem>> -> memref<1x128xf32, #tpu.memory_space<vmem>>
      %dma_start3A_126 = arith.constant 0 : i32
      %dma_start3A_127 = tpu.memref_slice %arg10[%squeeze3A_122, %dma_start3A_126] : memref<4096x128xf32, #tpu.memory_space<vmem_shared>> -> memref<1x128xf32, #tpu.memory_space<vmem_shared>>
      %dma_start3A_128 = arith.constant 6 : i32
      %dma_start3A_129 = arith.constant 0 : i32
      %dma_start3A_130 = tpu.memref_slice %arg9[%dma_start3A_128, %dma_start3A_129] : memref<16x128xf32, #tpu.memory_space<vmem>> -> memref<1x128xf32, #tpu.memory_space<vmem>>
      %dma_start3A_131 = arith.constant 0 : i32
      %dma_start3A_132 = tpu.memref_slice %arg10[%squeeze3A_122, %dma_start3A_131] : memref<4096x128xf32, #tpu.memory_space<vmem_shared>> -> memref<1x128xf32, #tpu.memory_space<vmem_shared>>
      tpu.enqueue_dma source(%dma_start3A_132 : memref<1x128xf32, #tpu.memory_space<vmem_shared>>) target(%dma_start3A_130 : memref<1x128xf32, #tpu.memory_space<vmem>>) target_semaphore(%arg11 : memref<!tpu.dma_semaphore, #tpu.memory_space<semaphore_mem>>)
      %slice3A_133 = vector.extract_strided_slice %min3A_51 {offsets = [7], sizes = [1], strides = [1]} : vector<16xi32> to vector<1xi32>
      %squeeze3A_134 = vector.extract %slice3A_133[0] : i32 from vector<1xi32>
      %dma_start3A_135 = arith.constant 7 : i32
      %dma_start3A_136 = arith.constant 0 : i32
      %dma_start3A_137 = tpu.memref_slice %arg9[%dma_start3A_135, %dma_start3A_136] : memref<16x128xf32, #tpu.memory_space<vmem>> -> memref<1x128xf32, #tpu.memory_space<vmem>>
      %dma_start3A_138 = arith.constant 0 : i32
      %dma_start3A_139 = tpu.memref_slice %arg10[%squeeze3A_134, %dma_start3A_138] : memref<4096x128xf32, #tpu.memory_space<vmem_shared>> -> memref<1x128xf32, #tpu.memory_space<vmem_shared>>
      %dma_start3A_140 = arith.constant 7 : i32
      %dma_start3A_141 = arith.constant 0 : i32
      %dma_start3A_142 = tpu.memref_slice %arg9[%dma_start3A_140, %dma_start3A_141] : memref<16x128xf32, #tpu.memory_space<vmem>> -> memref<1x128xf32, #tpu.memory_space<vmem>>
      %dma_start3A_143 = arith.constant 0 : i32
      %dma_start3A_144 = tpu.memref_slice %arg10[%squeeze3A_134, %dma_start3A_143] : memref<4096x128xf32, #tpu.memory_space<vmem_shared>> -> memref<1x128xf32, #tpu.memory_space<vmem_shared>>
      tpu.enqueue_dma source(%dma_start3A_144 : memref<1x128xf32, #tpu.memory_space<vmem_shared>>) target(%dma_start3A_142 : memref<1x128xf32, #tpu.memory_space<vmem>>) target_semaphore(%arg11 : memref<!tpu.dma_semaphore, #tpu.memory_space<semaphore_mem>>)
      %slice3A_145 = vector.extract_strided_slice %min3A_51 {offsets = [8], sizes = [1], strides = [1]} : vector<16xi32> to vector<1xi32>
      %squeeze3A_146 = vector.extract %slice3A_145[0] : i32 from vector<1xi32>
      %dma_start3A_147 = arith.constant 8 : i32
      %dma_start3A_148 = arith.constant 0 : i32
      %dma_start3A_149 = tpu.memref_slice %arg9[%dma_start3A_147, %dma_start3A_148] : memref<16x128xf32, #tpu.memory_space<vmem>> -> memref<1x128xf32, #tpu.memory_space<vmem>>
      %dma_start3A_150 = arith.constant 0 : i32
      %dma_start3A_151 = tpu.memref_slice %arg10[%squeeze3A_146, %dma_start3A_150] : memref<4096x128xf32, #tpu.memory_space<vmem_shared>> -> memref<1x128xf32, #tpu.memory_space<vmem_shared>>
      %dma_start3A_152 = arith.constant 8 : i32
      %dma_start3A_153 = arith.constant 0 : i32
      %dma_start3A_154 = tpu.memref_slice %arg9[%dma_start3A_152, %dma_start3A_153] : memref<16x128xf32, #tpu.memory_space<vmem>> -> memref<1x128xf32, #tpu.memory_space<vmem>>
      %dma_start3A_155 = arith.constant 0 : i32
      %dma_start3A_156 = tpu.memref_slice %arg10[%squeeze3A_146, %dma_start3A_155] : memref<4096x128xf32, #tpu.memory_space<vmem_shared>> -> memref<1x128xf32, #tpu.memory_space<vmem_shared>>
      tpu.enqueue_dma source(%dma_start3A_156 : memref<1x128xf32, #tpu.memory_space<vmem_shared>>) target(%dma_start3A_154 : memref<1x128xf32, #tpu.memory_space<vmem>>) target_semaphore(%arg11 : memref<!tpu.dma_semaphore, #tpu.memory_space<semaphore_mem>>)
      %slice3A_157 = vector.extract_strided_slice %min3A_51 {offsets = [9], sizes = [1], strides = [1]} : vector<16xi32> to vector<1xi32>
      %squeeze3A_158 = vector.extract %slice3A_157[0] : i32 from vector<1xi32>
      %dma_start3A_159 = arith.constant 9 : i32
      %dma_start3A_160 = arith.constant 0 : i32
      %dma_start3A_161 = tpu.memref_slice %arg9[%dma_start3A_159, %dma_start3A_160] : memref<16x128xf32, #tpu.memory_space<vmem>> -> memref<1x128xf32, #tpu.memory_space<vmem>>
      %dma_start3A_162 = arith.constant 0 : i32
      %dma_start3A_163 = tpu.memref_slice %arg10[%squeeze3A_158, %dma_start3A_162] : memref<4096x128xf32, #tpu.memory_space<vmem_shared>> -> memref<1x128xf32, #tpu.memory_space<vmem_shared>>
      %dma_start3A_164 = arith.constant 9 : i32
      %dma_start3A_165 = arith.constant 0 : i32
      %dma_start3A_166 = tpu.memref_slice %arg9[%dma_start3A_164, %dma_start3A_165] : memref<16x128xf32, #tpu.memory_space<vmem>> -> memref<1x128xf32, #tpu.memory_space<vmem>>
      %dma_start3A_167 = arith.constant 0 : i32
      %dma_start3A_168 = tpu.memref_slice %arg10[%squeeze3A_158, %dma_start3A_167] : memref<4096x128xf32, #tpu.memory_space<vmem_shared>> -> memref<1x128xf32, #tpu.memory_space<vmem_shared>>
      tpu.enqueue_dma source(%dma_start3A_168 : memref<1x128xf32, #tpu.memory_space<vmem_shared>>) target(%dma_start3A_166 : memref<1x128xf32, #tpu.memory_space<vmem>>) target_semaphore(%arg11 : memref<!tpu.dma_semaphore, #tpu.memory_space<semaphore_mem>>)
      %slice3A_169 = vector.extract_strided_slice %min3A_51 {offsets = [10], sizes = [1], strides = [1]} : vector<16xi32> to vector<1xi32>
      %squeeze3A_170 = vector.extract %slice3A_169[0] : i32 from vector<1xi32>
      %dma_start3A_171 = arith.constant 10 : i32
      %dma_start3A_172 = arith.constant 0 : i32
      %dma_start3A_173 = tpu.memref_slice %arg9[%dma_start3A_171, %dma_start3A_172] : memref<16x128xf32, #tpu.memory_space<vmem>> -> memref<1x128xf32, #tpu.memory_space<vmem>>
      %dma_start3A_174 = arith.constant 0 : i32
      %dma_start3A_175 = tpu.memref_slice %arg10[%squeeze3A_170, %dma_start3A_174] : memref<4096x128xf32, #tpu.memory_space<vmem_shared>> -> memref<1x128xf32, #tpu.memory_space<vmem_shared>>
      %dma_start3A_176 = arith.constant 10 : i32
      %dma_start3A_177 = arith.constant 0 : i32
      %dma_start3A_178 = tpu.memref_slice %arg9[%dma_start3A_176, %dma_start3A_177] : memref<16x128xf32, #tpu.memory_space<vmem>> -> memref<1x128xf32, #tpu.memory_space<vmem>>
      %dma_start3A_179 = arith.constant 0 : i32
      %dma_start3A_180 = tpu.memref_slice %arg10[%squeeze3A_170, %dma_start3A_179] : memref<4096x128xf32, #tpu.memory_space<vmem_shared>> -> memref<1x128xf32, #tpu.memory_space<vmem_shared>>
      tpu.enqueue_dma source(%dma_start3A_180 : memref<1x128xf32, #tpu.memory_space<vmem_shared>>) target(%dma_start3A_178 : memref<1x128xf32, #tpu.memory_space<vmem>>) target_semaphore(%arg11 : memref<!tpu.dma_semaphore, #tpu.memory_space<semaphore_mem>>)
      %slice3A_181 = vector.extract_strided_slice %min3A_51 {offsets = [11], sizes = [1], strides = [1]} : vector<16xi32> to vector<1xi32>
      %squeeze3A_182 = vector.extract %slice3A_181[0] : i32 from vector<1xi32>
      %dma_start3A_183 = arith.constant 11 : i32
      %dma_start3A_184 = arith.constant 0 : i32
      %dma_start3A_185 = tpu.memref_slice %arg9[%dma_start3A_183, %dma_start3A_184] : memref<16x128xf32, #tpu.memory_space<vmem>> -> memref<1x128xf32, #tpu.memory_space<vmem>>
      %dma_start3A_186 = arith.constant 0 : i32
      %dma_start3A_187 = tpu.memref_slice %arg10[%squeeze3A_182, %dma_start3A_186] : memref<4096x128xf32, #tpu.memory_space<vmem_shared>> -> memref<1x128xf32, #tpu.memory_space<vmem_shared>>
      %dma_start3A_188 = arith.constant 11 : i32
      %dma_start3A_189 = arith.constant 0 : i32
      %dma_start3A_190 = tpu.memref_slice %arg9[%dma_start3A_188, %dma_start3A_189] : memref<16x128xf32, #tpu.memory_space<vmem>> -> memref<1x128xf32, #tpu.memory_space<vmem>>
      %dma_start3A_191 = arith.constant 0 : i32
      %dma_start3A_192 = tpu.memref_slice %arg10[%squeeze3A_182, %dma_start3A_191] : memref<4096x128xf32, #tpu.memory_space<vmem_shared>> -> memref<1x128xf32, #tpu.memory_space<vmem_shared>>
      tpu.enqueue_dma source(%dma_start3A_192 : memref<1x128xf32, #tpu.memory_space<vmem_shared>>) target(%dma_start3A_190 : memref<1x128xf32, #tpu.memory_space<vmem>>) target_semaphore(%arg11 : memref<!tpu.dma_semaphore, #tpu.memory_space<semaphore_mem>>)
      %slice3A_193 = vector.extract_strided_slice %min3A_51 {offsets = [12], sizes = [1], strides = [1]} : vector<16xi32> to vector<1xi32>
      %squeeze3A_194 = vector.extract %slice3A_193[0] : i32 from vector<1xi32>
      %dma_start3A_195 = arith.constant 12 : i32
      %dma_start3A_196 = arith.constant 0 : i32
      %dma_start3A_197 = tpu.memref_slice %arg9[%dma_start3A_195, %dma_start3A_196] : memref<16x128xf32, #tpu.memory_space<vmem>> -> memref<1x128xf32, #tpu.memory_space<vmem>>
      %dma_start3A_198 = arith.constant 0 : i32
      %dma_start3A_199 = tpu.memref_slice %arg10[%squeeze3A_194, %dma_start3A_198] : memref<4096x128xf32, #tpu.memory_space<vmem_shared>> -> memref<1x128xf32, #tpu.memory_space<vmem_shared>>
      %dma_start3A_200 = arith.constant 12 : i32
      %dma_start3A_201 = arith.constant 0 : i32
      %dma_start3A_202 = tpu.memref_slice %arg9[%dma_start3A_200, %dma_start3A_201] : memref<16x128xf32, #tpu.memory_space<vmem>> -> memref<1x128xf32, #tpu.memory_space<vmem>>
      %dma_start3A_203 = arith.constant 0 : i32
      %dma_start3A_204 = tpu.memref_slice %arg10[%squeeze3A_194, %dma_start3A_203] : memref<4096x128xf32, #tpu.memory_space<vmem_shared>> -> memref<1x128xf32, #tpu.memory_space<vmem_shared>>
      tpu.enqueue_dma source(%dma_start3A_204 : memref<1x128xf32, #tpu.memory_space<vmem_shared>>) target(%dma_start3A_202 : memref<1x128xf32, #tpu.memory_space<vmem>>) target_semaphore(%arg11 : memref<!tpu.dma_semaphore, #tpu.memory_space<semaphore_mem>>)
      %slice3A_205 = vector.extract_strided_slice %min3A_51 {offsets = [13], sizes = [1], strides = [1]} : vector<16xi32> to vector<1xi32>
      %squeeze3A_206 = vector.extract %slice3A_205[0] : i32 from vector<1xi32>
      %dma_start3A_207 = arith.constant 13 : i32
      %dma_start3A_208 = arith.constant 0 : i32
      %dma_start3A_209 = tpu.memref_slice %arg9[%dma_start3A_207, %dma_start3A_208] : memref<16x128xf32, #tpu.memory_space<vmem>> -> memref<1x128xf32, #tpu.memory_space<vmem>>
      %dma_start3A_210 = arith.constant 0 : i32
      %dma_start3A_211 = tpu.memref_slice %arg10[%squeeze3A_206, %dma_start3A_210] : memref<4096x128xf32, #tpu.memory_space<vmem_shared>> -> memref<1x128xf32, #tpu.memory_space<vmem_shared>>
      %dma_start3A_212 = arith.constant 13 : i32
      %dma_start3A_213 = arith.constant 0 : i32
      %dma_start3A_214 = tpu.memref_slice %arg9[%dma_start3A_212, %dma_start3A_213] : memref<16x128xf32, #tpu.memory_space<vmem>> -> memref<1x128xf32, #tpu.memory_space<vmem>>
      %dma_start3A_215 = arith.constant 0 : i32
      %dma_start3A_216 = tpu.memref_slice %arg10[%squeeze3A_206, %dma_start3A_215] : memref<4096x128xf32, #tpu.memory_space<vmem_shared>> -> memref<1x128xf32, #tpu.memory_space<vmem_shared>>
      tpu.enqueue_dma source(%dma_start3A_216 : memref<1x128xf32, #tpu.memory_space<vmem_shared>>) target(%dma_start3A_214 : memref<1x128xf32, #tpu.memory_space<vmem>>) target_semaphore(%arg11 : memref<!tpu.dma_semaphore, #tpu.memory_space<semaphore_mem>>)
      %slice3A_217 = vector.extract_strided_slice %min3A_51 {offsets = [14], sizes = [1], strides = [1]} : vector<16xi32> to vector<1xi32>
      %squeeze3A_218 = vector.extract %slice3A_217[0] : i32 from vector<1xi32>
      %dma_start3A_219 = arith.constant 14 : i32
      %dma_start3A_220 = arith.constant 0 : i32
      %dma_start3A_221 = tpu.memref_slice %arg9[%dma_start3A_219, %dma_start3A_220] : memref<16x128xf32, #tpu.memory_space<vmem>> -> memref<1x128xf32, #tpu.memory_space<vmem>>
      %dma_start3A_222 = arith.constant 0 : i32
      %dma_start3A_223 = tpu.memref_slice %arg10[%squeeze3A_218, %dma_start3A_222] : memref<4096x128xf32, #tpu.memory_space<vmem_shared>> -> memref<1x128xf32, #tpu.memory_space<vmem_shared>>
      %dma_start3A_224 = arith.constant 14 : i32
      %dma_start3A_225 = arith.constant 0 : i32
      %dma_start3A_226 = tpu.memref_slice %arg9[%dma_start3A_224, %dma_start3A_225] : memref<16x128xf32, #tpu.memory_space<vmem>> -> memref<1x128xf32, #tpu.memory_space<vmem>>
      %dma_start3A_227 = arith.constant 0 : i32
      %dma_start3A_228 = tpu.memref_slice %arg10[%squeeze3A_218, %dma_start3A_227] : memref<4096x128xf32, #tpu.memory_space<vmem_shared>> -> memref<1x128xf32, #tpu.memory_space<vmem_shared>>
      tpu.enqueue_dma source(%dma_start3A_228 : memref<1x128xf32, #tpu.memory_space<vmem_shared>>) target(%dma_start3A_226 : memref<1x128xf32, #tpu.memory_space<vmem>>) target_semaphore(%arg11 : memref<!tpu.dma_semaphore, #tpu.memory_space<semaphore_mem>>)
      %slice3A_229 = vector.extract_strided_slice %min3A_51 {offsets = [15], sizes = [1], strides = [1]} : vector<16xi32> to vector<1xi32>
      %squeeze3A_230 = vector.extract %slice3A_229[0] : i32 from vector<1xi32>
      %dma_start3A_231 = arith.constant 15 : i32
      %dma_start3A_232 = arith.constant 0 : i32
      %dma_start3A_233 = tpu.memref_slice %arg9[%dma_start3A_231, %dma_start3A_232] : memref<16x128xf32, #tpu.memory_space<vmem>> -> memref<1x128xf32, #tpu.memory_space<vmem>>
      %dma_start3A_234 = arith.constant 0 : i32
      %dma_start3A_235 = tpu.memref_slice %arg10[%squeeze3A_230, %dma_start3A_234] : memref<4096x128xf32, #tpu.memory_space<vmem_shared>> -> memref<1x128xf32, #tpu.memory_space<vmem_shared>>
      %dma_start3A_236 = arith.constant 15 : i32
      %dma_start3A_237 = arith.constant 0 : i32
      %dma_start3A_238 = tpu.memref_slice %arg9[%dma_start3A_236, %dma_start3A_237] : memref<16x128xf32, #tpu.memory_space<vmem>> -> memref<1x128xf32, #tpu.memory_space<vmem>>
      %dma_start3A_239 = arith.constant 0 : i32
      %dma_start3A_240 = tpu.memref_slice %arg10[%squeeze3A_230, %dma_start3A_239] : memref<4096x128xf32, #tpu.memory_space<vmem_shared>> -> memref<1x128xf32, #tpu.memory_space<vmem_shared>>
      tpu.enqueue_dma source(%dma_start3A_240 : memref<1x128xf32, #tpu.memory_space<vmem_shared>>) target(%dma_start3A_238 : memref<1x128xf32, #tpu.memory_space<vmem>>) target_semaphore(%arg11 : memref<!tpu.dma_semaphore, #tpu.memory_space<semaphore_mem>>)
      %dma_wait3A = arith.constant 0 : i32
      %dma_wait3A_241 = arith.constant 0 : i32
      %dma_wait3A_242 = tpu.memref_slice %arg10[%dma_wait3A, %dma_wait3A_241] : memref<4096x128xf32, #tpu.memory_space<vmem_shared>> -> memref<16x128xf32, #tpu.memory_space<vmem_shared>>
      %dma_wait3A_243 = arith.constant 0 : i32
      %dma_wait3A_244 = arith.constant 0 : i32
      %dma_wait3A_245 = tpu.memref_slice %arg10[%dma_wait3A_243, %dma_wait3A_244] : memref<4096x128xf32, #tpu.memory_space<vmem_shared>> -> memref<16x128xf32, #tpu.memory_space<vmem_shared>>
      tpu.wait_dma2 semaphore(%arg11 : memref<!tpu.dma_semaphore, #tpu.memory_space<semaphore_mem>>) src(%dma_wait3A_245 : memref<16x128xf32, #tpu.memory_space<vmem_shared>>) dst(%arg9 : memref<16x128xf32, #tpu.memory_space<vmem>>)
      %sub3A_246 = arith.subi %scan3A_14, %multiple_of3A : i32
      %min3A_247 = arith.constant 16 : i32
      %min3A_248 = arith.minsi %sub3A_246, %min3A_247 : i32
      %while3A_249 = arith.constant 0 : i32
      %while3A_250 = arith.constant 0 : i32
      %while3A_251 = arith.subi %min3A_248, %while3A_250 : i32
      %while3A_252 = arith.addi %while3A_250, %while3A_251 : i32
      %while3A_253 = arith.constant 1 : i32
      %while3A_254 = arith.divsi %while3A_251, %while3A_253 : i32
      %while3A_255 = arith.muli %while3A_254, %while3A_253 : i32
      %while3A_256 = arith.addi %while3A_250, %while3A_255 : i32
      %while3A_257 = arith.constant 1 : i32
      scf.for %while3A_259 = %while3A_250 to %while3A_256 step %while3A_257  : i32 {
        %add3A_260 = arith.addi %multiple_of3A, %while3A_259 : i32
        %get3A_261 = arith.index_cast %add3A_260 : i32 to index
        %get3A_262 = tpu.vector_load %arg7[%get3A_261] {strides = array<i32>} : memref<4112xi32, #tpu.memory_space<vmem>>, vector<16xi32>,
        %get3A_263 = vector.shape_cast %get3A_262 : vector<16xi32> to vector<16xi32>
        %slice3A_264 = vector.extract_strided_slice %get3A_263 {offsets = [0], sizes = [1], strides = [1]} : vector<16xi32> to vector<1xi32>
        %squeeze3A_265 = vector.extract %slice3A_264[0] : i32 from vector<1xi32>
        %get3A_266 = arith.index_cast %squeeze3A_265 : i32 to index
        %get3A_267 = tpu.vector_load %arg6[%get3A_266] {strides = array<i32>} : memref<4112xi32, #tpu.memory_space<vmem>>, vector<16xi32>,
        %get3A_268 = vector.shape_cast %get3A_267 : vector<16xi32> to vector<16xi32>
        %slice3A_269 = vector.extract_strided_slice %get3A_268 {offsets = [0], sizes = [1], strides = [1]} : vector<16xi32> to vector<1xi32>
        %squeeze3A_270 = vector.extract %slice3A_269[0] : i32 from vector<1xi32>
        %sub3A_271 = arith.subi %squeeze3A_270, %mul3A_2 : i32
        %broadcast_in_dim3A_272 = arith.constant 0.000000e+00 : f32
        %broadcast_in_dim3A_273 = vector.broadcast %broadcast_in_dim3A_272 : f32 to vector<16xf32>
        %get3A_274 = arith.index_cast %sub3A_271 : i32 to index
        %get3A_275 = arith.constant 0 : index
        %get3A_276 = tpu.vector_load %arg8[%get3A_274, %get3A_275] {strides = array<i32>} : memref<32x128xf32, #tpu.memory_space<vmem>>, vector<1x16xf32>,
        %get3A_277 = vector.shape_cast %get3A_276 : vector<1x16xf32> to vector<16xf32>
        %get3A_278 = arith.index_cast %while3A_259 : i32 to index
        %get3A_279 = arith.constant 0 : index
        %get3A_280 = tpu.vector_load %arg9[%get3A_278, %get3A_279] {strides = array<i32>} : memref<16x128xf32, #tpu.memory_space<vmem>>, vector<1x16xf32>,
        %get3A_281 = vector.shape_cast %get3A_280 : vector<1x16xf32> to vector<16xf32>
        %mul3A_282 = arith.constant 9.900000e-01 : f32
        %mul3A_283 = vector.broadcast %mul3A_282 : f32 to vector<16xf32>
        %mul3A_284 = arith.mulf %get3A_277, %mul3A_283 : vector<16xf32>
        %mul3A_285 = arith.constant 0.00999999977 : f32
        %mul3A_286 = vector.broadcast %mul3A_285 : f32 to vector<16xf32>
        %mul3A_287 = arith.mulf %get3A_281, %mul3A_286 : vector<16xf32>
        %add3A_288 = arith.addf %mul3A_284, %mul3A_287 : vector<16xf32>
        %mul3A_289 = arith.mulf %add3A_288, %add3A_288 : vector<16xf32>
        %add3A_290 = arith.addf %broadcast_in_dim3A_273, %mul3A_289 : vector<16xf32>
        %get3A_291 = arith.index_cast %sub3A_271 : i32 to index
        %get3A_292 = arith.constant 16 : index
        %get3A_293 = tpu.vector_load %arg8[%get3A_291, %get3A_292] {strides = array<i32>} : memref<32x128xf32, #tpu.memory_space<vmem>>, vector<1x16xf32>,
        %get3A_294 = vector.shape_cast %get3A_293 : vector<1x16xf32> to vector<16xf32>
        %get3A_295 = arith.index_cast %while3A_259 : i32 to index
        %get3A_296 = arith.constant 16 : index
        %get3A_297 = tpu.vector_load %arg9[%get3A_295, %get3A_296] {strides = array<i32>} : memref<16x128xf32, #tpu.memory_space<vmem>>, vector<1x16xf32>,
        %get3A_298 = vector.shape_cast %get3A_297 : vector<1x16xf32> to vector<16xf32>
        %mul3A_299 = arith.constant 9.900000e-01 : f32
        %mul3A_300 = vector.broadcast %mul3A_299 : f32 to vector<16xf32>
        %mul3A_301 = arith.mulf %get3A_294, %mul3A_300 : vector<16xf32>
        %mul3A_302 = arith.constant 0.00999999977 : f32
        %mul3A_303 = vector.broadcast %mul3A_302 : f32 to vector<16xf32>
        %mul3A_304 = arith.mulf %get3A_298, %mul3A_303 : vector<16xf32>
        %add3A_305 = arith.addf %mul3A_301, %mul3A_304 : vector<16xf32>
        %mul3A_306 = arith.mulf %add3A_305, %add3A_305 : vector<16xf32>
        %add3A_307 = arith.addf %add3A_290, %mul3A_306 : vector<16xf32>
        %get3A_308 = arith.index_cast %sub3A_271 : i32 to index
        %get3A_309 = arith.constant 32 : index
        %get3A_310 = tpu.vector_load %arg8[%get3A_308, %get3A_309] {strides = array<i32>} : memref<32x128xf32, #tpu.memory_space<vmem>>, vector<1x16xf32>,
        %get3A_311 = vector.shape_cast %get3A_310 : vector<1x16xf32> to vector<16xf32>
        %get3A_312 = arith.index_cast %while3A_259 : i32 to index
        %get3A_313 = arith.constant 32 : index
        %get3A_314 = tpu.vector_load %arg9[%get3A_312, %get3A_313] {strides = array<i32>} : memref<16x128xf32, #tpu.memory_space<vmem>>, vector<1x16xf32>,
        %get3A_315 = vector.shape_cast %get3A_314 : vector<1x16xf32> to vector<16xf32>
        %mul3A_316 = arith.constant 9.900000e-01 : f32
        %mul3A_317 = vector.broadcast %mul3A_316 : f32 to vector<16xf32>
        %mul3A_318 = arith.mulf %get3A_311, %mul3A_317 : vector<16xf32>
        %mul3A_319 = arith.constant 0.00999999977 : f32
        %mul3A_320 = vector.broadcast %mul3A_319 : f32 to vector<16xf32>
        %mul3A_321 = arith.mulf %get3A_315, %mul3A_320 : vector<16xf32>
        %add3A_322 = arith.addf %mul3A_318, %mul3A_321 : vector<16xf32>
        %mul3A_323 = arith.mulf %add3A_322, %add3A_322 : vector<16xf32>
        %add3A_324 = arith.addf %add3A_307, %mul3A_323 : vector<16xf32>
        %get3A_325 = arith.index_cast %sub3A_271 : i32 to index
        %get3A_326 = arith.constant 48 : index
        %get3A_327 = tpu.vector_load %arg8[%get3A_325, %get3A_326] {strides = array<i32>} : memref<32x128xf32, #tpu.memory_space<vmem>>, vector<1x16xf32>,
        %get3A_328 = vector.shape_cast %get3A_327 : vector<1x16xf32> to vector<16xf32>
        %get3A_329 = arith.index_cast %while3A_259 : i32 to index
        %get3A_330 = arith.constant 48 : index
        %get3A_331 = tpu.vector_load %arg9[%get3A_329, %get3A_330] {strides = array<i32>} : memref<16x128xf32, #tpu.memory_space<vmem>>, vector<1x16xf32>,
        %get3A_332 = vector.shape_cast %get3A_331 : vector<1x16xf32> to vector<16xf32>
        %mul3A_333 = arith.constant 9.900000e-01 : f32
        %mul3A_334 = vector.broadcast %mul3A_333 : f32 to vector<16xf32>
        %mul3A_335 = arith.mulf %get3A_328, %mul3A_334 : vector<16xf32>
        %mul3A_336 = arith.constant 0.00999999977 : f32
        %mul3A_337 = vector.broadcast %mul3A_336 : f32 to vector<16xf32>
        %mul3A_338 = arith.mulf %get3A_332, %mul3A_337 : vector<16xf32>
        %add3A_339 = arith.addf %mul3A_335, %mul3A_338 : vector<16xf32>
        %mul3A_340 = arith.mulf %add3A_339, %add3A_339 : vector<16xf32>
        %add3A_341 = arith.addf %add3A_324, %mul3A_340 : vector<16xf32>
        %get3A_342 = arith.index_cast %sub3A_271 : i32 to index
        %get3A_343 = arith.constant 64 : index
        %get3A_344 = tpu.vector_load %arg8[%get3A_342, %get3A_343] {strides = array<i32>} : memref<32x128xf32, #tpu.memory_space<vmem>>, vector<1x16xf32>,
        %get3A_345 = vector.shape_cast %get3A_344 : vector<1x16xf32> to vector<16xf32>
        %get3A_346 = arith.index_cast %while3A_259 : i32 to index
        %get3A_347 = arith.constant 64 : index
        %get3A_348 = tpu.vector_load %arg9[%get3A_346, %get3A_347] {strides = array<i32>} : memref<16x128xf32, #tpu.memory_space<vmem>>, vector<1x16xf32>,
        %get3A_349 = vector.shape_cast %get3A_348 : vector<1x16xf32> to vector<16xf32>
        %mul3A_350 = arith.constant 9.900000e-01 : f32
        %mul3A_351 = vector.broadcast %mul3A_350 : f32 to vector<16xf32>
        %mul3A_352 = arith.mulf %get3A_345, %mul3A_351 : vector<16xf32>
        %mul3A_353 = arith.constant 0.00999999977 : f32
        %mul3A_354 = vector.broadcast %mul3A_353 : f32 to vector<16xf32>
        %mul3A_355 = arith.mulf %get3A_349, %mul3A_354 : vector<16xf32>
        %add3A_356 = arith.addf %mul3A_352, %mul3A_355 : vector<16xf32>
        %mul3A_357 = arith.mulf %add3A_356, %add3A_356 : vector<16xf32>
        %add3A_358 = arith.addf %add3A_341, %mul3A_357 : vector<16xf32>
        %get3A_359 = arith.index_cast %sub3A_271 : i32 to index
        %get3A_360 = arith.constant 80 : index
        %get3A_361 = tpu.vector_load %arg8[%get3A_359, %get3A_360] {strides = array<i32>} : memref<32x128xf32, #tpu.memory_space<vmem>>, vector<1x16xf32>,
        %get3A_362 = vector.shape_cast %get3A_361 : vector<1x16xf32> to vector<16xf32>
        %get3A_363 = arith.index_cast %while3A_259 : i32 to index
        %get3A_364 = arith.constant 80 : index
        %get3A_365 = tpu.vector_load %arg9[%get3A_363, %get3A_364] {strides = array<i32>} : memref<16x128xf32, #tpu.memory_space<vmem>>, vector<1x16xf32>,
        %get3A_366 = vector.shape_cast %get3A_365 : vector<1x16xf32> to vector<16xf32>
        %mul3A_367 = arith.constant 9.900000e-01 : f32
        %mul3A_368 = vector.broadcast %mul3A_367 : f32 to vector<16xf32>
        %mul3A_369 = arith.mulf %get3A_362, %mul3A_368 : vector<16xf32>
        %mul3A_370 = arith.constant 0.00999999977 : f32
        %mul3A_371 = vector.broadcast %mul3A_370 : f32 to vector<16xf32>
        %mul3A_372 = arith.mulf %get3A_366, %mul3A_371 : vector<16xf32>
        %add3A_373 = arith.addf %mul3A_369, %mul3A_372 : vector<16xf32>
        %mul3A_374 = arith.mulf %add3A_373, %add3A_373 : vector<16xf32>
        %add3A_375 = arith.addf %add3A_358, %mul3A_374 : vector<16xf32>
        %get3A_376 = arith.index_cast %sub3A_271 : i32 to index
        %get3A_377 = arith.constant 96 : index
        %get3A_378 = tpu.vector_load %arg8[%get3A_376, %get3A_377] {strides = array<i32>} : memref<32x128xf32, #tpu.memory_space<vmem>>, vector<1x16xf32>,
        %get3A_379 = vector.shape_cast %get3A_378 : vector<1x16xf32> to vector<16xf32>
        %get3A_380 = arith.index_cast %while3A_259 : i32 to index
        %get3A_381 = arith.constant 96 : index
        %get3A_382 = tpu.vector_load %arg9[%get3A_380, %get3A_381] {strides = array<i32>} : memref<16x128xf32, #tpu.memory_space<vmem>>, vector<1x16xf32>,
        %get3A_383 = vector.shape_cast %get3A_382 : vector<1x16xf32> to vector<16xf32>
        %mul3A_384 = arith.constant 9.900000e-01 : f32
        %mul3A_385 = vector.broadcast %mul3A_384 : f32 to vector<16xf32>
        %mul3A_386 = arith.mulf %get3A_379, %mul3A_385 : vector<16xf32>
        %mul3A_387 = arith.constant 0.00999999977 : f32
        %mul3A_388 = vector.broadcast %mul3A_387 : f32 to vector<16xf32>
        %mul3A_389 = arith.mulf %get3A_383, %mul3A_388 : vector<16xf32>
        %add3A_390 = arith.addf %mul3A_386, %mul3A_389 : vector<16xf32>
        %mul3A_391 = arith.mulf %add3A_390, %add3A_390 : vector<16xf32>
        %add3A_392 = arith.addf %add3A_375, %mul3A_391 : vector<16xf32>
        %get3A_393 = arith.index_cast %sub3A_271 : i32 to index
        %get3A_394 = arith.constant 112 : index
        %get3A_395 = tpu.vector_load %arg8[%get3A_393, %get3A_394] {strides = array<i32>} : memref<32x128xf32, #tpu.memory_space<vmem>>, vector<1x16xf32>,
        %get3A_396 = vector.shape_cast %get3A_395 : vector<1x16xf32> to vector<16xf32>
        %get3A_397 = arith.index_cast %while3A_259 : i32 to index
        %get3A_398 = arith.constant 112 : index
        %get3A_399 = tpu.vector_load %arg9[%get3A_397, %get3A_398] {strides = array<i32>} : memref<16x128xf32, #tpu.memory_space<vmem>>, vector<1x16xf32>,
        %get3A_400 = vector.shape_cast %get3A_399 : vector<1x16xf32> to vector<16xf32>
        %mul3A_401 = arith.constant 9.900000e-01 : f32
        %mul3A_402 = vector.broadcast %mul3A_401 : f32 to vector<16xf32>
        %mul3A_403 = arith.mulf %get3A_396, %mul3A_402 : vector<16xf32>
        %mul3A_404 = arith.constant 0.00999999977 : f32
        %mul3A_405 = vector.broadcast %mul3A_404 : f32 to vector<16xf32>
        %mul3A_406 = arith.mulf %get3A_400, %mul3A_405 : vector<16xf32>
        %add3A_407 = arith.addf %mul3A_403, %mul3A_406 : vector<16xf32>
        %mul3A_408 = arith.mulf %add3A_407, %add3A_407 : vector<16xf32>
        %add3A_409 = arith.addf %add3A_392, %mul3A_408 : vector<16xf32>
        %rev3A = arith.constant 15 : i32
        %rev3A_410 = vector.broadcast %rev3A : i32 to vector<16xi32>
        %rev3A_411 = tpu.iota {dimensions = array<i32: 0>} : vector<16xi32>
        %rev3A_412 = arith.subi %rev3A_410, %rev3A_411 : vector<16xi32>
        %rev3A_413 = tpu.dynamic_gather %add3A_409[%rev3A_412] in [0] : vector<16xf32>, vector<16xi32> -> vector<16xf32>
        %add3A_414 = arith.addf %add3A_409, %rev3A_413 : vector<16xf32>
        %slice3A_415 = vector.extract_strided_slice %add3A_414 {offsets = [0], sizes = [1], strides = [1]} : vector<16xf32> to vector<1xf32>
        %squeeze3A_416 = vector.extract %slice3A_415[0] : f32 from vector<1xf32>
        %slice3A_417 = vector.extract_strided_slice %add3A_414 {offsets = [1], sizes = [1], strides = [1]} : vector<16xf32> to vector<1xf32>
        %squeeze3A_418 = vector.extract %slice3A_417[0] : f32 from vector<1xf32>
        %add3A_419 = arith.addf %squeeze3A_416, %squeeze3A_418 : f32
        %slice3A_420 = vector.extract_strided_slice %add3A_414 {offsets = [2], sizes = [1], strides = [1]} : vector<16xf32> to vector<1xf32>
        %squeeze3A_421 = vector.extract %slice3A_420[0] : f32 from vector<1xf32>
        %add3A_422 = arith.addf %add3A_419, %squeeze3A_421 : f32
        %slice3A_423 = vector.extract_strided_slice %add3A_414 {offsets = [3], sizes = [1], strides = [1]} : vector<16xf32> to vector<1xf32>
        %squeeze3A_424 = vector.extract %slice3A_423[0] : f32 from vector<1xf32>
        %add3A_425 = arith.addf %add3A_422, %squeeze3A_424 : f32
        %slice3A_426 = vector.extract_strided_slice %add3A_414 {offsets = [4], sizes = [1], strides = [1]} : vector<16xf32> to vector<1xf32>
        %squeeze3A_427 = vector.extract %slice3A_426[0] : f32 from vector<1xf32>
        %add3A_428 = arith.addf %add3A_425, %squeeze3A_427 : f32
        %slice3A_429 = vector.extract_strided_slice %add3A_414 {offsets = [5], sizes = [1], strides = [1]} : vector<16xf32> to vector<1xf32>
        %squeeze3A_430 = vector.extract %slice3A_429[0] : f32 from vector<1xf32>
        %add3A_431 = arith.addf %add3A_428, %squeeze3A_430 : f32
        %slice3A_432 = vector.extract_strided_slice %add3A_414 {offsets = [6], sizes = [1], strides = [1]} : vector<16xf32> to vector<1xf32>
        %squeeze3A_433 = vector.extract %slice3A_432[0] : f32 from vector<1xf32>
        %add3A_434 = arith.addf %add3A_431, %squeeze3A_433 : f32
        %slice3A_435 = vector.extract_strided_slice %add3A_414 {offsets = [7], sizes = [1], strides = [1]} : vector<16xf32> to vector<1xf32>
        %squeeze3A_436 = vector.extract %slice3A_435[0] : f32 from vector<1xf32>
        %add3A_437 = arith.addf %add3A_434, %squeeze3A_436 : f32
        %max3A_438 = arith.constant 1.000000e-30 : f32
        %max3A_439 = arith.maximumf %add3A_437, %max3A_438 : f32
        %bitcast_convert_type3A = arith.bitcast %max3A_439 : f32 to i32
        %shift_right_arithmetic3A = arith.constant 1 : i32
        %shift_right_arithmetic3A_440 = arith.shrsi %bitcast_convert_type3A, %shift_right_arithmetic3A : i32
        %sub3A_441 = arith.constant 1597463007 : i32
        %sub3A_442 = arith.subi %sub3A_441, %shift_right_arithmetic3A_440 : i32
        %bitcast_convert_type3A_443 = arith.bitcast %sub3A_442 : i32 to f32
        %mul3A_444 = arith.constant 5.000000e-01 : f32
        %mul3A_445 = arith.mulf %mul3A_444, %max3A_439 : f32
        %mul3A_446 = arith.mulf %mul3A_445, %bitcast_convert_type3A_443 : f32
        %mul3A_447 = arith.mulf %mul3A_446, %bitcast_convert_type3A_443 : f32
        %sub3A_448 = arith.constant 1.500000e+00 : f32
        %sub3A_449 = arith.subf %sub3A_448, %mul3A_447 : f32
        %mul3A_450 = arith.mulf %bitcast_convert_type3A_443, %sub3A_449 : f32
        %mul3A_451 = arith.constant 5.000000e-01 : f32
        %mul3A_452 = arith.mulf %mul3A_451, %max3A_439 : f32
        %mul3A_453 = arith.mulf %mul3A_452, %mul3A_450 : f32
        %mul3A_454 = arith.mulf %mul3A_453, %mul3A_450 : f32
        %sub3A_455 = arith.constant 1.500000e+00 : f32
        %sub3A_456 = arith.subf %sub3A_455, %mul3A_454 : f32
        %mul3A_457 = arith.mulf %mul3A_450, %sub3A_456 : f32
        %mul3A_458 = arith.constant 5.000000e-01 : f32
        %mul3A_459 = arith.mulf %mul3A_458, %max3A_439 : f32
        %mul3A_460 = arith.mulf %mul3A_459, %mul3A_457 : f32
        %mul3A_461 = arith.mulf %mul3A_460, %mul3A_457 : f32
        %sub3A_462 = arith.constant 1.500000e+00 : f32
        %sub3A_463 = arith.subf %sub3A_462, %mul3A_461 : f32
        %mul3A_464 = arith.mulf %mul3A_457, %sub3A_463 : f32
        %mul3A_465 = arith.mulf %max3A_439, %mul3A_464 : f32
        %gt3A = arith.constant 9.99999996E-13 : f32
        %gt3A_466 = arith.cmpf ogt, %mul3A_465, %gt3A : f32
        %jit3A_467 = arith.constant 9.99999995E+11 : f32
        %select_n3A_468 = arith.select %gt3A_466, %mul3A_464, %jit3A_467 : f32
        %mul3A_469 = vector.broadcast %select_n3A_468 : f32 to vector<16xf32>
        %mul3A_470 = arith.mulf %add3A_288, %mul3A_469 : vector<16xf32>
        %swap3A = arith.index_cast %sub3A_271 : i32 to index
        %swap3A_471 = arith.constant 0 : index
        %swap3A_472 = tpu.vector_load %arg8[%swap3A, %swap3A_471] {strides = array<i32>} : memref<32x128xf32, #tpu.memory_space<vmem>>, vector<1x16xf32>,
        %swap3A_473 = vector.shape_cast %swap3A_472 : vector<1x16xf32> to vector<16xf32>
        %swap3A_474 = vector.shape_cast %mul3A_470 : vector<16xf32> to vector<1x16xf32>
        tpu.vector_store %arg8[%swap3A, %swap3A_471], %swap3A_474 {strides = array<i32>} : memref<32x128xf32, #tpu.memory_space<vmem>>, vector<1x16xf32>,
        %mul3A_475 = vector.broadcast %select_n3A_468 : f32 to vector<16xf32>
        %mul3A_476 = arith.mulf %add3A_305, %mul3A_475 : vector<16xf32>
        %swap3A_477 = arith.index_cast %sub3A_271 : i32 to index
        %swap3A_478 = arith.constant 16 : index
        %swap3A_479 = tpu.vector_load %arg8[%swap3A_477, %swap3A_478] {strides = array<i32>} : memref<32x128xf32, #tpu.memory_space<vmem>>, vector<1x16xf32>,
        %swap3A_480 = vector.shape_cast %swap3A_479 : vector<1x16xf32> to vector<16xf32>
        %swap3A_481 = vector.shape_cast %mul3A_476 : vector<16xf32> to vector<1x16xf32>
        tpu.vector_store %arg8[%swap3A_477, %swap3A_478], %swap3A_481 {strides = array<i32>} : memref<32x128xf32, #tpu.memory_space<vmem>>, vector<1x16xf32>,
        %mul3A_482 = vector.broadcast %select_n3A_468 : f32 to vector<16xf32>
        %mul3A_483 = arith.mulf %add3A_322, %mul3A_482 : vector<16xf32>
        %swap3A_484 = arith.index_cast %sub3A_271 : i32 to index
        %swap3A_485 = arith.constant 32 : index
        %swap3A_486 = tpu.vector_load %arg8[%swap3A_484, %swap3A_485] {strides = array<i32>} : memref<32x128xf32, #tpu.memory_space<vmem>>, vector<1x16xf32>,
        %swap3A_487 = vector.shape_cast %swap3A_486 : vector<1x16xf32> to vector<16xf32>
        %swap3A_488 = vector.shape_cast %mul3A_483 : vector<16xf32> to vector<1x16xf32>
        tpu.vector_store %arg8[%swap3A_484, %swap3A_485], %swap3A_488 {strides = array<i32>} : memref<32x128xf32, #tpu.memory_space<vmem>>, vector<1x16xf32>,
        %mul3A_489 = vector.broadcast %select_n3A_468 : f32 to vector<16xf32>
        %mul3A_490 = arith.mulf %add3A_339, %mul3A_489 : vector<16xf32>
        %swap3A_491 = arith.index_cast %sub3A_271 : i32 to index
        %swap3A_492 = arith.constant 48 : index
        %swap3A_493 = tpu.vector_load %arg8[%swap3A_491, %swap3A_492] {strides = array<i32>} : memref<32x128xf32, #tpu.memory_space<vmem>>, vector<1x16xf32>,
        %swap3A_494 = vector.shape_cast %swap3A_493 : vector<1x16xf32> to vector<16xf32>
        %swap3A_495 = vector.shape_cast %mul3A_490 : vector<16xf32> to vector<1x16xf32>
        tpu.vector_store %arg8[%swap3A_491, %swap3A_492], %swap3A_495 {strides = array<i32>} : memref<32x128xf32, #tpu.memory_space<vmem>>, vector<1x16xf32>,
        %mul3A_496 = vector.broadcast %select_n3A_468 : f32 to vector<16xf32>
        %mul3A_497 = arith.mulf %add3A_356, %mul3A_496 : vector<16xf32>
        %swap3A_498 = arith.index_cast %sub3A_271 : i32 to index
        %swap3A_499 = arith.constant 64 : index
        %swap3A_500 = tpu.vector_load %arg8[%swap3A_498, %swap3A_499] {strides = array<i32>} : memref<32x128xf32, #tpu.memory_space<vmem>>, vector<1x16xf32>,
        %swap3A_501 = vector.shape_cast %swap3A_500 : vector<1x16xf32> to vector<16xf32>
        %swap3A_502 = vector.shape_cast %mul3A_497 : vector<16xf32> to vector<1x16xf32>
        tpu.vector_store %arg8[%swap3A_498, %swap3A_499], %swap3A_502 {strides = array<i32>} : memref<32x128xf32, #tpu.memory_space<vmem>>, vector<1x16xf32>,
        %mul3A_503 = vector.broadcast %select_n3A_468 : f32 to vector<16xf32>
        %mul3A_504 = arith.mulf %add3A_373, %mul3A_503 : vector<16xf32>
        %swap3A_505 = arith.index_cast %sub3A_271 : i32 to index
        %swap3A_506 = arith.constant 80 : index
        %swap3A_507 = tpu.vector_load %arg8[%swap3A_505, %swap3A_506] {strides = array<i32>} : memref<32x128xf32, #tpu.memory_space<vmem>>, vector<1x16xf32>,
        %swap3A_508 = vector.shape_cast %swap3A_507 : vector<1x16xf32> to vector<16xf32>
        %swap3A_509 = vector.shape_cast %mul3A_504 : vector<16xf32> to vector<1x16xf32>
        tpu.vector_store %arg8[%swap3A_505, %swap3A_506], %swap3A_509 {strides = array<i32>} : memref<32x128xf32, #tpu.memory_space<vmem>>, vector<1x16xf32>,
        %mul3A_510 = vector.broadcast %select_n3A_468 : f32 to vector<16xf32>
        %mul3A_511 = arith.mulf %add3A_390, %mul3A_510 : vector<16xf32>
        %swap3A_512 = arith.index_cast %sub3A_271 : i32 to index
        %swap3A_513 = arith.constant 96 : index
        %swap3A_514 = tpu.vector_load %arg8[%swap3A_512, %swap3A_513] {strides = array<i32>} : memref<32x128xf32, #tpu.memory_space<vmem>>, vector<1x16xf32>,
        %swap3A_515 = vector.shape_cast %swap3A_514 : vector<1x16xf32> to vector<16xf32>
        %swap3A_516 = vector.shape_cast %mul3A_511 : vector<16xf32> to vector<1x16xf32>
        tpu.vector_store %arg8[%swap3A_512, %swap3A_513], %swap3A_516 {strides = array<i32>} : memref<32x128xf32, #tpu.memory_space<vmem>>, vector<1x16xf32>,
        %mul3A_517 = vector.broadcast %select_n3A_468 : f32 to vector<16xf32>
        %mul3A_518 = arith.mulf %add3A_407, %mul3A_517 : vector<16xf32>
        %swap3A_519 = arith.index_cast %sub3A_271 : i32 to index
        %swap3A_520 = arith.constant 112 : index
        %swap3A_521 = tpu.vector_load %arg8[%swap3A_519, %swap3A_520] {strides = array<i32>} : memref<32x128xf32, #tpu.memory_space<vmem>>, vector<1x16xf32>,
        %swap3A_522 = vector.shape_cast %swap3A_521 : vector<1x16xf32> to vector<16xf32>
        %swap3A_523 = vector.shape_cast %mul3A_518 : vector<16xf32> to vector<1x16xf32>
        tpu.vector_store %arg8[%swap3A_519, %swap3A_520], %swap3A_523 {strides = array<i32>} : memref<32x128xf32, #tpu.memory_space<vmem>>, vector<1x16xf32>,
      }
      %while3A_258 = arith.constant 1 : i32
      scf.for %while3A_259 = %while3A_256 to %while3A_252 step %while3A_258  : i32 {
        %add3A_260 = arith.addi %multiple_of3A, %while3A_259 : i32
        %get3A_261 = arith.index_cast %add3A_260 : i32 to index
        %get3A_262 = tpu.vector_load %arg7[%get3A_261] {strides = array<i32>} : memref<4112xi32, #tpu.memory_space<vmem>>, vector<16xi32>,
        %get3A_263 = vector.shape_cast %get3A_262 : vector<16xi32> to vector<16xi32>
        %slice3A_264 = vector.extract_strided_slice %get3A_263 {offsets = [0], sizes = [1], strides = [1]} : vector<16xi32> to vector<1xi32>
        %squeeze3A_265 = vector.extract %slice3A_264[0] : i32 from vector<1xi32>
        %get3A_266 = arith.index_cast %squeeze3A_265 : i32 to index
        %get3A_267 = tpu.vector_load %arg6[%get3A_266] {strides = array<i32>} : memref<4112xi32, #tpu.memory_space<vmem>>, vector<16xi32>,
        %get3A_268 = vector.shape_cast %get3A_267 : vector<16xi32> to vector<16xi32>
        %slice3A_269 = vector.extract_strided_slice %get3A_268 {offsets = [0], sizes = [1], strides = [1]} : vector<16xi32> to vector<1xi32>
        %squeeze3A_270 = vector.extract %slice3A_269[0] : i32 from vector<1xi32>
        %sub3A_271 = arith.subi %squeeze3A_270, %mul3A_2 : i32
        %broadcast_in_dim3A_272 = arith.constant 0.000000e+00 : f32
        %broadcast_in_dim3A_273 = vector.broadcast %broadcast_in_dim3A_272 : f32 to vector<16xf32>
        %get3A_274 = arith.index_cast %sub3A_271 : i32 to index
        %get3A_275 = arith.constant 0 : index
        %get3A_276 = tpu.vector_load %arg8[%get3A_274, %get3A_275] {strides = array<i32>} : memref<32x128xf32, #tpu.memory_space<vmem>>, vector<1x16xf32>,
        %get3A_277 = vector.shape_cast %get3A_276 : vector<1x16xf32> to vector<16xf32>
        %get3A_278 = arith.index_cast %while3A_259 : i32 to index
        %get3A_279 = arith.constant 0 : index
        %get3A_280 = tpu.vector_load %arg9[%get3A_278, %get3A_279] {strides = array<i32>} : memref<16x128xf32, #tpu.memory_space<vmem>>, vector<1x16xf32>,
        %get3A_281 = vector.shape_cast %get3A_280 : vector<1x16xf32> to vector<16xf32>
        %mul3A_282 = arith.constant 9.900000e-01 : f32
        %mul3A_283 = vector.broadcast %mul3A_282 : f32 to vector<16xf32>
        %mul3A_284 = arith.mulf %get3A_277, %mul3A_283 : vector<16xf32>
        %mul3A_285 = arith.constant 0.00999999977 : f32
        %mul3A_286 = vector.broadcast %mul3A_285 : f32 to vector<16xf32>
        %mul3A_287 = arith.mulf %get3A_281, %mul3A_286 : vector<16xf32>
        %add3A_288 = arith.addf %mul3A_284, %mul3A_287 : vector<16xf32>
        %mul3A_289 = arith.mulf %add3A_288, %add3A_288 : vector<16xf32>
        %add3A_290 = arith.addf %broadcast_in_dim3A_273, %mul3A_289 : vector<16xf32>
        %get3A_291 = arith.index_cast %sub3A_271 : i32 to index
        %get3A_292 = arith.constant 16 : index
        %get3A_293 = tpu.vector_load %arg8[%get3A_291, %get3A_292] {strides = array<i32>} : memref<32x128xf32, #tpu.memory_space<vmem>>, vector<1x16xf32>,
        %get3A_294 = vector.shape_cast %get3A_293 : vector<1x16xf32> to vector<16xf32>
        %get3A_295 = arith.index_cast %while3A_259 : i32 to index
        %get3A_296 = arith.constant 16 : index
        %get3A_297 = tpu.vector_load %arg9[%get3A_295, %get3A_296] {strides = array<i32>} : memref<16x128xf32, #tpu.memory_space<vmem>>, vector<1x16xf32>,
        %get3A_298 = vector.shape_cast %get3A_297 : vector<1x16xf32> to vector<16xf32>
        %mul3A_299 = arith.constant 9.900000e-01 : f32
        %mul3A_300 = vector.broadcast %mul3A_299 : f32 to vector<16xf32>
        %mul3A_301 = arith.mulf %get3A_294, %mul3A_300 : vector<16xf32>
        %mul3A_302 = arith.constant 0.00999999977 : f32
        %mul3A_303 = vector.broadcast %mul3A_302 : f32 to vector<16xf32>
        %mul3A_304 = arith.mulf %get3A_298, %mul3A_303 : vector<16xf32>
        %add3A_305 = arith.addf %mul3A_301, %mul3A_304 : vector<16xf32>
        %mul3A_306 = arith.mulf %add3A_305, %add3A_305 : vector<16xf32>
        %add3A_307 = arith.addf %add3A_290, %mul3A_306 : vector<16xf32>
        %get3A_308 = arith.index_cast %sub3A_271 : i32 to index
        %get3A_309 = arith.constant 32 : index
        %get3A_310 = tpu.vector_load %arg8[%get3A_308, %get3A_309] {strides = array<i32>} : memref<32x128xf32, #tpu.memory_space<vmem>>, vector<1x16xf32>,
        %get3A_311 = vector.shape_cast %get3A_310 : vector<1x16xf32> to vector<16xf32>
        %get3A_312 = arith.index_cast %while3A_259 : i32 to index
        %get3A_313 = arith.constant 32 : index
        %get3A_314 = tpu.vector_load %arg9[%get3A_312, %get3A_313] {strides = array<i32>} : memref<16x128xf32, #tpu.memory_space<vmem>>, vector<1x16xf32>,
        %get3A_315 = vector.shape_cast %get3A_314 : vector<1x16xf32> to vector<16xf32>
        %mul3A_316 = arith.constant 9.900000e-01 : f32
        %mul3A_317 = vector.broadcast %mul3A_316 : f32 to vector<16xf32>
        %mul3A_318 = arith.mulf %get3A_311, %mul3A_317 : vector<16xf32>
        %mul3A_319 = arith.constant 0.00999999977 : f32
        %mul3A_320 = vector.broadcast %mul3A_319 : f32 to vector<16xf32>
        %mul3A_321 = arith.mulf %get3A_315, %mul3A_320 : vector<16xf32>
        %add3A_322 = arith.addf %mul3A_318, %mul3A_321 : vector<16xf32>
        %mul3A_323 = arith.mulf %add3A_322, %add3A_322 : vector<16xf32>
        %add3A_324 = arith.addf %add3A_307, %mul3A_323 : vector<16xf32>
        %get3A_325 = arith.index_cast %sub3A_271 : i32 to index
        %get3A_326 = arith.constant 48 : index
        %get3A_327 = tpu.vector_load %arg8[%get3A_325, %get3A_326] {strides = array<i32>} : memref<32x128xf32, #tpu.memory_space<vmem>>, vector<1x16xf32>,
        %get3A_328 = vector.shape_cast %get3A_327 : vector<1x16xf32> to vector<16xf32>
        %get3A_329 = arith.index_cast %while3A_259 : i32 to index
        %get3A_330 = arith.constant 48 : index
        %get3A_331 = tpu.vector_load %arg9[%get3A_329, %get3A_330] {strides = array<i32>} : memref<16x128xf32, #tpu.memory_space<vmem>>, vector<1x16xf32>,
        %get3A_332 = vector.shape_cast %get3A_331 : vector<1x16xf32> to vector<16xf32>
        %mul3A_333 = arith.constant 9.900000e-01 : f32
        %mul3A_334 = vector.broadcast %mul3A_333 : f32 to vector<16xf32>
        %mul3A_335 = arith.mulf %get3A_328, %mul3A_334 : vector<16xf32>
        %mul3A_336 = arith.constant 0.00999999977 : f32
        %mul3A_337 = vector.broadcast %mul3A_336 : f32 to vector<16xf32>
        %mul3A_338 = arith.mulf %get3A_332, %mul3A_337 : vector<16xf32>
        %add3A_339 = arith.addf %mul3A_335, %mul3A_338 : vector<16xf32>
        %mul3A_340 = arith.mulf %add3A_339, %add3A_339 : vector<16xf32>
        %add3A_341 = arith.addf %add3A_324, %mul3A_340 : vector<16xf32>
        %get3A_342 = arith.index_cast %sub3A_271 : i32 to index
        %get3A_343 = arith.constant 64 : index
        %get3A_344 = tpu.vector_load %arg8[%get3A_342, %get3A_343] {strides = array<i32>} : memref<32x128xf32, #tpu.memory_space<vmem>>, vector<1x16xf32>,
        %get3A_345 = vector.shape_cast %get3A_344 : vector<1x16xf32> to vector<16xf32>
        %get3A_346 = arith.index_cast %while3A_259 : i32 to index
        %get3A_347 = arith.constant 64 : index
        %get3A_348 = tpu.vector_load %arg9[%get3A_346, %get3A_347] {strides = array<i32>} : memref<16x128xf32, #tpu.memory_space<vmem>>, vector<1x16xf32>,
        %get3A_349 = vector.shape_cast %get3A_348 : vector<1x16xf32> to vector<16xf32>
        %mul3A_350 = arith.constant 9.900000e-01 : f32
        %mul3A_351 = vector.broadcast %mul3A_350 : f32 to vector<16xf32>
        %mul3A_352 = arith.mulf %get3A_345, %mul3A_351 : vector<16xf32>
        %mul3A_353 = arith.constant 0.00999999977 : f32
        %mul3A_354 = vector.broadcast %mul3A_353 : f32 to vector<16xf32>
        %mul3A_355 = arith.mulf %get3A_349, %mul3A_354 : vector<16xf32>
        %add3A_356 = arith.addf %mul3A_352, %mul3A_355 : vector<16xf32>
        %mul3A_357 = arith.mulf %add3A_356, %add3A_356 : vector<16xf32>
        %add3A_358 = arith.addf %add3A_341, %mul3A_357 : vector<16xf32>
        %get3A_359 = arith.index_cast %sub3A_271 : i32 to index
        %get3A_360 = arith.constant 80 : index
        %get3A_361 = tpu.vector_load %arg8[%get3A_359, %get3A_360] {strides = array<i32>} : memref<32x128xf32, #tpu.memory_space<vmem>>, vector<1x16xf32>,
        %get3A_362 = vector.shape_cast %get3A_361 : vector<1x16xf32> to vector<16xf32>
        %get3A_363 = arith.index_cast %while3A_259 : i32 to index
        %get3A_364 = arith.constant 80 : index
        %get3A_365 = tpu.vector_load %arg9[%get3A_363, %get3A_364] {strides = array<i32>} : memref<16x128xf32, #tpu.memory_space<vmem>>, vector<1x16xf32>,
        %get3A_366 = vector.shape_cast %get3A_365 : vector<1x16xf32> to vector<16xf32>
        %mul3A_367 = arith.constant 9.900000e-01 : f32
        %mul3A_368 = vector.broadcast %mul3A_367 : f32 to vector<16xf32>
        %mul3A_369 = arith.mulf %get3A_362, %mul3A_368 : vector<16xf32>
        %mul3A_370 = arith.constant 0.00999999977 : f32
        %mul3A_371 = vector.broadcast %mul3A_370 : f32 to vector<16xf32>
        %mul3A_372 = arith.mulf %get3A_366, %mul3A_371 : vector<16xf32>
        %add3A_373 = arith.addf %mul3A_369, %mul3A_372 : vector<16xf32>
        %mul3A_374 = arith.mulf %add3A_373, %add3A_373 : vector<16xf32>
        %add3A_375 = arith.addf %add3A_358, %mul3A_374 : vector<16xf32>
        %get3A_376 = arith.index_cast %sub3A_271 : i32 to index
        %get3A_377 = arith.constant 96 : index
        %get3A_378 = tpu.vector_load %arg8[%get3A_376, %get3A_377] {strides = array<i32>} : memref<32x128xf32, #tpu.memory_space<vmem>>, vector<1x16xf32>,
        %get3A_379 = vector.shape_cast %get3A_378 : vector<1x16xf32> to vector<16xf32>
        %get3A_380 = arith.index_cast %while3A_259 : i32 to index
        %get3A_381 = arith.constant 96 : index
        %get3A_382 = tpu.vector_load %arg9[%get3A_380, %get3A_381] {strides = array<i32>} : memref<16x128xf32, #tpu.memory_space<vmem>>, vector<1x16xf32>,
        %get3A_383 = vector.shape_cast %get3A_382 : vector<1x16xf32> to vector<16xf32>
        %mul3A_384 = arith.constant 9.900000e-01 : f32
        %mul3A_385 = vector.broadcast %mul3A_384 : f32 to vector<16xf32>
        %mul3A_386 = arith.mulf %get3A_379, %mul3A_385 : vector<16xf32>
        %mul3A_387 = arith.constant 0.00999999977 : f32
        %mul3A_388 = vector.broadcast %mul3A_387 : f32 to vector<16xf32>
        %mul3A_389 = arith.mulf %get3A_383, %mul3A_388 : vector<16xf32>
        %add3A_390 = arith.addf %mul3A_386, %mul3A_389 : vector<16xf32>
        %mul3A_391 = arith.mulf %add3A_390, %add3A_390 : vector<16xf32>
        %add3A_392 = arith.addf %add3A_375, %mul3A_391 : vector<16xf32>
        %get3A_393 = arith.index_cast %sub3A_271 : i32 to index
        %get3A_394 = arith.constant 112 : index
        %get3A_395 = tpu.vector_load %arg8[%get3A_393, %get3A_394] {strides = array<i32>} : memref<32x128xf32, #tpu.memory_space<vmem>>, vector<1x16xf32>,
        %get3A_396 = vector.shape_cast %get3A_395 : vector<1x16xf32> to vector<16xf32>
        %get3A_397 = arith.index_cast %while3A_259 : i32 to index
        %get3A_398 = arith.constant 112 : index
        %get3A_399 = tpu.vector_load %arg9[%get3A_397, %get3A_398] {strides = array<i32>} : memref<16x128xf32, #tpu.memory_space<vmem>>, vector<1x16xf32>,
        %get3A_400 = vector.shape_cast %get3A_399 : vector<1x16xf32> to vector<16xf32>
        %mul3A_401 = arith.constant 9.900000e-01 : f32
        %mul3A_402 = vector.broadcast %mul3A_401 : f32 to vector<16xf32>
        %mul3A_403 = arith.mulf %get3A_396, %mul3A_402 : vector<16xf32>
        %mul3A_404 = arith.constant 0.00999999977 : f32
        %mul3A_405 = vector.broadcast %mul3A_404 : f32 to vector<16xf32>
        %mul3A_406 = arith.mulf %get3A_400, %mul3A_405 : vector<16xf32>
        %add3A_407 = arith.addf %mul3A_403, %mul3A_406 : vector<16xf32>
        %mul3A_408 = arith.mulf %add3A_407, %add3A_407 : vector<16xf32>
        %add3A_409 = arith.addf %add3A_392, %mul3A_408 : vector<16xf32>
        %rev3A = arith.constant 15 : i32
        %rev3A_410 = vector.broadcast %rev3A : i32 to vector<16xi32>
        %rev3A_411 = tpu.iota {dimensions = array<i32: 0>} : vector<16xi32>
        %rev3A_412 = arith.subi %rev3A_410, %rev3A_411 : vector<16xi32>
        %rev3A_413 = tpu.dynamic_gather %add3A_409[%rev3A_412] in [0] : vector<16xf32>, vector<16xi32> -> vector<16xf32>
        %add3A_414 = arith.addf %add3A_409, %rev3A_413 : vector<16xf32>
        %slice3A_415 = vector.extract_strided_slice %add3A_414 {offsets = [0], sizes = [1], strides = [1]} : vector<16xf32> to vector<1xf32>
        %squeeze3A_416 = vector.extract %slice3A_415[0] : f32 from vector<1xf32>
        %slice3A_417 = vector.extract_strided_slice %add3A_414 {offsets = [1], sizes = [1], strides = [1]} : vector<16xf32> to vector<1xf32>
        %squeeze3A_418 = vector.extract %slice3A_417[0] : f32 from vector<1xf32>
        %add3A_419 = arith.addf %squeeze3A_416, %squeeze3A_418 : f32
        %slice3A_420 = vector.extract_strided_slice %add3A_414 {offsets = [2], sizes = [1], strides = [1]} : vector<16xf32> to vector<1xf32>
        %squeeze3A_421 = vector.extract %slice3A_420[0] : f32 from vector<1xf32>
        %add3A_422 = arith.addf %add3A_419, %squeeze3A_421 : f32
        %slice3A_423 = vector.extract_strided_slice %add3A_414 {offsets = [3], sizes = [1], strides = [1]} : vector<16xf32> to vector<1xf32>
        %squeeze3A_424 = vector.extract %slice3A_423[0] : f32 from vector<1xf32>
        %add3A_425 = arith.addf %add3A_422, %squeeze3A_424 : f32
        %slice3A_426 = vector.extract_strided_slice %add3A_414 {offsets = [4], sizes = [1], strides = [1]} : vector<16xf32> to vector<1xf32>
        %squeeze3A_427 = vector.extract %slice3A_426[0] : f32 from vector<1xf32>
        %add3A_428 = arith.addf %add3A_425, %squeeze3A_427 : f32
        %slice3A_429 = vector.extract_strided_slice %add3A_414 {offsets = [5], sizes = [1], strides = [1]} : vector<16xf32> to vector<1xf32>
        %squeeze3A_430 = vector.extract %slice3A_429[0] : f32 from vector<1xf32>
        %add3A_431 = arith.addf %add3A_428, %squeeze3A_430 : f32
        %slice3A_432 = vector.extract_strided_slice %add3A_414 {offsets = [6], sizes = [1], strides = [1]} : vector<16xf32> to vector<1xf32>
        %squeeze3A_433 = vector.extract %slice3A_432[0] : f32 from vector<1xf32>
        %add3A_434 = arith.addf %add3A_431, %squeeze3A_433 : f32
        %slice3A_435 = vector.extract_strided_slice %add3A_414 {offsets = [7], sizes = [1], strides = [1]} : vector<16xf32> to vector<1xf32>
        %squeeze3A_436 = vector.extract %slice3A_435[0] : f32 from vector<1xf32>
        %add3A_437 = arith.addf %add3A_434, %squeeze3A_436 : f32
        %max3A_438 = arith.constant 1.000000e-30 : f32
        %max3A_439 = arith.maximumf %add3A_437, %max3A_438 : f32
        %bitcast_convert_type3A = arith.bitcast %max3A_439 : f32 to i32
        %shift_right_arithmetic3A = arith.constant 1 : i32
        %shift_right_arithmetic3A_440 = arith.shrsi %bitcast_convert_type3A, %shift_right_arithmetic3A : i32
        %sub3A_441 = arith.constant 1597463007 : i32
        %sub3A_442 = arith.subi %sub3A_441, %shift_right_arithmetic3A_440 : i32
        %bitcast_convert_type3A_443 = arith.bitcast %sub3A_442 : i32 to f32
        %mul3A_444 = arith.constant 5.000000e-01 : f32
        %mul3A_445 = arith.mulf %mul3A_444, %max3A_439 : f32
        %mul3A_446 = arith.mulf %mul3A_445, %bitcast_convert_type3A_443 : f32
        %mul3A_447 = arith.mulf %mul3A_446, %bitcast_convert_type3A_443 : f32
        %sub3A_448 = arith.constant 1.500000e+00 : f32
        %sub3A_449 = arith.subf %sub3A_448, %mul3A_447 : f32
        %mul3A_450 = arith.mulf %bitcast_convert_type3A_443, %sub3A_449 : f32
        %mul3A_451 = arith.constant 5.000000e-01 : f32
        %mul3A_452 = arith.mulf %mul3A_451, %max3A_439 : f32
        %mul3A_453 = arith.mulf %mul3A_452, %mul3A_450 : f32
        %mul3A_454 = arith.mulf %mul3A_453, %mul3A_450 : f32
        %sub3A_455 = arith.constant 1.500000e+00 : f32
        %sub3A_456 = arith.subf %sub3A_455, %mul3A_454 : f32
        %mul3A_457 = arith.mulf %mul3A_450, %sub3A_456 : f32
        %mul3A_458 = arith.constant 5.000000e-01 : f32
        %mul3A_459 = arith.mulf %mul3A_458, %max3A_439 : f32
        %mul3A_460 = arith.mulf %mul3A_459, %mul3A_457 : f32
        %mul3A_461 = arith.mulf %mul3A_460, %mul3A_457 : f32
        %sub3A_462 = arith.constant 1.500000e+00 : f32
        %sub3A_463 = arith.subf %sub3A_462, %mul3A_461 : f32
        %mul3A_464 = arith.mulf %mul3A_457, %sub3A_463 : f32
        %mul3A_465 = arith.mulf %max3A_439, %mul3A_464 : f32
        %gt3A = arith.constant 9.99999996E-13 : f32
        %gt3A_466 = arith.cmpf ogt, %mul3A_465, %gt3A : f32
        %jit3A_467 = arith.constant 9.99999995E+11 : f32
        %select_n3A_468 = arith.select %gt3A_466, %mul3A_464, %jit3A_467 : f32
        %mul3A_469 = vector.broadcast %select_n3A_468 : f32 to vector<16xf32>
        %mul3A_470 = arith.mulf %add3A_288, %mul3A_469 : vector<16xf32>
        %swap3A = arith.index_cast %sub3A_271 : i32 to index
        %swap3A_471 = arith.constant 0 : index
        %swap3A_472 = tpu.vector_load %arg8[%swap3A, %swap3A_471] {strides = array<i32>} : memref<32x128xf32, #tpu.memory_space<vmem>>, vector<1x16xf32>,
        %swap3A_473 = vector.shape_cast %swap3A_472 : vector<1x16xf32> to vector<16xf32>
        %swap3A_474 = vector.shape_cast %mul3A_470 : vector<16xf32> to vector<1x16xf32>
        tpu.vector_store %arg8[%swap3A, %swap3A_471], %swap3A_474 {strides = array<i32>} : memref<32x128xf32, #tpu.memory_space<vmem>>, vector<1x16xf32>,
        %mul3A_475 = vector.broadcast %select_n3A_468 : f32 to vector<16xf32>
        %mul3A_476 = arith.mulf %add3A_305, %mul3A_475 : vector<16xf32>
        %swap3A_477 = arith.index_cast %sub3A_271 : i32 to index
        %swap3A_478 = arith.constant 16 : index
        %swap3A_479 = tpu.vector_load %arg8[%swap3A_477, %swap3A_478] {strides = array<i32>} : memref<32x128xf32, #tpu.memory_space<vmem>>, vector<1x16xf32>,
        %swap3A_480 = vector.shape_cast %swap3A_479 : vector<1x16xf32> to vector<16xf32>
        %swap3A_481 = vector.shape_cast %mul3A_476 : vector<16xf32> to vector<1x16xf32>
        tpu.vector_store %arg8[%swap3A_477, %swap3A_478], %swap3A_481 {strides = array<i32>} : memref<32x128xf32, #tpu.memory_space<vmem>>, vector<1x16xf32>,
        %mul3A_482 = vector.broadcast %select_n3A_468 : f32 to vector<16xf32>
        %mul3A_483 = arith.mulf %add3A_322, %mul3A_482 : vector<16xf32>
        %swap3A_484 = arith.index_cast %sub3A_271 : i32 to index
        %swap3A_485 = arith.constant 32 : index
        %swap3A_486 = tpu.vector_load %arg8[%swap3A_484, %swap3A_485] {strides = array<i32>} : memref<32x128xf32, #tpu.memory_space<vmem>>, vector<1x16xf32>,
        %swap3A_487 = vector.shape_cast %swap3A_486 : vector<1x16xf32> to vector<16xf32>
        %swap3A_488 = vector.shape_cast %mul3A_483 : vector<16xf32> to vector<1x16xf32>
        tpu.vector_store %arg8[%swap3A_484, %swap3A_485], %swap3A_488 {strides = array<i32>} : memref<32x128xf32, #tpu.memory_space<vmem>>, vector<1x16xf32>,
        %mul3A_489 = vector.broadcast %select_n3A_468 : f32 to vector<16xf32>
        %mul3A_490 = arith.mulf %add3A_339, %mul3A_489 : vector<16xf32>
        %swap3A_491 = arith.index_cast %sub3A_271 : i32 to index
        %swap3A_492 = arith.constant 48 : index
        %swap3A_493 = tpu.vector_load %arg8[%swap3A_491, %swap3A_492] {strides = array<i32>} : memref<32x128xf32, #tpu.memory_space<vmem>>, vector<1x16xf32>,
        %swap3A_494 = vector.shape_cast %swap3A_493 : vector<1x16xf32> to vector<16xf32>
        %swap3A_495 = vector.shape_cast %mul3A_490 : vector<16xf32> to vector<1x16xf32>
        tpu.vector_store %arg8[%swap3A_491, %swap3A_492], %swap3A_495 {strides = array<i32>} : memref<32x128xf32, #tpu.memory_space<vmem>>, vector<1x16xf32>,
        %mul3A_496 = vector.broadcast %select_n3A_468 : f32 to vector<16xf32>
        %mul3A_497 = arith.mulf %add3A_356, %mul3A_496 : vector<16xf32>
        %swap3A_498 = arith.index_cast %sub3A_271 : i32 to index
        %swap3A_499 = arith.constant 64 : index
        %swap3A_500 = tpu.vector_load %arg8[%swap3A_498, %swap3A_499] {strides = array<i32>} : memref<32x128xf32, #tpu.memory_space<vmem>>, vector<1x16xf32>,
        %swap3A_501 = vector.shape_cast %swap3A_500 : vector<1x16xf32> to vector<16xf32>
        %swap3A_502 = vector.shape_cast %mul3A_497 : vector<16xf32> to vector<1x16xf32>
        tpu.vector_store %arg8[%swap3A_498, %swap3A_499], %swap3A_502 {strides = array<i32>} : memref<32x128xf32, #tpu.memory_space<vmem>>, vector<1x16xf32>,
        %mul3A_503 = vector.broadcast %select_n3A_468 : f32 to vector<16xf32>
        %mul3A_504 = arith.mulf %add3A_373, %mul3A_503 : vector<16xf32>
        %swap3A_505 = arith.index_cast %sub3A_271 : i32 to index
        %swap3A_506 = arith.constant 80 : index
        %swap3A_507 = tpu.vector_load %arg8[%swap3A_505, %swap3A_506] {strides = array<i32>} : memref<32x128xf32, #tpu.memory_space<vmem>>, vector<1x16xf32>,
        %swap3A_508 = vector.shape_cast %swap3A_507 : vector<1x16xf32> to vector<16xf32>
        %swap3A_509 = vector.shape_cast %mul3A_504 : vector<16xf32> to vector<1x16xf32>
        tpu.vector_store %arg8[%swap3A_505, %swap3A_506], %swap3A_509 {strides = array<i32>} : memref<32x128xf32, #tpu.memory_space<vmem>>, vector<1x16xf32>,
        %mul3A_510 = vector.broadcast %select_n3A_468 : f32 to vector<16xf32>
        %mul3A_511 = arith.mulf %add3A_390, %mul3A_510 : vector<16xf32>
        %swap3A_512 = arith.index_cast %sub3A_271 : i32 to index
        %swap3A_513 = arith.constant 96 : index
        %swap3A_514 = tpu.vector_load %arg8[%swap3A_512, %swap3A_513] {strides = array<i32>} : memref<32x128xf32, #tpu.memory_space<vmem>>, vector<1x16xf32>,
        %swap3A_515 = vector.shape_cast %swap3A_514 : vector<1x16xf32> to vector<16xf32>
        %swap3A_516 = vector.shape_cast %mul3A_511 : vector<16xf32> to vector<1x16xf32>
        tpu.vector_store %arg8[%swap3A_512, %swap3A_513], %swap3A_516 {strides = array<i32>} : memref<32x128xf32, #tpu.memory_space<vmem>>, vector<1x16xf32>,
        %mul3A_517 = vector.broadcast %select_n3A_468 : f32 to vector<16xf32>
        %mul3A_518 = arith.mulf %add3A_407, %mul3A_517 : vector<16xf32>
        %swap3A_519 = arith.index_cast %sub3A_271 : i32 to index
        %swap3A_520 = arith.constant 112 : index
        %swap3A_521 = tpu.vector_load %arg8[%swap3A_519, %swap3A_520] {strides = array<i32>} : memref<32x128xf32, #tpu.memory_space<vmem>>, vector<1x16xf32>,
        %swap3A_522 = vector.shape_cast %swap3A_521 : vector<1x16xf32> to vector<16xf32>
        %swap3A_523 = vector.shape_cast %mul3A_518 : vector<16xf32> to vector<1x16xf32>
        tpu.vector_store %arg8[%swap3A_519, %swap3A_520], %swap3A_523 {strides = array<i32>} : memref<32x128xf32, #tpu.memory_space<vmem>>, vector<1x16xf32>,
      }
    }
    %while3A_42 = arith.constant 1 : i32
    scf.for %while3A_43 = %while3A_40 to %while3A_36 step %while3A_42  : i32 {
      %mul3A_44 = arith.constant 16 : i32
      %mul3A_45 = arith.muli %while3A_43, %mul3A_44 : i32
      %multiple_of3A = tpu.assume_multiple %mul3A_45, 16 : i32
      %get3A = arith.index_cast %multiple_of3A : i32 to index
      %get3A_46 = tpu.vector_load %arg7[%get3A] {strides = array<i32>} : memref<4112xi32, #tpu.memory_space<vmem>>, vector<16xi32>,
      %get3A_47 = vector.shape_cast %get3A_46 : vector<16xi32> to vector<16xi32>
      %max3A = arith.constant 0 : i32
      %max3A_48 = vector.broadcast %max3A : i32 to vector<16xi32>
      %max3A_49 = arith.maxsi %get3A_47, %max3A_48 : vector<16xi32>
      %min3A = arith.constant 4095 : i32
      %min3A_50 = vector.broadcast %min3A : i32 to vector<16xi32>
      %min3A_51 = arith.minsi %max3A_49, %min3A_50 : vector<16xi32>
      %slice3A = vector.extract_strided_slice %min3A_51 {offsets = [0], sizes = [1], strides = [1]} : vector<16xi32> to vector<1xi32>
      %squeeze3A = vector.extract %slice3A[0] : i32 from vector<1xi32>
      %dma_start3A = arith.constant 0 : i32
      %dma_start3A_52 = arith.constant 0 : i32
      %dma_start3A_53 = tpu.memref_slice %arg9[%dma_start3A, %dma_start3A_52] : memref<16x128xf32, #tpu.memory_space<vmem>> -> memref<1x128xf32, #tpu.memory_space<vmem>>
      %dma_start3A_54 = arith.constant 0 : i32
      %dma_start3A_55 = tpu.memref_slice %arg10[%squeeze3A, %dma_start3A_54] : memref<4096x128xf32, #tpu.memory_space<vmem_shared>> -> memref<1x128xf32, #tpu.memory_space<vmem_shared>>
      %dma_start3A_56 = arith.constant 0 : i32
      %dma_start3A_57 = arith.constant 0 : i32
      %dma_start3A_58 = tpu.memref_slice %arg9[%dma_start3A_56, %dma_start3A_57] : memref<16x128xf32, #tpu.memory_space<vmem>> -> memref<1x128xf32, #tpu.memory_space<vmem>>
      %dma_start3A_59 = arith.constant 0 : i32
      %dma_start3A_60 = tpu.memref_slice %arg10[%squeeze3A, %dma_start3A_59] : memref<4096x128xf32, #tpu.memory_space<vmem_shared>> -> memref<1x128xf32, #tpu.memory_space<vmem_shared>>
      tpu.enqueue_dma source(%dma_start3A_60 : memref<1x128xf32, #tpu.memory_space<vmem_shared>>) target(%dma_start3A_58 : memref<1x128xf32, #tpu.memory_space<vmem>>) target_semaphore(%arg11 : memref<!tpu.dma_semaphore, #tpu.memory_space<semaphore_mem>>)
      %slice3A_61 = vector.extract_strided_slice %min3A_51 {offsets = [1], sizes = [1], strides = [1]} : vector<16xi32> to vector<1xi32>
      %squeeze3A_62 = vector.extract %slice3A_61[0] : i32 from vector<1xi32>
      %dma_start3A_63 = arith.constant 1 : i32
      %dma_start3A_64 = arith.constant 0 : i32
      %dma_start3A_65 = tpu.memref_slice %arg9[%dma_start3A_63, %dma_start3A_64] : memref<16x128xf32, #tpu.memory_space<vmem>> -> memref<1x128xf32, #tpu.memory_space<vmem>>
      %dma_start3A_66 = arith.constant 0 : i32
      %dma_start3A_67 = tpu.memref_slice %arg10[%squeeze3A_62, %dma_start3A_66] : memref<4096x128xf32, #tpu.memory_space<vmem_shared>> -> memref<1x128xf32, #tpu.memory_space<vmem_shared>>
      %dma_start3A_68 = arith.constant 1 : i32
      %dma_start3A_69 = arith.constant 0 : i32
      %dma_start3A_70 = tpu.memref_slice %arg9[%dma_start3A_68, %dma_start3A_69] : memref<16x128xf32, #tpu.memory_space<vmem>> -> memref<1x128xf32, #tpu.memory_space<vmem>>
      %dma_start3A_71 = arith.constant 0 : i32
      %dma_start3A_72 = tpu.memref_slice %arg10[%squeeze3A_62, %dma_start3A_71] : memref<4096x128xf32, #tpu.memory_space<vmem_shared>> -> memref<1x128xf32, #tpu.memory_space<vmem_shared>>
      tpu.enqueue_dma source(%dma_start3A_72 : memref<1x128xf32, #tpu.memory_space<vmem_shared>>) target(%dma_start3A_70 : memref<1x128xf32, #tpu.memory_space<vmem>>) target_semaphore(%arg11 : memref<!tpu.dma_semaphore, #tpu.memory_space<semaphore_mem>>)
      %slice3A_73 = vector.extract_strided_slice %min3A_51 {offsets = [2], sizes = [1], strides = [1]} : vector<16xi32> to vector<1xi32>
      %squeeze3A_74 = vector.extract %slice3A_73[0] : i32 from vector<1xi32>
      %dma_start3A_75 = arith.constant 2 : i32
      %dma_start3A_76 = arith.constant 0 : i32
      %dma_start3A_77 = tpu.memref_slice %arg9[%dma_start3A_75, %dma_start3A_76] : memref<16x128xf32, #tpu.memory_space<vmem>> -> memref<1x128xf32, #tpu.memory_space<vmem>>
      %dma_start3A_78 = arith.constant 0 : i32
      %dma_start3A_79 = tpu.memref_slice %arg10[%squeeze3A_74, %dma_start3A_78] : memref<4096x128xf32, #tpu.memory_space<vmem_shared>> -> memref<1x128xf32, #tpu.memory_space<vmem_shared>>
      %dma_start3A_80 = arith.constant 2 : i32
      %dma_start3A_81 = arith.constant 0 : i32
      %dma_start3A_82 = tpu.memref_slice %arg9[%dma_start3A_80, %dma_start3A_81] : memref<16x128xf32, #tpu.memory_space<vmem>> -> memref<1x128xf32, #tpu.memory_space<vmem>>
      %dma_start3A_83 = arith.constant 0 : i32
      %dma_start3A_84 = tpu.memref_slice %arg10[%squeeze3A_74, %dma_start3A_83] : memref<4096x128xf32, #tpu.memory_space<vmem_shared>> -> memref<1x128xf32, #tpu.memory_space<vmem_shared>>
      tpu.enqueue_dma source(%dma_start3A_84 : memref<1x128xf32, #tpu.memory_space<vmem_shared>>) target(%dma_start3A_82 : memref<1x128xf32, #tpu.memory_space<vmem>>) target_semaphore(%arg11 : memref<!tpu.dma_semaphore, #tpu.memory_space<semaphore_mem>>)
      %slice3A_85 = vector.extract_strided_slice %min3A_51 {offsets = [3], sizes = [1], strides = [1]} : vector<16xi32> to vector<1xi32>
      %squeeze3A_86 = vector.extract %slice3A_85[0] : i32 from vector<1xi32>
      %dma_start3A_87 = arith.constant 3 : i32
      %dma_start3A_88 = arith.constant 0 : i32
      %dma_start3A_89 = tpu.memref_slice %arg9[%dma_start3A_87, %dma_start3A_88] : memref<16x128xf32, #tpu.memory_space<vmem>> -> memref<1x128xf32, #tpu.memory_space<vmem>>
      %dma_start3A_90 = arith.constant 0 : i32
      %dma_start3A_91 = tpu.memref_slice %arg10[%squeeze3A_86, %dma_start3A_90] : memref<4096x128xf32, #tpu.memory_space<vmem_shared>> -> memref<1x128xf32, #tpu.memory_space<vmem_shared>>
      %dma_start3A_92 = arith.constant 3 : i32
      %dma_start3A_93 = arith.constant 0 : i32
      %dma_start3A_94 = tpu.memref_slice %arg9[%dma_start3A_92, %dma_start3A_93] : memref<16x128xf32, #tpu.memory_space<vmem>> -> memref<1x128xf32, #tpu.memory_space<vmem>>
      %dma_start3A_95 = arith.constant 0 : i32
      %dma_start3A_96 = tpu.memref_slice %arg10[%squeeze3A_86, %dma_start3A_95] : memref<4096x128xf32, #tpu.memory_space<vmem_shared>> -> memref<1x128xf32, #tpu.memory_space<vmem_shared>>
      tpu.enqueue_dma source(%dma_start3A_96 : memref<1x128xf32, #tpu.memory_space<vmem_shared>>) target(%dma_start3A_94 : memref<1x128xf32, #tpu.memory_space<vmem>>) target_semaphore(%arg11 : memref<!tpu.dma_semaphore, #tpu.memory_space<semaphore_mem>>)
      %slice3A_97 = vector.extract_strided_slice %min3A_51 {offsets = [4], sizes = [1], strides = [1]} : vector<16xi32> to vector<1xi32>
      %squeeze3A_98 = vector.extract %slice3A_97[0] : i32 from vector<1xi32>
      %dma_start3A_99 = arith.constant 4 : i32
      %dma_start3A_100 = arith.constant 0 : i32
      %dma_start3A_101 = tpu.memref_slice %arg9[%dma_start3A_99, %dma_start3A_100] : memref<16x128xf32, #tpu.memory_space<vmem>> -> memref<1x128xf32, #tpu.memory_space<vmem>>
      %dma_start3A_102 = arith.constant 0 : i32
      %dma_start3A_103 = tpu.memref_slice %arg10[%squeeze3A_98, %dma_start3A_102] : memref<4096x128xf32, #tpu.memory_space<vmem_shared>> -> memref<1x128xf32, #tpu.memory_space<vmem_shared>>
      %dma_start3A_104 = arith.constant 4 : i32
      %dma_start3A_105 = arith.constant 0 : i32
      %dma_start3A_106 = tpu.memref_slice %arg9[%dma_start3A_104, %dma_start3A_105] : memref<16x128xf32, #tpu.memory_space<vmem>> -> memref<1x128xf32, #tpu.memory_space<vmem>>
      %dma_start3A_107 = arith.constant 0 : i32
      %dma_start3A_108 = tpu.memref_slice %arg10[%squeeze3A_98, %dma_start3A_107] : memref<4096x128xf32, #tpu.memory_space<vmem_shared>> -> memref<1x128xf32, #tpu.memory_space<vmem_shared>>
      tpu.enqueue_dma source(%dma_start3A_108 : memref<1x128xf32, #tpu.memory_space<vmem_shared>>) target(%dma_start3A_106 : memref<1x128xf32, #tpu.memory_space<vmem>>) target_semaphore(%arg11 : memref<!tpu.dma_semaphore, #tpu.memory_space<semaphore_mem>>)
      %slice3A_109 = vector.extract_strided_slice %min3A_51 {offsets = [5], sizes = [1], strides = [1]} : vector<16xi32> to vector<1xi32>
      %squeeze3A_110 = vector.extract %slice3A_109[0] : i32 from vector<1xi32>
      %dma_start3A_111 = arith.constant 5 : i32
      %dma_start3A_112 = arith.constant 0 : i32
      %dma_start3A_113 = tpu.memref_slice %arg9[%dma_start3A_111, %dma_start3A_112] : memref<16x128xf32, #tpu.memory_space<vmem>> -> memref<1x128xf32, #tpu.memory_space<vmem>>
      %dma_start3A_114 = arith.constant 0 : i32
      %dma_start3A_115 = tpu.memref_slice %arg10[%squeeze3A_110, %dma_start3A_114] : memref<4096x128xf32, #tpu.memory_space<vmem_shared>> -> memref<1x128xf32, #tpu.memory_space<vmem_shared>>
      %dma_start3A_116 = arith.constant 5 : i32
      %dma_start3A_117 = arith.constant 0 : i32
      %dma_start3A_118 = tpu.memref_slice %arg9[%dma_start3A_116, %dma_start3A_117] : memref<16x128xf32, #tpu.memory_space<vmem>> -> memref<1x128xf32, #tpu.memory_space<vmem>>
      %dma_start3A_119 = arith.constant 0 : i32
      %dma_start3A_120 = tpu.memref_slice %arg10[%squeeze3A_110, %dma_start3A_119] : memref<4096x128xf32, #tpu.memory_space<vmem_shared>> -> memref<1x128xf32, #tpu.memory_space<vmem_shared>>
      tpu.enqueue_dma source(%dma_start3A_120 : memref<1x128xf32, #tpu.memory_space<vmem_shared>>) target(%dma_start3A_118 : memref<1x128xf32, #tpu.memory_space<vmem>>) target_semaphore(%arg11 : memref<!tpu.dma_semaphore, #tpu.memory_space<semaphore_mem>>)
      %slice3A_121 = vector.extract_strided_slice %min3A_51 {offsets = [6], sizes = [1], strides = [1]} : vector<16xi32> to vector<1xi32>
      %squeeze3A_122 = vector.extract %slice3A_121[0] : i32 from vector<1xi32>
      %dma_start3A_123 = arith.constant 6 : i32
      %dma_start3A_124 = arith.constant 0 : i32
      %dma_start3A_125 = tpu.memref_slice %arg9[%dma_start3A_123, %dma_start3A_124] : memref<16x128xf32, #tpu.memory_space<vmem>> -> memref<1x128xf32, #tpu.memory_space<vmem>>
      %dma_start3A_126 = arith.constant 0 : i32
      %dma_start3A_127 = tpu.memref_slice %arg10[%squeeze3A_122, %dma_start3A_126] : memref<4096x128xf32, #tpu.memory_space<vmem_shared>> -> memref<1x128xf32, #tpu.memory_space<vmem_shared>>
      %dma_start3A_128 = arith.constant 6 : i32
      %dma_start3A_129 = arith.constant 0 : i32
      %dma_start3A_130 = tpu.memref_slice %arg9[%dma_start3A_128, %dma_start3A_129] : memref<16x128xf32, #tpu.memory_space<vmem>> -> memref<1x128xf32, #tpu.memory_space<vmem>>
      %dma_start3A_131 = arith.constant 0 : i32
      %dma_start3A_132 = tpu.memref_slice %arg10[%squeeze3A_122, %dma_start3A_131] : memref<4096x128xf32, #tpu.memory_space<vmem_shared>> -> memref<1x128xf32, #tpu.memory_space<vmem_shared>>
      tpu.enqueue_dma source(%dma_start3A_132 : memref<1x128xf32, #tpu.memory_space<vmem_shared>>) target(%dma_start3A_130 : memref<1x128xf32, #tpu.memory_space<vmem>>) target_semaphore(%arg11 : memref<!tpu.dma_semaphore, #tpu.memory_space<semaphore_mem>>)
      %slice3A_133 = vector.extract_strided_slice %min3A_51 {offsets = [7], sizes = [1], strides = [1]} : vector<16xi32> to vector<1xi32>
      %squeeze3A_134 = vector.extract %slice3A_133[0] : i32 from vector<1xi32>
      %dma_start3A_135 = arith.constant 7 : i32
      %dma_start3A_136 = arith.constant 0 : i32
      %dma_start3A_137 = tpu.memref_slice %arg9[%dma_start3A_135, %dma_start3A_136] : memref<16x128xf32, #tpu.memory_space<vmem>> -> memref<1x128xf32, #tpu.memory_space<vmem>>
      %dma_start3A_138 = arith.constant 0 : i32
      %dma_start3A_139 = tpu.memref_slice %arg10[%squeeze3A_134, %dma_start3A_138] : memref<4096x128xf32, #tpu.memory_space<vmem_shared>> -> memref<1x128xf32, #tpu.memory_space<vmem_shared>>
      %dma_start3A_140 = arith.constant 7 : i32
      %dma_start3A_141 = arith.constant 0 : i32
      %dma_start3A_142 = tpu.memref_slice %arg9[%dma_start3A_140, %dma_start3A_141] : memref<16x128xf32, #tpu.memory_space<vmem>> -> memref<1x128xf32, #tpu.memory_space<vmem>>
      %dma_start3A_143 = arith.constant 0 : i32
      %dma_start3A_144 = tpu.memref_slice %arg10[%squeeze3A_134, %dma_start3A_143] : memref<4096x128xf32, #tpu.memory_space<vmem_shared>> -> memref<1x128xf32, #tpu.memory_space<vmem_shared>>
      tpu.enqueue_dma source(%dma_start3A_144 : memref<1x128xf32, #tpu.memory_space<vmem_shared>>) target(%dma_start3A_142 : memref<1x128xf32, #tpu.memory_space<vmem>>) target_semaphore(%arg11 : memref<!tpu.dma_semaphore, #tpu.memory_space<semaphore_mem>>)
      %slice3A_145 = vector.extract_strided_slice %min3A_51 {offsets = [8], sizes = [1], strides = [1]} : vector<16xi32> to vector<1xi32>
      %squeeze3A_146 = vector.extract %slice3A_145[0] : i32 from vector<1xi32>
      %dma_start3A_147 = arith.constant 8 : i32
      %dma_start3A_148 = arith.constant 0 : i32
      %dma_start3A_149 = tpu.memref_slice %arg9[%dma_start3A_147, %dma_start3A_148] : memref<16x128xf32, #tpu.memory_space<vmem>> -> memref<1x128xf32, #tpu.memory_space<vmem>>
      %dma_start3A_150 = arith.constant 0 : i32
      %dma_start3A_151 = tpu.memref_slice %arg10[%squeeze3A_146, %dma_start3A_150] : memref<4096x128xf32, #tpu.memory_space<vmem_shared>> -> memref<1x128xf32, #tpu.memory_space<vmem_shared>>
      %dma_start3A_152 = arith.constant 8 : i32
      %dma_start3A_153 = arith.constant 0 : i32
      %dma_start3A_154 = tpu.memref_slice %arg9[%dma_start3A_152, %dma_start3A_153] : memref<16x128xf32, #tpu.memory_space<vmem>> -> memref<1x128xf32, #tpu.memory_space<vmem>>
      %dma_start3A_155 = arith.constant 0 : i32
      %dma_start3A_156 = tpu.memref_slice %arg10[%squeeze3A_146, %dma_start3A_155] : memref<4096x128xf32, #tpu.memory_space<vmem_shared>> -> memref<1x128xf32, #tpu.memory_space<vmem_shared>>
      tpu.enqueue_dma source(%dma_start3A_156 : memref<1x128xf32, #tpu.memory_space<vmem_shared>>) target(%dma_start3A_154 : memref<1x128xf32, #tpu.memory_space<vmem>>) target_semaphore(%arg11 : memref<!tpu.dma_semaphore, #tpu.memory_space<semaphore_mem>>)
      %slice3A_157 = vector.extract_strided_slice %min3A_51 {offsets = [9], sizes = [1], strides = [1]} : vector<16xi32> to vector<1xi32>
      %squeeze3A_158 = vector.extract %slice3A_157[0] : i32 from vector<1xi32>
      %dma_start3A_159 = arith.constant 9 : i32
      %dma_start3A_160 = arith.constant 0 : i32
      %dma_start3A_161 = tpu.memref_slice %arg9[%dma_start3A_159, %dma_start3A_160] : memref<16x128xf32, #tpu.memory_space<vmem>> -> memref<1x128xf32, #tpu.memory_space<vmem>>
      %dma_start3A_162 = arith.constant 0 : i32
      %dma_start3A_163 = tpu.memref_slice %arg10[%squeeze3A_158, %dma_start3A_162] : memref<4096x128xf32, #tpu.memory_space<vmem_shared>> -> memref<1x128xf32, #tpu.memory_space<vmem_shared>>
      %dma_start3A_164 = arith.constant 9 : i32
      %dma_start3A_165 = arith.constant 0 : i32
      %dma_start3A_166 = tpu.memref_slice %arg9[%dma_start3A_164, %dma_start3A_165] : memref<16x128xf32, #tpu.memory_space<vmem>> -> memref<1x128xf32, #tpu.memory_space<vmem>>
      %dma_start3A_167 = arith.constant 0 : i32
      %dma_start3A_168 = tpu.memref_slice %arg10[%squeeze3A_158, %dma_start3A_167] : memref<4096x128xf32, #tpu.memory_space<vmem_shared>> -> memref<1x128xf32, #tpu.memory_space<vmem_shared>>
      tpu.enqueue_dma source(%dma_start3A_168 : memref<1x128xf32, #tpu.memory_space<vmem_shared>>) target(%dma_start3A_166 : memref<1x128xf32, #tpu.memory_space<vmem>>) target_semaphore(%arg11 : memref<!tpu.dma_semaphore, #tpu.memory_space<semaphore_mem>>)
      %slice3A_169 = vector.extract_strided_slice %min3A_51 {offsets = [10], sizes = [1], strides = [1]} : vector<16xi32> to vector<1xi32>
      %squeeze3A_170 = vector.extract %slice3A_169[0] : i32 from vector<1xi32>
      %dma_start3A_171 = arith.constant 10 : i32
      %dma_start3A_172 = arith.constant 0 : i32
      %dma_start3A_173 = tpu.memref_slice %arg9[%dma_start3A_171, %dma_start3A_172] : memref<16x128xf32, #tpu.memory_space<vmem>> -> memref<1x128xf32, #tpu.memory_space<vmem>>
      %dma_start3A_174 = arith.constant 0 : i32
      %dma_start3A_175 = tpu.memref_slice %arg10[%squeeze3A_170, %dma_start3A_174] : memref<4096x128xf32, #tpu.memory_space<vmem_shared>> -> memref<1x128xf32, #tpu.memory_space<vmem_shared>>
      %dma_start3A_176 = arith.constant 10 : i32
      %dma_start3A_177 = arith.constant 0 : i32
      %dma_start3A_178 = tpu.memref_slice %arg9[%dma_start3A_176, %dma_start3A_177] : memref<16x128xf32, #tpu.memory_space<vmem>> -> memref<1x128xf32, #tpu.memory_space<vmem>>
      %dma_start3A_179 = arith.constant 0 : i32
      %dma_start3A_180 = tpu.memref_slice %arg10[%squeeze3A_170, %dma_start3A_179] : memref<4096x128xf32, #tpu.memory_space<vmem_shared>> -> memref<1x128xf32, #tpu.memory_space<vmem_shared>>
      tpu.enqueue_dma source(%dma_start3A_180 : memref<1x128xf32, #tpu.memory_space<vmem_shared>>) target(%dma_start3A_178 : memref<1x128xf32, #tpu.memory_space<vmem>>) target_semaphore(%arg11 : memref<!tpu.dma_semaphore, #tpu.memory_space<semaphore_mem>>)
      %slice3A_181 = vector.extract_strided_slice %min3A_51 {offsets = [11], sizes = [1], strides = [1]} : vector<16xi32> to vector<1xi32>
      %squeeze3A_182 = vector.extract %slice3A_181[0] : i32 from vector<1xi32>
      %dma_start3A_183 = arith.constant 11 : i32
      %dma_start3A_184 = arith.constant 0 : i32
      %dma_start3A_185 = tpu.memref_slice %arg9[%dma_start3A_183, %dma_start3A_184] : memref<16x128xf32, #tpu.memory_space<vmem>> -> memref<1x128xf32, #tpu.memory_space<vmem>>
      %dma_start3A_186 = arith.constant 0 : i32
      %dma_start3A_187 = tpu.memref_slice %arg10[%squeeze3A_182, %dma_start3A_186] : memref<4096x128xf32, #tpu.memory_space<vmem_shared>> -> memref<1x128xf32, #tpu.memory_space<vmem_shared>>
      %dma_start3A_188 = arith.constant 11 : i32
      %dma_start3A_189 = arith.constant 0 : i32
      %dma_start3A_190 = tpu.memref_slice %arg9[%dma_start3A_188, %dma_start3A_189] : memref<16x128xf32, #tpu.memory_space<vmem>> -> memref<1x128xf32, #tpu.memory_space<vmem>>
      %dma_start3A_191 = arith.constant 0 : i32
      %dma_start3A_192 = tpu.memref_slice %arg10[%squeeze3A_182, %dma_start3A_191] : memref<4096x128xf32, #tpu.memory_space<vmem_shared>> -> memref<1x128xf32, #tpu.memory_space<vmem_shared>>
      tpu.enqueue_dma source(%dma_start3A_192 : memref<1x128xf32, #tpu.memory_space<vmem_shared>>) target(%dma_start3A_190 : memref<1x128xf32, #tpu.memory_space<vmem>>) target_semaphore(%arg11 : memref<!tpu.dma_semaphore, #tpu.memory_space<semaphore_mem>>)
      %slice3A_193 = vector.extract_strided_slice %min3A_51 {offsets = [12], sizes = [1], strides = [1]} : vector<16xi32> to vector<1xi32>
      %squeeze3A_194 = vector.extract %slice3A_193[0] : i32 from vector<1xi32>
      %dma_start3A_195 = arith.constant 12 : i32
      %dma_start3A_196 = arith.constant 0 : i32
      %dma_start3A_197 = tpu.memref_slice %arg9[%dma_start3A_195, %dma_start3A_196] : memref<16x128xf32, #tpu.memory_space<vmem>> -> memref<1x128xf32, #tpu.memory_space<vmem>>
      %dma_start3A_198 = arith.constant 0 : i32
      %dma_start3A_199 = tpu.memref_slice %arg10[%squeeze3A_194, %dma_start3A_198] : memref<4096x128xf32, #tpu.memory_space<vmem_shared>> -> memref<1x128xf32, #tpu.memory_space<vmem_shared>>
      %dma_start3A_200 = arith.constant 12 : i32
      %dma_start3A_201 = arith.constant 0 : i32
      %dma_start3A_202 = tpu.memref_slice %arg9[%dma_start3A_200, %dma_start3A_201] : memref<16x128xf32, #tpu.memory_space<vmem>> -> memref<1x128xf32, #tpu.memory_space<vmem>>
      %dma_start3A_203 = arith.constant 0 : i32
      %dma_start3A_204 = tpu.memref_slice %arg10[%squeeze3A_194, %dma_start3A_203] : memref<4096x128xf32, #tpu.memory_space<vmem_shared>> -> memref<1x128xf32, #tpu.memory_space<vmem_shared>>
      tpu.enqueue_dma source(%dma_start3A_204 : memref<1x128xf32, #tpu.memory_space<vmem_shared>>) target(%dma_start3A_202 : memref<1x128xf32, #tpu.memory_space<vmem>>) target_semaphore(%arg11 : memref<!tpu.dma_semaphore, #tpu.memory_space<semaphore_mem>>)
      %slice3A_205 = vector.extract_strided_slice %min3A_51 {offsets = [13], sizes = [1], strides = [1]} : vector<16xi32> to vector<1xi32>
      %squeeze3A_206 = vector.extract %slice3A_205[0] : i32 from vector<1xi32>
      %dma_start3A_207 = arith.constant 13 : i32
      %dma_start3A_208 = arith.constant 0 : i32
      %dma_start3A_209 = tpu.memref_slice %arg9[%dma_start3A_207, %dma_start3A_208] : memref<16x128xf32, #tpu.memory_space<vmem>> -> memref<1x128xf32, #tpu.memory_space<vmem>>
      %dma_start3A_210 = arith.constant 0 : i32
      %dma_start3A_211 = tpu.memref_slice %arg10[%squeeze3A_206, %dma_start3A_210] : memref<4096x128xf32, #tpu.memory_space<vmem_shared>> -> memref<1x128xf32, #tpu.memory_space<vmem_shared>>
      %dma_start3A_212 = arith.constant 13 : i32
      %dma_start3A_213 = arith.constant 0 : i32
      %dma_start3A_214 = tpu.memref_slice %arg9[%dma_start3A_212, %dma_start3A_213] : memref<16x128xf32, #tpu.memory_space<vmem>> -> memref<1x128xf32, #tpu.memory_space<vmem>>
      %dma_start3A_215 = arith.constant 0 : i32
      %dma_start3A_216 = tpu.memref_slice %arg10[%squeeze3A_206, %dma_start3A_215] : memref<4096x128xf32, #tpu.memory_space<vmem_shared>> -> memref<1x128xf32, #tpu.memory_space<vmem_shared>>
      tpu.enqueue_dma source(%dma_start3A_216 : memref<1x128xf32, #tpu.memory_space<vmem_shared>>) target(%dma_start3A_214 : memref<1x128xf32, #tpu.memory_space<vmem>>) target_semaphore(%arg11 : memref<!tpu.dma_semaphore, #tpu.memory_space<semaphore_mem>>)
      %slice3A_217 = vector.extract_strided_slice %min3A_51 {offsets = [14], sizes = [1], strides = [1]} : vector<16xi32> to vector<1xi32>
      %squeeze3A_218 = vector.extract %slice3A_217[0] : i32 from vector<1xi32>
      %dma_start3A_219 = arith.constant 14 : i32
      %dma_start3A_220 = arith.constant 0 : i32
      %dma_start3A_221 = tpu.memref_slice %arg9[%dma_start3A_219, %dma_start3A_220] : memref<16x128xf32, #tpu.memory_space<vmem>> -> memref<1x128xf32, #tpu.memory_space<vmem>>
      %dma_start3A_222 = arith.constant 0 : i32
      %dma_start3A_223 = tpu.memref_slice %arg10[%squeeze3A_218, %dma_start3A_222] : memref<4096x128xf32, #tpu.memory_space<vmem_shared>> -> memref<1x128xf32, #tpu.memory_space<vmem_shared>>
      %dma_start3A_224 = arith.constant 14 : i32
      %dma_start3A_225 = arith.constant 0 : i32
      %dma_start3A_226 = tpu.memref_slice %arg9[%dma_start3A_224, %dma_start3A_225] : memref<16x128xf32, #tpu.memory_space<vmem>> -> memref<1x128xf32, #tpu.memory_space<vmem>>
      %dma_start3A_227 = arith.constant 0 : i32
      %dma_start3A_228 = tpu.memref_slice %arg10[%squeeze3A_218, %dma_start3A_227] : memref<4096x128xf32, #tpu.memory_space<vmem_shared>> -> memref<1x128xf32, #tpu.memory_space<vmem_shared>>
      tpu.enqueue_dma source(%dma_start3A_228 : memref<1x128xf32, #tpu.memory_space<vmem_shared>>) target(%dma_start3A_226 : memref<1x128xf32, #tpu.memory_space<vmem>>) target_semaphore(%arg11 : memref<!tpu.dma_semaphore, #tpu.memory_space<semaphore_mem>>)
      %slice3A_229 = vector.extract_strided_slice %min3A_51 {offsets = [15], sizes = [1], strides = [1]} : vector<16xi32> to vector<1xi32>
      %squeeze3A_230 = vector.extract %slice3A_229[0] : i32 from vector<1xi32>
      %dma_start3A_231 = arith.constant 15 : i32
      %dma_start3A_232 = arith.constant 0 : i32
      %dma_start3A_233 = tpu.memref_slice %arg9[%dma_start3A_231, %dma_start3A_232] : memref<16x128xf32, #tpu.memory_space<vmem>> -> memref<1x128xf32, #tpu.memory_space<vmem>>
      %dma_start3A_234 = arith.constant 0 : i32
      %dma_start3A_235 = tpu.memref_slice %arg10[%squeeze3A_230, %dma_start3A_234] : memref<4096x128xf32, #tpu.memory_space<vmem_shared>> -> memref<1x128xf32, #tpu.memory_space<vmem_shared>>
      %dma_start3A_236 = arith.constant 15 : i32
      %dma_start3A_237 = arith.constant 0 : i32
      %dma_start3A_238 = tpu.memref_slice %arg9[%dma_start3A_236, %dma_start3A_237] : memref<16x128xf32, #tpu.memory_space<vmem>> -> memref<1x128xf32, #tpu.memory_space<vmem>>
      %dma_start3A_239 = arith.constant 0 : i32
      %dma_start3A_240 = tpu.memref_slice %arg10[%squeeze3A_230, %dma_start3A_239] : memref<4096x128xf32, #tpu.memory_space<vmem_shared>> -> memref<1x128xf32, #tpu.memory_space<vmem_shared>>
      tpu.enqueue_dma source(%dma_start3A_240 : memref<1x128xf32, #tpu.memory_space<vmem_shared>>) target(%dma_start3A_238 : memref<1x128xf32, #tpu.memory_space<vmem>>) target_semaphore(%arg11 : memref<!tpu.dma_semaphore, #tpu.memory_space<semaphore_mem>>)
      %dma_wait3A = arith.constant 0 : i32
      %dma_wait3A_241 = arith.constant 0 : i32
      %dma_wait3A_242 = tpu.memref_slice %arg10[%dma_wait3A, %dma_wait3A_241] : memref<4096x128xf32, #tpu.memory_space<vmem_shared>> -> memref<16x128xf32, #tpu.memory_space<vmem_shared>>
      %dma_wait3A_243 = arith.constant 0 : i32
      %dma_wait3A_244 = arith.constant 0 : i32
      %dma_wait3A_245 = tpu.memref_slice %arg10[%dma_wait3A_243, %dma_wait3A_244] : memref<4096x128xf32, #tpu.memory_space<vmem_shared>> -> memref<16x128xf32, #tpu.memory_space<vmem_shared>>
      tpu.wait_dma2 semaphore(%arg11 : memref<!tpu.dma_semaphore, #tpu.memory_space<semaphore_mem>>) src(%dma_wait3A_245 : memref<16x128xf32, #tpu.memory_space<vmem_shared>>) dst(%arg9 : memref<16x128xf32, #tpu.memory_space<vmem>>)
      %sub3A_246 = arith.subi %scan3A_14, %multiple_of3A : i32
      %min3A_247 = arith.constant 16 : i32
      %min3A_248 = arith.minsi %sub3A_246, %min3A_247 : i32
      %while3A_249 = arith.constant 0 : i32
      %while3A_250 = arith.constant 0 : i32
      %while3A_251 = arith.subi %min3A_248, %while3A_250 : i32
      %while3A_252 = arith.addi %while3A_250, %while3A_251 : i32
      %while3A_253 = arith.constant 1 : i32
      %while3A_254 = arith.divsi %while3A_251, %while3A_253 : i32
      %while3A_255 = arith.muli %while3A_254, %while3A_253 : i32
      %while3A_256 = arith.addi %while3A_250, %while3A_255 : i32
      %while3A_257 = arith.constant 1 : i32
      scf.for %while3A_259 = %while3A_250 to %while3A_256 step %while3A_257  : i32 {
        %add3A_260 = arith.addi %multiple_of3A, %while3A_259 : i32
        %get3A_261 = arith.index_cast %add3A_260 : i32 to index
        %get3A_262 = tpu.vector_load %arg7[%get3A_261] {strides = array<i32>} : memref<4112xi32, #tpu.memory_space<vmem>>, vector<16xi32>,
        %get3A_263 = vector.shape_cast %get3A_262 : vector<16xi32> to vector<16xi32>
        %slice3A_264 = vector.extract_strided_slice %get3A_263 {offsets = [0], sizes = [1], strides = [1]} : vector<16xi32> to vector<1xi32>
        %squeeze3A_265 = vector.extract %slice3A_264[0] : i32 from vector<1xi32>
        %get3A_266 = arith.index_cast %squeeze3A_265 : i32 to index
        %get3A_267 = tpu.vector_load %arg6[%get3A_266] {strides = array<i32>} : memref<4112xi32, #tpu.memory_space<vmem>>, vector<16xi32>,
        %get3A_268 = vector.shape_cast %get3A_267 : vector<16xi32> to vector<16xi32>
        %slice3A_269 = vector.extract_strided_slice %get3A_268 {offsets = [0], sizes = [1], strides = [1]} : vector<16xi32> to vector<1xi32>
        %squeeze3A_270 = vector.extract %slice3A_269[0] : i32 from vector<1xi32>
        %sub3A_271 = arith.subi %squeeze3A_270, %mul3A_2 : i32
        %broadcast_in_dim3A_272 = arith.constant 0.000000e+00 : f32
        %broadcast_in_dim3A_273 = vector.broadcast %broadcast_in_dim3A_272 : f32 to vector<16xf32>
        %get3A_274 = arith.index_cast %sub3A_271 : i32 to index
        %get3A_275 = arith.constant 0 : index
        %get3A_276 = tpu.vector_load %arg8[%get3A_274, %get3A_275] {strides = array<i32>} : memref<32x128xf32, #tpu.memory_space<vmem>>, vector<1x16xf32>,
        %get3A_277 = vector.shape_cast %get3A_276 : vector<1x16xf32> to vector<16xf32>
        %get3A_278 = arith.index_cast %while3A_259 : i32 to index
        %get3A_279 = arith.constant 0 : index
        %get3A_280 = tpu.vector_load %arg9[%get3A_278, %get3A_279] {strides = array<i32>} : memref<16x128xf32, #tpu.memory_space<vmem>>, vector<1x16xf32>,
        %get3A_281 = vector.shape_cast %get3A_280 : vector<1x16xf32> to vector<16xf32>
        %mul3A_282 = arith.constant 9.900000e-01 : f32
        %mul3A_283 = vector.broadcast %mul3A_282 : f32 to vector<16xf32>
        %mul3A_284 = arith.mulf %get3A_277, %mul3A_283 : vector<16xf32>
        %mul3A_285 = arith.constant 0.00999999977 : f32
        %mul3A_286 = vector.broadcast %mul3A_285 : f32 to vector<16xf32>
        %mul3A_287 = arith.mulf %get3A_281, %mul3A_286 : vector<16xf32>
        %add3A_288 = arith.addf %mul3A_284, %mul3A_287 : vector<16xf32>
        %mul3A_289 = arith.mulf %add3A_288, %add3A_288 : vector<16xf32>
        %add3A_290 = arith.addf %broadcast_in_dim3A_273, %mul3A_289 : vector<16xf32>
        %get3A_291 = arith.index_cast %sub3A_271 : i32 to index
        %get3A_292 = arith.constant 16 : index
        %get3A_293 = tpu.vector_load %arg8[%get3A_291, %get3A_292] {strides = array<i32>} : memref<32x128xf32, #tpu.memory_space<vmem>>, vector<1x16xf32>,
        %get3A_294 = vector.shape_cast %get3A_293 : vector<1x16xf32> to vector<16xf32>
        %get3A_295 = arith.index_cast %while3A_259 : i32 to index
        %get3A_296 = arith.constant 16 : index
        %get3A_297 = tpu.vector_load %arg9[%get3A_295, %get3A_296] {strides = array<i32>} : memref<16x128xf32, #tpu.memory_space<vmem>>, vector<1x16xf32>,
        %get3A_298 = vector.shape_cast %get3A_297 : vector<1x16xf32> to vector<16xf32>
        %mul3A_299 = arith.constant 9.900000e-01 : f32
        %mul3A_300 = vector.broadcast %mul3A_299 : f32 to vector<16xf32>
        %mul3A_301 = arith.mulf %get3A_294, %mul3A_300 : vector<16xf32>
        %mul3A_302 = arith.constant 0.00999999977 : f32
        %mul3A_303 = vector.broadcast %mul3A_302 : f32 to vector<16xf32>
        %mul3A_304 = arith.mulf %get3A_298, %mul3A_303 : vector<16xf32>
        %add3A_305 = arith.addf %mul3A_301, %mul3A_304 : vector<16xf32>
        %mul3A_306 = arith.mulf %add3A_305, %add3A_305 : vector<16xf32>
        %add3A_307 = arith.addf %add3A_290, %mul3A_306 : vector<16xf32>
        %get3A_308 = arith.index_cast %sub3A_271 : i32 to index
        %get3A_309 = arith.constant 32 : index
        %get3A_310 = tpu.vector_load %arg8[%get3A_308, %get3A_309] {strides = array<i32>} : memref<32x128xf32, #tpu.memory_space<vmem>>, vector<1x16xf32>,
        %get3A_311 = vector.shape_cast %get3A_310 : vector<1x16xf32> to vector<16xf32>
        %get3A_312 = arith.index_cast %while3A_259 : i32 to index
        %get3A_313 = arith.constant 32 : index
        %get3A_314 = tpu.vector_load %arg9[%get3A_312, %get3A_313] {strides = array<i32>} : memref<16x128xf32, #tpu.memory_space<vmem>>, vector<1x16xf32>,
        %get3A_315 = vector.shape_cast %get3A_314 : vector<1x16xf32> to vector<16xf32>
        %mul3A_316 = arith.constant 9.900000e-01 : f32
        %mul3A_317 = vector.broadcast %mul3A_316 : f32 to vector<16xf32>
        %mul3A_318 = arith.mulf %get3A_311, %mul3A_317 : vector<16xf32>
        %mul3A_319 = arith.constant 0.00999999977 : f32
        %mul3A_320 = vector.broadcast %mul3A_319 : f32 to vector<16xf32>
        %mul3A_321 = arith.mulf %get3A_315, %mul3A_320 : vector<16xf32>
        %add3A_322 = arith.addf %mul3A_318, %mul3A_321 : vector<16xf32>
        %mul3A_323 = arith.mulf %add3A_322, %add3A_322 : vector<16xf32>
        %add3A_324 = arith.addf %add3A_307, %mul3A_323 : vector<16xf32>
        %get3A_325 = arith.index_cast %sub3A_271 : i32 to index
        %get3A_326 = arith.constant 48 : index
        %get3A_327 = tpu.vector_load %arg8[%get3A_325, %get3A_326] {strides = array<i32>} : memref<32x128xf32, #tpu.memory_space<vmem>>, vector<1x16xf32>,
        %get3A_328 = vector.shape_cast %get3A_327 : vector<1x16xf32> to vector<16xf32>
        %get3A_329 = arith.index_cast %while3A_259 : i32 to index
        %get3A_330 = arith.constant 48 : index
        %get3A_331 = tpu.vector_load %arg9[%get3A_329, %get3A_330] {strides = array<i32>} : memref<16x128xf32, #tpu.memory_space<vmem>>, vector<1x16xf32>,
        %get3A_332 = vector.shape_cast %get3A_331 : vector<1x16xf32> to vector<16xf32>
        %mul3A_333 = arith.constant 9.900000e-01 : f32
        %mul3A_334 = vector.broadcast %mul3A_333 : f32 to vector<16xf32>
        %mul3A_335 = arith.mulf %get3A_328, %mul3A_334 : vector<16xf32>
        %mul3A_336 = arith.constant 0.00999999977 : f32
        %mul3A_337 = vector.broadcast %mul3A_336 : f32 to vector<16xf32>
        %mul3A_338 = arith.mulf %get3A_332, %mul3A_337 : vector<16xf32>
        %add3A_339 = arith.addf %mul3A_335, %mul3A_338 : vector<16xf32>
        %mul3A_340 = arith.mulf %add3A_339, %add3A_339 : vector<16xf32>
        %add3A_341 = arith.addf %add3A_324, %mul3A_340 : vector<16xf32>
        %get3A_342 = arith.index_cast %sub3A_271 : i32 to index
        %get3A_343 = arith.constant 64 : index
        %get3A_344 = tpu.vector_load %arg8[%get3A_342, %get3A_343] {strides = array<i32>} : memref<32x128xf32, #tpu.memory_space<vmem>>, vector<1x16xf32>,
        %get3A_345 = vector.shape_cast %get3A_344 : vector<1x16xf32> to vector<16xf32>
        %get3A_346 = arith.index_cast %while3A_259 : i32 to index
        %get3A_347 = arith.constant 64 : index
        %get3A_348 = tpu.vector_load %arg9[%get3A_346, %get3A_347] {strides = array<i32>} : memref<16x128xf32, #tpu.memory_space<vmem>>, vector<1x16xf32>,
        %get3A_349 = vector.shape_cast %get3A_348 : vector<1x16xf32> to vector<16xf32>
        %mul3A_350 = arith.constant 9.900000e-01 : f32
        %mul3A_351 = vector.broadcast %mul3A_350 : f32 to vector<16xf32>
        %mul3A_352 = arith.mulf %get3A_345, %mul3A_351 : vector<16xf32>
        %mul3A_353 = arith.constant 0.00999999977 : f32
        %mul3A_354 = vector.broadcast %mul3A_353 : f32 to vector<16xf32>
        %mul3A_355 = arith.mulf %get3A_349, %mul3A_354 : vector<16xf32>
        %add3A_356 = arith.addf %mul3A_352, %mul3A_355 : vector<16xf32>
        %mul3A_357 = arith.mulf %add3A_356, %add3A_356 : vector<16xf32>
        %add3A_358 = arith.addf %add3A_341, %mul3A_357 : vector<16xf32>
        %get3A_359 = arith.index_cast %sub3A_271 : i32 to index
        %get3A_360 = arith.constant 80 : index
        %get3A_361 = tpu.vector_load %arg8[%get3A_359, %get3A_360] {strides = array<i32>} : memref<32x128xf32, #tpu.memory_space<vmem>>, vector<1x16xf32>,
        %get3A_362 = vector.shape_cast %get3A_361 : vector<1x16xf32> to vector<16xf32>
        %get3A_363 = arith.index_cast %while3A_259 : i32 to index
        %get3A_364 = arith.constant 80 : index
        %get3A_365 = tpu.vector_load %arg9[%get3A_363, %get3A_364] {strides = array<i32>} : memref<16x128xf32, #tpu.memory_space<vmem>>, vector<1x16xf32>,
        %get3A_366 = vector.shape_cast %get3A_365 : vector<1x16xf32> to vector<16xf32>
        %mul3A_367 = arith.constant 9.900000e-01 : f32
        %mul3A_368 = vector.broadcast %mul3A_367 : f32 to vector<16xf32>
        %mul3A_369 = arith.mulf %get3A_362, %mul3A_368 : vector<16xf32>
        %mul3A_370 = arith.constant 0.00999999977 : f32
        %mul3A_371 = vector.broadcast %mul3A_370 : f32 to vector<16xf32>
        %mul3A_372 = arith.mulf %get3A_366, %mul3A_371 : vector<16xf32>
        %add3A_373 = arith.addf %mul3A_369, %mul3A_372 : vector<16xf32>
        %mul3A_374 = arith.mulf %add3A_373, %add3A_373 : vector<16xf32>
        %add3A_375 = arith.addf %add3A_358, %mul3A_374 : vector<16xf32>
        %get3A_376 = arith.index_cast %sub3A_271 : i32 to index
        %get3A_377 = arith.constant 96 : index
        %get3A_378 = tpu.vector_load %arg8[%get3A_376, %get3A_377] {strides = array<i32>} : memref<32x128xf32, #tpu.memory_space<vmem>>, vector<1x16xf32>,
        %get3A_379 = vector.shape_cast %get3A_378 : vector<1x16xf32> to vector<16xf32>
        %get3A_380 = arith.index_cast %while3A_259 : i32 to index
        %get3A_381 = arith.constant 96 : index
        %get3A_382 = tpu.vector_load %arg9[%get3A_380, %get3A_381] {strides = array<i32>} : memref<16x128xf32, #tpu.memory_space<vmem>>, vector<1x16xf32>,
        %get3A_383 = vector.shape_cast %get3A_382 : vector<1x16xf32> to vector<16xf32>
        %mul3A_384 = arith.constant 9.900000e-01 : f32
        %mul3A_385 = vector.broadcast %mul3A_384 : f32 to vector<16xf32>
        %mul3A_386 = arith.mulf %get3A_379, %mul3A_385 : vector<16xf32>
        %mul3A_387 = arith.constant 0.00999999977 : f32
        %mul3A_388 = vector.broadcast %mul3A_387 : f32 to vector<16xf32>
        %mul3A_389 = arith.mulf %get3A_383, %mul3A_388 : vector<16xf32>
        %add3A_390 = arith.addf %mul3A_386, %mul3A_389 : vector<16xf32>
        %mul3A_391 = arith.mulf %add3A_390, %add3A_390 : vector<16xf32>
        %add3A_392 = arith.addf %add3A_375, %mul3A_391 : vector<16xf32>
        %get3A_393 = arith.index_cast %sub3A_271 : i32 to index
        %get3A_394 = arith.constant 112 : index
        %get3A_395 = tpu.vector_load %arg8[%get3A_393, %get3A_394] {strides = array<i32>} : memref<32x128xf32, #tpu.memory_space<vmem>>, vector<1x16xf32>,
        %get3A_396 = vector.shape_cast %get3A_395 : vector<1x16xf32> to vector<16xf32>
        %get3A_397 = arith.index_cast %while3A_259 : i32 to index
        %get3A_398 = arith.constant 112 : index
        %get3A_399 = tpu.vector_load %arg9[%get3A_397, %get3A_398] {strides = array<i32>} : memref<16x128xf32, #tpu.memory_space<vmem>>, vector<1x16xf32>,
        %get3A_400 = vector.shape_cast %get3A_399 : vector<1x16xf32> to vector<16xf32>
        %mul3A_401 = arith.constant 9.900000e-01 : f32
        %mul3A_402 = vector.broadcast %mul3A_401 : f32 to vector<16xf32>
        %mul3A_403 = arith.mulf %get3A_396, %mul3A_402 : vector<16xf32>
        %mul3A_404 = arith.constant 0.00999999977 : f32
        %mul3A_405 = vector.broadcast %mul3A_404 : f32 to vector<16xf32>
        %mul3A_406 = arith.mulf %get3A_400, %mul3A_405 : vector<16xf32>
        %add3A_407 = arith.addf %mul3A_403, %mul3A_406 : vector<16xf32>
        %mul3A_408 = arith.mulf %add3A_407, %add3A_407 : vector<16xf32>
        %add3A_409 = arith.addf %add3A_392, %mul3A_408 : vector<16xf32>
        %rev3A = arith.constant 15 : i32
        %rev3A_410 = vector.broadcast %rev3A : i32 to vector<16xi32>
        %rev3A_411 = tpu.iota {dimensions = array<i32: 0>} : vector<16xi32>
        %rev3A_412 = arith.subi %rev3A_410, %rev3A_411 : vector<16xi32>
        %rev3A_413 = tpu.dynamic_gather %add3A_409[%rev3A_412] in [0] : vector<16xf32>, vector<16xi32> -> vector<16xf32>
        %add3A_414 = arith.addf %add3A_409, %rev3A_413 : vector<16xf32>
        %slice3A_415 = vector.extract_strided_slice %add3A_414 {offsets = [0], sizes = [1], strides = [1]} : vector<16xf32> to vector<1xf32>
        %squeeze3A_416 = vector.extract %slice3A_415[0] : f32 from vector<1xf32>
        %slice3A_417 = vector.extract_strided_slice %add3A_414 {offsets = [1], sizes = [1], strides = [1]} : vector<16xf32> to vector<1xf32>
        %squeeze3A_418 = vector.extract %slice3A_417[0] : f32 from vector<1xf32>
        %add3A_419 = arith.addf %squeeze3A_416, %squeeze3A_418 : f32
        %slice3A_420 = vector.extract_strided_slice %add3A_414 {offsets = [2], sizes = [1], strides = [1]} : vector<16xf32> to vector<1xf32>
        %squeeze3A_421 = vector.extract %slice3A_420[0] : f32 from vector<1xf32>
        %add3A_422 = arith.addf %add3A_419, %squeeze3A_421 : f32
        %slice3A_423 = vector.extract_strided_slice %add3A_414 {offsets = [3], sizes = [1], strides = [1]} : vector<16xf32> to vector<1xf32>
        %squeeze3A_424 = vector.extract %slice3A_423[0] : f32 from vector<1xf32>
        %add3A_425 = arith.addf %add3A_422, %squeeze3A_424 : f32
        %slice3A_426 = vector.extract_strided_slice %add3A_414 {offsets = [4], sizes = [1], strides = [1]} : vector<16xf32> to vector<1xf32>
        %squeeze3A_427 = vector.extract %slice3A_426[0] : f32 from vector<1xf32>
        %add3A_428 = arith.addf %add3A_425, %squeeze3A_427 : f32
        %slice3A_429 = vector.extract_strided_slice %add3A_414 {offsets = [5], sizes = [1], strides = [1]} : vector<16xf32> to vector<1xf32>
        %squeeze3A_430 = vector.extract %slice3A_429[0] : f32 from vector<1xf32>
        %add3A_431 = arith.addf %add3A_428, %squeeze3A_430 : f32
        %slice3A_432 = vector.extract_strided_slice %add3A_414 {offsets = [6], sizes = [1], strides = [1]} : vector<16xf32> to vector<1xf32>
        %squeeze3A_433 = vector.extract %slice3A_432[0] : f32 from vector<1xf32>
        %add3A_434 = arith.addf %add3A_431, %squeeze3A_433 : f32
        %slice3A_435 = vector.extract_strided_slice %add3A_414 {offsets = [7], sizes = [1], strides = [1]} : vector<16xf32> to vector<1xf32>
        %squeeze3A_436 = vector.extract %slice3A_435[0] : f32 from vector<1xf32>
        %add3A_437 = arith.addf %add3A_434, %squeeze3A_436 : f32
        %max3A_438 = arith.constant 1.000000e-30 : f32
        %max3A_439 = arith.maximumf %add3A_437, %max3A_438 : f32
        %bitcast_convert_type3A = arith.bitcast %max3A_439 : f32 to i32
        %shift_right_arithmetic3A = arith.constant 1 : i32
        %shift_right_arithmetic3A_440 = arith.shrsi %bitcast_convert_type3A, %shift_right_arithmetic3A : i32
        %sub3A_441 = arith.constant 1597463007 : i32
        %sub3A_442 = arith.subi %sub3A_441, %shift_right_arithmetic3A_440 : i32
        %bitcast_convert_type3A_443 = arith.bitcast %sub3A_442 : i32 to f32
        %mul3A_444 = arith.constant 5.000000e-01 : f32
        %mul3A_445 = arith.mulf %mul3A_444, %max3A_439 : f32
        %mul3A_446 = arith.mulf %mul3A_445, %bitcast_convert_type3A_443 : f32
        %mul3A_447 = arith.mulf %mul3A_446, %bitcast_convert_type3A_443 : f32
        %sub3A_448 = arith.constant 1.500000e+00 : f32
        %sub3A_449 = arith.subf %sub3A_448, %mul3A_447 : f32
        %mul3A_450 = arith.mulf %bitcast_convert_type3A_443, %sub3A_449 : f32
        %mul3A_451 = arith.constant 5.000000e-01 : f32
        %mul3A_452 = arith.mulf %mul3A_451, %max3A_439 : f32
        %mul3A_453 = arith.mulf %mul3A_452, %mul3A_450 : f32
        %mul3A_454 = arith.mulf %mul3A_453, %mul3A_450 : f32
        %sub3A_455 = arith.constant 1.500000e+00 : f32
        %sub3A_456 = arith.subf %sub3A_455, %mul3A_454 : f32
        %mul3A_457 = arith.mulf %mul3A_450, %sub3A_456 : f32
        %mul3A_458 = arith.constant 5.000000e-01 : f32
        %mul3A_459 = arith.mulf %mul3A_458, %max3A_439 : f32
        %mul3A_460 = arith.mulf %mul3A_459, %mul3A_457 : f32
        %mul3A_461 = arith.mulf %mul3A_460, %mul3A_457 : f32
        %sub3A_462 = arith.constant 1.500000e+00 : f32
        %sub3A_463 = arith.subf %sub3A_462, %mul3A_461 : f32
        %mul3A_464 = arith.mulf %mul3A_457, %sub3A_463 : f32
        %mul3A_465 = arith.mulf %max3A_439, %mul3A_464 : f32
        %gt3A = arith.constant 9.99999996E-13 : f32
        %gt3A_466 = arith.cmpf ogt, %mul3A_465, %gt3A : f32
        %jit3A_467 = arith.constant 9.99999995E+11 : f32
        %select_n3A_468 = arith.select %gt3A_466, %mul3A_464, %jit3A_467 : f32
        %mul3A_469 = vector.broadcast %select_n3A_468 : f32 to vector<16xf32>
        %mul3A_470 = arith.mulf %add3A_288, %mul3A_469 : vector<16xf32>
        %swap3A = arith.index_cast %sub3A_271 : i32 to index
        %swap3A_471 = arith.constant 0 : index
        %swap3A_472 = tpu.vector_load %arg8[%swap3A, %swap3A_471] {strides = array<i32>} : memref<32x128xf32, #tpu.memory_space<vmem>>, vector<1x16xf32>,
        %swap3A_473 = vector.shape_cast %swap3A_472 : vector<1x16xf32> to vector<16xf32>
        %swap3A_474 = vector.shape_cast %mul3A_470 : vector<16xf32> to vector<1x16xf32>
        tpu.vector_store %arg8[%swap3A, %swap3A_471], %swap3A_474 {strides = array<i32>} : memref<32x128xf32, #tpu.memory_space<vmem>>, vector<1x16xf32>,
        %mul3A_475 = vector.broadcast %select_n3A_468 : f32 to vector<16xf32>
        %mul3A_476 = arith.mulf %add3A_305, %mul3A_475 : vector<16xf32>
        %swap3A_477 = arith.index_cast %sub3A_271 : i32 to index
        %swap3A_478 = arith.constant 16 : index
        %swap3A_479 = tpu.vector_load %arg8[%swap3A_477, %swap3A_478] {strides = array<i32>} : memref<32x128xf32, #tpu.memory_space<vmem>>, vector<1x16xf32>,
        %swap3A_480 = vector.shape_cast %swap3A_479 : vector<1x16xf32> to vector<16xf32>
        %swap3A_481 = vector.shape_cast %mul3A_476 : vector<16xf32> to vector<1x16xf32>
        tpu.vector_store %arg8[%swap3A_477, %swap3A_478], %swap3A_481 {strides = array<i32>} : memref<32x128xf32, #tpu.memory_space<vmem>>, vector<1x16xf32>,
        %mul3A_482 = vector.broadcast %select_n3A_468 : f32 to vector<16xf32>
        %mul3A_483 = arith.mulf %add3A_322, %mul3A_482 : vector<16xf32>
        %swap3A_484 = arith.index_cast %sub3A_271 : i32 to index
        %swap3A_485 = arith.constant 32 : index
        %swap3A_486 = tpu.vector_load %arg8[%swap3A_484, %swap3A_485] {strides = array<i32>} : memref<32x128xf32, #tpu.memory_space<vmem>>, vector<1x16xf32>,
        %swap3A_487 = vector.shape_cast %swap3A_486 : vector<1x16xf32> to vector<16xf32>
        %swap3A_488 = vector.shape_cast %mul3A_483 : vector<16xf32> to vector<1x16xf32>
        tpu.vector_store %arg8[%swap3A_484, %swap3A_485], %swap3A_488 {strides = array<i32>} : memref<32x128xf32, #tpu.memory_space<vmem>>, vector<1x16xf32>,
        %mul3A_489 = vector.broadcast %select_n3A_468 : f32 to vector<16xf32>
        %mul3A_490 = arith.mulf %add3A_339, %mul3A_489 : vector<16xf32>
        %swap3A_491 = arith.index_cast %sub3A_271 : i32 to index
        %swap3A_492 = arith.constant 48 : index
        %swap3A_493 = tpu.vector_load %arg8[%swap3A_491, %swap3A_492] {strides = array<i32>} : memref<32x128xf32, #tpu.memory_space<vmem>>, vector<1x16xf32>,
        %swap3A_494 = vector.shape_cast %swap3A_493 : vector<1x16xf32> to vector<16xf32>
        %swap3A_495 = vector.shape_cast %mul3A_490 : vector<16xf32> to vector<1x16xf32>
        tpu.vector_store %arg8[%swap3A_491, %swap3A_492], %swap3A_495 {strides = array<i32>} : memref<32x128xf32, #tpu.memory_space<vmem>>, vector<1x16xf32>,
        %mul3A_496 = vector.broadcast %select_n3A_468 : f32 to vector<16xf32>
        %mul3A_497 = arith.mulf %add3A_356, %mul3A_496 : vector<16xf32>
        %swap3A_498 = arith.index_cast %sub3A_271 : i32 to index
        %swap3A_499 = arith.constant 64 : index
        %swap3A_500 = tpu.vector_load %arg8[%swap3A_498, %swap3A_499] {strides = array<i32>} : memref<32x128xf32, #tpu.memory_space<vmem>>, vector<1x16xf32>,
        %swap3A_501 = vector.shape_cast %swap3A_500 : vector<1x16xf32> to vector<16xf32>
        %swap3A_502 = vector.shape_cast %mul3A_497 : vector<16xf32> to vector<1x16xf32>
        tpu.vector_store %arg8[%swap3A_498, %swap3A_499], %swap3A_502 {strides = array<i32>} : memref<32x128xf32, #tpu.memory_space<vmem>>, vector<1x16xf32>,
        %mul3A_503 = vector.broadcast %select_n3A_468 : f32 to vector<16xf32>
        %mul3A_504 = arith.mulf %add3A_373, %mul3A_503 : vector<16xf32>
        %swap3A_505 = arith.index_cast %sub3A_271 : i32 to index
        %swap3A_506 = arith.constant 80 : index
        %swap3A_507 = tpu.vector_load %arg8[%swap3A_505, %swap3A_506] {strides = array<i32>} : memref<32x128xf32, #tpu.memory_space<vmem>>, vector<1x16xf32>,
        %swap3A_508 = vector.shape_cast %swap3A_507 : vector<1x16xf32> to vector<16xf32>
        %swap3A_509 = vector.shape_cast %mul3A_504 : vector<16xf32> to vector<1x16xf32>
        tpu.vector_store %arg8[%swap3A_505, %swap3A_506], %swap3A_509 {strides = array<i32>} : memref<32x128xf32, #tpu.memory_space<vmem>>, vector<1x16xf32>,
        %mul3A_510 = vector.broadcast %select_n3A_468 : f32 to vector<16xf32>
        %mul3A_511 = arith.mulf %add3A_390, %mul3A_510 : vector<16xf32>
        %swap3A_512 = arith.index_cast %sub3A_271 : i32 to index
        %swap3A_513 = arith.constant 96 : index
        %swap3A_514 = tpu.vector_load %arg8[%swap3A_512, %swap3A_513] {strides = array<i32>} : memref<32x128xf32, #tpu.memory_space<vmem>>, vector<1x16xf32>,
        %swap3A_515 = vector.shape_cast %swap3A_514 : vector<1x16xf32> to vector<16xf32>
        %swap3A_516 = vector.shape_cast %mul3A_511 : vector<16xf32> to vector<1x16xf32>
        tpu.vector_store %arg8[%swap3A_512, %swap3A_513], %swap3A_516 {strides = array<i32>} : memref<32x128xf32, #tpu.memory_space<vmem>>, vector<1x16xf32>,
        %mul3A_517 = vector.broadcast %select_n3A_468 : f32 to vector<16xf32>
        %mul3A_518 = arith.mulf %add3A_407, %mul3A_517 : vector<16xf32>
        %swap3A_519 = arith.index_cast %sub3A_271 : i32 to index
        %swap3A_520 = arith.constant 112 : index
        %swap3A_521 = tpu.vector_load %arg8[%swap3A_519, %swap3A_520] {strides = array<i32>} : memref<32x128xf32, #tpu.memory_space<vmem>>, vector<1x16xf32>,
        %swap3A_522 = vector.shape_cast %swap3A_521 : vector<1x16xf32> to vector<16xf32>
        %swap3A_523 = vector.shape_cast %mul3A_518 : vector<16xf32> to vector<1x16xf32>
        tpu.vector_store %arg8[%swap3A_519, %swap3A_520], %swap3A_523 {strides = array<i32>} : memref<32x128xf32, #tpu.memory_space<vmem>>, vector<1x16xf32>,
      }
      %while3A_258 = arith.constant 1 : i32
      scf.for %while3A_259 = %while3A_256 to %while3A_252 step %while3A_258  : i32 {
        %add3A_260 = arith.addi %multiple_of3A, %while3A_259 : i32
        %get3A_261 = arith.index_cast %add3A_260 : i32 to index
        %get3A_262 = tpu.vector_load %arg7[%get3A_261] {strides = array<i32>} : memref<4112xi32, #tpu.memory_space<vmem>>, vector<16xi32>,
        %get3A_263 = vector.shape_cast %get3A_262 : vector<16xi32> to vector<16xi32>
        %slice3A_264 = vector.extract_strided_slice %get3A_263 {offsets = [0], sizes = [1], strides = [1]} : vector<16xi32> to vector<1xi32>
        %squeeze3A_265 = vector.extract %slice3A_264[0] : i32 from vector<1xi32>
        %get3A_266 = arith.index_cast %squeeze3A_265 : i32 to index
        %get3A_267 = tpu.vector_load %arg6[%get3A_266] {strides = array<i32>} : memref<4112xi32, #tpu.memory_space<vmem>>, vector<16xi32>,
        %get3A_268 = vector.shape_cast %get3A_267 : vector<16xi32> to vector<16xi32>
        %slice3A_269 = vector.extract_strided_slice %get3A_268 {offsets = [0], sizes = [1], strides = [1]} : vector<16xi32> to vector<1xi32>
        %squeeze3A_270 = vector.extract %slice3A_269[0] : i32 from vector<1xi32>
        %sub3A_271 = arith.subi %squeeze3A_270, %mul3A_2 : i32
        %broadcast_in_dim3A_272 = arith.constant 0.000000e+00 : f32
        %broadcast_in_dim3A_273 = vector.broadcast %broadcast_in_dim3A_272 : f32 to vector<16xf32>
        %get3A_274 = arith.index_cast %sub3A_271 : i32 to index
        %get3A_275 = arith.constant 0 : index
        %get3A_276 = tpu.vector_load %arg8[%get3A_274, %get3A_275] {strides = array<i32>} : memref<32x128xf32, #tpu.memory_space<vmem>>, vector<1x16xf32>,
        %get3A_277 = vector.shape_cast %get3A_276 : vector<1x16xf32> to vector<16xf32>
        %get3A_278 = arith.index_cast %while3A_259 : i32 to index
        %get3A_279 = arith.constant 0 : index
        %get3A_280 = tpu.vector_load %arg9[%get3A_278, %get3A_279] {strides = array<i32>} : memref<16x128xf32, #tpu.memory_space<vmem>>, vector<1x16xf32>,
        %get3A_281 = vector.shape_cast %get3A_280 : vector<1x16xf32> to vector<16xf32>
        %mul3A_282 = arith.constant 9.900000e-01 : f32
        %mul3A_283 = vector.broadcast %mul3A_282 : f32 to vector<16xf32>
        %mul3A_284 = arith.mulf %get3A_277, %mul3A_283 : vector<16xf32>
        %mul3A_285 = arith.constant 0.00999999977 : f32
        %mul3A_286 = vector.broadcast %mul3A_285 : f32 to vector<16xf32>
        %mul3A_287 = arith.mulf %get3A_281, %mul3A_286 : vector<16xf32>
        %add3A_288 = arith.addf %mul3A_284, %mul3A_287 : vector<16xf32>
        %mul3A_289 = arith.mulf %add3A_288, %add3A_288 : vector<16xf32>
        %add3A_290 = arith.addf %broadcast_in_dim3A_273, %mul3A_289 : vector<16xf32>
        %get3A_291 = arith.index_cast %sub3A_271 : i32 to index
        %get3A_292 = arith.constant 16 : index
        %get3A_293 = tpu.vector_load %arg8[%get3A_291, %get3A_292] {strides = array<i32>} : memref<32x128xf32, #tpu.memory_space<vmem>>, vector<1x16xf32>,
        %get3A_294 = vector.shape_cast %get3A_293 : vector<1x16xf32> to vector<16xf32>
        %get3A_295 = arith.index_cast %while3A_259 : i32 to index
        %get3A_296 = arith.constant 16 : index
        %get3A_297 = tpu.vector_load %arg9[%get3A_295, %get3A_296] {strides = array<i32>} : memref<16x128xf32, #tpu.memory_space<vmem>>, vector<1x16xf32>,
        %get3A_298 = vector.shape_cast %get3A_297 : vector<1x16xf32> to vector<16xf32>
        %mul3A_299 = arith.constant 9.900000e-01 : f32
        %mul3A_300 = vector.broadcast %mul3A_299 : f32 to vector<16xf32>
        %mul3A_301 = arith.mulf %get3A_294, %mul3A_300 : vector<16xf32>
        %mul3A_302 = arith.constant 0.00999999977 : f32
        %mul3A_303 = vector.broadcast %mul3A_302 : f32 to vector<16xf32>
        %mul3A_304 = arith.mulf %get3A_298, %mul3A_303 : vector<16xf32>
        %add3A_305 = arith.addf %mul3A_301, %mul3A_304 : vector<16xf32>
        %mul3A_306 = arith.mulf %add3A_305, %add3A_305 : vector<16xf32>
        %add3A_307 = arith.addf %add3A_290, %mul3A_306 : vector<16xf32>
        %get3A_308 = arith.index_cast %sub3A_271 : i32 to index
        %get3A_309 = arith.constant 32 : index
        %get3A_310 = tpu.vector_load %arg8[%get3A_308, %get3A_309] {strides = array<i32>} : memref<32x128xf32, #tpu.memory_space<vmem>>, vector<1x16xf32>,
        %get3A_311 = vector.shape_cast %get3A_310 : vector<1x16xf32> to vector<16xf32>
        %get3A_312 = arith.index_cast %while3A_259 : i32 to index
        %get3A_313 = arith.constant 32 : index
        %get3A_314 = tpu.vector_load %arg9[%get3A_312, %get3A_313] {strides = array<i32>} : memref<16x128xf32, #tpu.memory_space<vmem>>, vector<1x16xf32>,
        %get3A_315 = vector.shape_cast %get3A_314 : vector<1x16xf32> to vector<16xf32>
        %mul3A_316 = arith.constant 9.900000e-01 : f32
        %mul3A_317 = vector.broadcast %mul3A_316 : f32 to vector<16xf32>
        %mul3A_318 = arith.mulf %get3A_311, %mul3A_317 : vector<16xf32>
        %mul3A_319 = arith.constant 0.00999999977 : f32
        %mul3A_320 = vector.broadcast %mul3A_319 : f32 to vector<16xf32>
        %mul3A_321 = arith.mulf %get3A_315, %mul3A_320 : vector<16xf32>
        %add3A_322 = arith.addf %mul3A_318, %mul3A_321 : vector<16xf32>
        %mul3A_323 = arith.mulf %add3A_322, %add3A_322 : vector<16xf32>
        %add3A_324 = arith.addf %add3A_307, %mul3A_323 : vector<16xf32>
        %get3A_325 = arith.index_cast %sub3A_271 : i32 to index
        %get3A_326 = arith.constant 48 : index
        %get3A_327 = tpu.vector_load %arg8[%get3A_325, %get3A_326] {strides = array<i32>} : memref<32x128xf32, #tpu.memory_space<vmem>>, vector<1x16xf32>,
        %get3A_328 = vector.shape_cast %get3A_327 : vector<1x16xf32> to vector<16xf32>
        %get3A_329 = arith.index_cast %while3A_259 : i32 to index
        %get3A_330 = arith.constant 48 : index
        %get3A_331 = tpu.vector_load %arg9[%get3A_329, %get3A_330] {strides = array<i32>} : memref<16x128xf32, #tpu.memory_space<vmem>>, vector<1x16xf32>,
        %get3A_332 = vector.shape_cast %get3A_331 : vector<1x16xf32> to vector<16xf32>
        %mul3A_333 = arith.constant 9.900000e-01 : f32
        %mul3A_334 = vector.broadcast %mul3A_333 : f32 to vector<16xf32>
        %mul3A_335 = arith.mulf %get3A_328, %mul3A_334 : vector<16xf32>
        %mul3A_336 = arith.constant 0.00999999977 : f32
        %mul3A_337 = vector.broadcast %mul3A_336 : f32 to vector<16xf32>
        %mul3A_338 = arith.mulf %get3A_332, %mul3A_337 : vector<16xf32>
        %add3A_339 = arith.addf %mul3A_335, %mul3A_338 : vector<16xf32>
        %mul3A_340 = arith.mulf %add3A_339, %add3A_339 : vector<16xf32>
        %add3A_341 = arith.addf %add3A_324, %mul3A_340 : vector<16xf32>
        %get3A_342 = arith.index_cast %sub3A_271 : i32 to index
        %get3A_343 = arith.constant 64 : index
        %get3A_344 = tpu.vector_load %arg8[%get3A_342, %get3A_343] {strides = array<i32>} : memref<32x128xf32, #tpu.memory_space<vmem>>, vector<1x16xf32>,
        %get3A_345 = vector.shape_cast %get3A_344 : vector<1x16xf32> to vector<16xf32>
        %get3A_346 = arith.index_cast %while3A_259 : i32 to index
        %get3A_347 = arith.constant 64 : index
        %get3A_348 = tpu.vector_load %arg9[%get3A_346, %get3A_347] {strides = array<i32>} : memref<16x128xf32, #tpu.memory_space<vmem>>, vector<1x16xf32>,
        %get3A_349 = vector.shape_cast %get3A_348 : vector<1x16xf32> to vector<16xf32>
        %mul3A_350 = arith.constant 9.900000e-01 : f32
        %mul3A_351 = vector.broadcast %mul3A_350 : f32 to vector<16xf32>
        %mul3A_352 = arith.mulf %get3A_345, %mul3A_351 : vector<16xf32>
        %mul3A_353 = arith.constant 0.00999999977 : f32
        %mul3A_354 = vector.broadcast %mul3A_353 : f32 to vector<16xf32>
        %mul3A_355 = arith.mulf %get3A_349, %mul3A_354 : vector<16xf32>
        %add3A_356 = arith.addf %mul3A_352, %mul3A_355 : vector<16xf32>
        %mul3A_357 = arith.mulf %add3A_356, %add3A_356 : vector<16xf32>
        %add3A_358 = arith.addf %add3A_341, %mul3A_357 : vector<16xf32>
        %get3A_359 = arith.index_cast %sub3A_271 : i32 to index
        %get3A_360 = arith.constant 80 : index
        %get3A_361 = tpu.vector_load %arg8[%get3A_359, %get3A_360] {strides = array<i32>} : memref<32x128xf32, #tpu.memory_space<vmem>>, vector<1x16xf32>,
        %get3A_362 = vector.shape_cast %get3A_361 : vector<1x16xf32> to vector<16xf32>
        %get3A_363 = arith.index_cast %while3A_259 : i32 to index
        %get3A_364 = arith.constant 80 : index
        %get3A_365 = tpu.vector_load %arg9[%get3A_363, %get3A_364] {strides = array<i32>} : memref<16x128xf32, #tpu.memory_space<vmem>>, vector<1x16xf32>,
        %get3A_366 = vector.shape_cast %get3A_365 : vector<1x16xf32> to vector<16xf32>
        %mul3A_367 = arith.constant 9.900000e-01 : f32
        %mul3A_368 = vector.broadcast %mul3A_367 : f32 to vector<16xf32>
        %mul3A_369 = arith.mulf %get3A_362, %mul3A_368 : vector<16xf32>
        %mul3A_370 = arith.constant 0.00999999977 : f32
        %mul3A_371 = vector.broadcast %mul3A_370 : f32 to vector<16xf32>
        %mul3A_372 = arith.mulf %get3A_366, %mul3A_371 : vector<16xf32>
        %add3A_373 = arith.addf %mul3A_369, %mul3A_372 : vector<16xf32>
        %mul3A_374 = arith.mulf %add3A_373, %add3A_373 : vector<16xf32>
        %add3A_375 = arith.addf %add3A_358, %mul3A_374 : vector<16xf32>
        %get3A_376 = arith.index_cast %sub3A_271 : i32 to index
        %get3A_377 = arith.constant 96 : index
        %get3A_378 = tpu.vector_load %arg8[%get3A_376, %get3A_377] {strides = array<i32>} : memref<32x128xf32, #tpu.memory_space<vmem>>, vector<1x16xf32>,
        %get3A_379 = vector.shape_cast %get3A_378 : vector<1x16xf32> to vector<16xf32>
        %get3A_380 = arith.index_cast %while3A_259 : i32 to index
        %get3A_381 = arith.constant 96 : index
        %get3A_382 = tpu.vector_load %arg9[%get3A_380, %get3A_381] {strides = array<i32>} : memref<16x128xf32, #tpu.memory_space<vmem>>, vector<1x16xf32>,
        %get3A_383 = vector.shape_cast %get3A_382 : vector<1x16xf32> to vector<16xf32>
        %mul3A_384 = arith.constant 9.900000e-01 : f32
        %mul3A_385 = vector.broadcast %mul3A_384 : f32 to vector<16xf32>
        %mul3A_386 = arith.mulf %get3A_379, %mul3A_385 : vector<16xf32>
        %mul3A_387 = arith.constant 0.00999999977 : f32
        %mul3A_388 = vector.broadcast %mul3A_387 : f32 to vector<16xf32>
        %mul3A_389 = arith.mulf %get3A_383, %mul3A_388 : vector<16xf32>
        %add3A_390 = arith.addf %mul3A_386, %mul3A_389 : vector<16xf32>
        %mul3A_391 = arith.mulf %add3A_390, %add3A_390 : vector<16xf32>
        %add3A_392 = arith.addf %add3A_375, %mul3A_391 : vector<16xf32>
        %get3A_393 = arith.index_cast %sub3A_271 : i32 to index
        %get3A_394 = arith.constant 112 : index
        %get3A_395 = tpu.vector_load %arg8[%get3A_393, %get3A_394] {strides = array<i32>} : memref<32x128xf32, #tpu.memory_space<vmem>>, vector<1x16xf32>,
        %get3A_396 = vector.shape_cast %get3A_395 : vector<1x16xf32> to vector<16xf32>
        %get3A_397 = arith.index_cast %while3A_259 : i32 to index
        %get3A_398 = arith.constant 112 : index
        %get3A_399 = tpu.vector_load %arg9[%get3A_397, %get3A_398] {strides = array<i32>} : memref<16x128xf32, #tpu.memory_space<vmem>>, vector<1x16xf32>,
        %get3A_400 = vector.shape_cast %get3A_399 : vector<1x16xf32> to vector<16xf32>
        %mul3A_401 = arith.constant 9.900000e-01 : f32
        %mul3A_402 = vector.broadcast %mul3A_401 : f32 to vector<16xf32>
        %mul3A_403 = arith.mulf %get3A_396, %mul3A_402 : vector<16xf32>
        %mul3A_404 = arith.constant 0.00999999977 : f32
        %mul3A_405 = vector.broadcast %mul3A_404 : f32 to vector<16xf32>
        %mul3A_406 = arith.mulf %get3A_400, %mul3A_405 : vector<16xf32>
        %add3A_407 = arith.addf %mul3A_403, %mul3A_406 : vector<16xf32>
        %mul3A_408 = arith.mulf %add3A_407, %add3A_407 : vector<16xf32>
        %add3A_409 = arith.addf %add3A_392, %mul3A_408 : vector<16xf32>
        %rev3A = arith.constant 15 : i32
        %rev3A_410 = vector.broadcast %rev3A : i32 to vector<16xi32>
        %rev3A_411 = tpu.iota {dimensions = array<i32: 0>} : vector<16xi32>
        %rev3A_412 = arith.subi %rev3A_410, %rev3A_411 : vector<16xi32>
        %rev3A_413 = tpu.dynamic_gather %add3A_409[%rev3A_412] in [0] : vector<16xf32>, vector<16xi32> -> vector<16xf32>
        %add3A_414 = arith.addf %add3A_409, %rev3A_413 : vector<16xf32>
        %slice3A_415 = vector.extract_strided_slice %add3A_414 {offsets = [0], sizes = [1], strides = [1]} : vector<16xf32> to vector<1xf32>
        %squeeze3A_416 = vector.extract %slice3A_415[0] : f32 from vector<1xf32>
        %slice3A_417 = vector.extract_strided_slice %add3A_414 {offsets = [1], sizes = [1], strides = [1]} : vector<16xf32> to vector<1xf32>
        %squeeze3A_418 = vector.extract %slice3A_417[0] : f32 from vector<1xf32>
        %add3A_419 = arith.addf %squeeze3A_416, %squeeze3A_418 : f32
        %slice3A_420 = vector.extract_strided_slice %add3A_414 {offsets = [2], sizes = [1], strides = [1]} : vector<16xf32> to vector<1xf32>
        %squeeze3A_421 = vector.extract %slice3A_420[0] : f32 from vector<1xf32>
        %add3A_422 = arith.addf %add3A_419, %squeeze3A_421 : f32
        %slice3A_423 = vector.extract_strided_slice %add3A_414 {offsets = [3], sizes = [1], strides = [1]} : vector<16xf32> to vector<1xf32>
        %squeeze3A_424 = vector.extract %slice3A_423[0] : f32 from vector<1xf32>
        %add3A_425 = arith.addf %add3A_422, %squeeze3A_424 : f32
        %slice3A_426 = vector.extract_strided_slice %add3A_414 {offsets = [4], sizes = [1], strides = [1]} : vector<16xf32> to vector<1xf32>
        %squeeze3A_427 = vector.extract %slice3A_426[0] : f32 from vector<1xf32>
        %add3A_428 = arith.addf %add3A_425, %squeeze3A_427 : f32
        %slice3A_429 = vector.extract_strided_slice %add3A_414 {offsets = [5], sizes = [1], strides = [1]} : vector<16xf32> to vector<1xf32>
        %squeeze3A_430 = vector.extract %slice3A_429[0] : f32 from vector<1xf32>
        %add3A_431 = arith.addf %add3A_428, %squeeze3A_430 : f32
        %slice3A_432 = vector.extract_strided_slice %add3A_414 {offsets = [6], sizes = [1], strides = [1]} : vector<16xf32> to vector<1xf32>
        %squeeze3A_433 = vector.extract %slice3A_432[0] : f32 from vector<1xf32>
        %add3A_434 = arith.addf %add3A_431, %squeeze3A_433 : f32
        %slice3A_435 = vector.extract_strided_slice %add3A_414 {offsets = [7], sizes = [1], strides = [1]} : vector<16xf32> to vector<1xf32>
        %squeeze3A_436 = vector.extract %slice3A_435[0] : f32 from vector<1xf32>
        %add3A_437 = arith.addf %add3A_434, %squeeze3A_436 : f32
        %max3A_438 = arith.constant 1.000000e-30 : f32
        %max3A_439 = arith.maximumf %add3A_437, %max3A_438 : f32
        %bitcast_convert_type3A = arith.bitcast %max3A_439 : f32 to i32
        %shift_right_arithmetic3A = arith.constant 1 : i32
        %shift_right_arithmetic3A_440 = arith.shrsi %bitcast_convert_type3A, %shift_right_arithmetic3A : i32
        %sub3A_441 = arith.constant 1597463007 : i32
        %sub3A_442 = arith.subi %sub3A_441, %shift_right_arithmetic3A_440 : i32
        %bitcast_convert_type3A_443 = arith.bitcast %sub3A_442 : i32 to f32
        %mul3A_444 = arith.constant 5.000000e-01 : f32
        %mul3A_445 = arith.mulf %mul3A_444, %max3A_439 : f32
        %mul3A_446 = arith.mulf %mul3A_445, %bitcast_convert_type3A_443 : f32
        %mul3A_447 = arith.mulf %mul3A_446, %bitcast_convert_type3A_443 : f32
        %sub3A_448 = arith.constant 1.500000e+00 : f32
        %sub3A_449 = arith.subf %sub3A_448, %mul3A_447 : f32
        %mul3A_450 = arith.mulf %bitcast_convert_type3A_443, %sub3A_449 : f32
        %mul3A_451 = arith.constant 5.000000e-01 : f32
        %mul3A_452 = arith.mulf %mul3A_451, %max3A_439 : f32
        %mul3A_453 = arith.mulf %mul3A_452, %mul3A_450 : f32
        %mul3A_454 = arith.mulf %mul3A_453, %mul3A_450 : f32
        %sub3A_455 = arith.constant 1.500000e+00 : f32
        %sub3A_456 = arith.subf %sub3A_455, %mul3A_454 : f32
        %mul3A_457 = arith.mulf %mul3A_450, %sub3A_456 : f32
        %mul3A_458 = arith.constant 5.000000e-01 : f32
        %mul3A_459 = arith.mulf %mul3A_458, %max3A_439 : f32
        %mul3A_460 = arith.mulf %mul3A_459, %mul3A_457 : f32
        %mul3A_461 = arith.mulf %mul3A_460, %mul3A_457 : f32
        %sub3A_462 = arith.constant 1.500000e+00 : f32
        %sub3A_463 = arith.subf %sub3A_462, %mul3A_461 : f32
        %mul3A_464 = arith.mulf %mul3A_457, %sub3A_463 : f32
        %mul3A_465 = arith.mulf %max3A_439, %mul3A_464 : f32
        %gt3A = arith.constant 9.99999996E-13 : f32
        %gt3A_466 = arith.cmpf ogt, %mul3A_465, %gt3A : f32
        %jit3A_467 = arith.constant 9.99999995E+11 : f32
        %select_n3A_468 = arith.select %gt3A_466, %mul3A_464, %jit3A_467 : f32
        %mul3A_469 = vector.broadcast %select_n3A_468 : f32 to vector<16xf32>
        %mul3A_470 = arith.mulf %add3A_288, %mul3A_469 : vector<16xf32>
        %swap3A = arith.index_cast %sub3A_271 : i32 to index
        %swap3A_471 = arith.constant 0 : index
        %swap3A_472 = tpu.vector_load %arg8[%swap3A, %swap3A_471] {strides = array<i32>} : memref<32x128xf32, #tpu.memory_space<vmem>>, vector<1x16xf32>,
        %swap3A_473 = vector.shape_cast %swap3A_472 : vector<1x16xf32> to vector<16xf32>
        %swap3A_474 = vector.shape_cast %mul3A_470 : vector<16xf32> to vector<1x16xf32>
        tpu.vector_store %arg8[%swap3A, %swap3A_471], %swap3A_474 {strides = array<i32>} : memref<32x128xf32, #tpu.memory_space<vmem>>, vector<1x16xf32>,
        %mul3A_475 = vector.broadcast %select_n3A_468 : f32 to vector<16xf32>
        %mul3A_476 = arith.mulf %add3A_305, %mul3A_475 : vector<16xf32>
        %swap3A_477 = arith.index_cast %sub3A_271 : i32 to index
        %swap3A_478 = arith.constant 16 : index
        %swap3A_479 = tpu.vector_load %arg8[%swap3A_477, %swap3A_478] {strides = array<i32>} : memref<32x128xf32, #tpu.memory_space<vmem>>, vector<1x16xf32>,
        %swap3A_480 = vector.shape_cast %swap3A_479 : vector<1x16xf32> to vector<16xf32>
        %swap3A_481 = vector.shape_cast %mul3A_476 : vector<16xf32> to vector<1x16xf32>
        tpu.vector_store %arg8[%swap3A_477, %swap3A_478], %swap3A_481 {strides = array<i32>} : memref<32x128xf32, #tpu.memory_space<vmem>>, vector<1x16xf32>,
        %mul3A_482 = vector.broadcast %select_n3A_468 : f32 to vector<16xf32>
        %mul3A_483 = arith.mulf %add3A_322, %mul3A_482 : vector<16xf32>
        %swap3A_484 = arith.index_cast %sub3A_271 : i32 to index
        %swap3A_485 = arith.constant 32 : index
        %swap3A_486 = tpu.vector_load %arg8[%swap3A_484, %swap3A_485] {strides = array<i32>} : memref<32x128xf32, #tpu.memory_space<vmem>>, vector<1x16xf32>,
        %swap3A_487 = vector.shape_cast %swap3A_486 : vector<1x16xf32> to vector<16xf32>
        %swap3A_488 = vector.shape_cast %mul3A_483 : vector<16xf32> to vector<1x16xf32>
        tpu.vector_store %arg8[%swap3A_484, %swap3A_485], %swap3A_488 {strides = array<i32>} : memref<32x128xf32, #tpu.memory_space<vmem>>, vector<1x16xf32>,
        %mul3A_489 = vector.broadcast %select_n3A_468 : f32 to vector<16xf32>
        %mul3A_490 = arith.mulf %add3A_339, %mul3A_489 : vector<16xf32>
        %swap3A_491 = arith.index_cast %sub3A_271 : i32 to index
        %swap3A_492 = arith.constant 48 : index
        %swap3A_493 = tpu.vector_load %arg8[%swap3A_491, %swap3A_492] {strides = array<i32>} : memref<32x128xf32, #tpu.memory_space<vmem>>, vector<1x16xf32>,
        %swap3A_494 = vector.shape_cast %swap3A_493 : vector<1x16xf32> to vector<16xf32>
        %swap3A_495 = vector.shape_cast %mul3A_490 : vector<16xf32> to vector<1x16xf32>
        tpu.vector_store %arg8[%swap3A_491, %swap3A_492], %swap3A_495 {strides = array<i32>} : memref<32x128xf32, #tpu.memory_space<vmem>>, vector<1x16xf32>,
        %mul3A_496 = vector.broadcast %select_n3A_468 : f32 to vector<16xf32>
        %mul3A_497 = arith.mulf %add3A_356, %mul3A_496 : vector<16xf32>
        %swap3A_498 = arith.index_cast %sub3A_271 : i32 to index
        %swap3A_499 = arith.constant 64 : index
        %swap3A_500 = tpu.vector_load %arg8[%swap3A_498, %swap3A_499] {strides = array<i32>} : memref<32x128xf32, #tpu.memory_space<vmem>>, vector<1x16xf32>,
        %swap3A_501 = vector.shape_cast %swap3A_500 : vector<1x16xf32> to vector<16xf32>
        %swap3A_502 = vector.shape_cast %mul3A_497 : vector<16xf32> to vector<1x16xf32>
        tpu.vector_store %arg8[%swap3A_498, %swap3A_499], %swap3A_502 {strides = array<i32>} : memref<32x128xf32, #tpu.memory_space<vmem>>, vector<1x16xf32>,
        %mul3A_503 = vector.broadcast %select_n3A_468 : f32 to vector<16xf32>
        %mul3A_504 = arith.mulf %add3A_373, %mul3A_503 : vector<16xf32>
        %swap3A_505 = arith.index_cast %sub3A_271 : i32 to index
        %swap3A_506 = arith.constant 80 : index
        %swap3A_507 = tpu.vector_load %arg8[%swap3A_505, %swap3A_506] {strides = array<i32>} : memref<32x128xf32, #tpu.memory_space<vmem>>, vector<1x16xf32>,
        %swap3A_508 = vector.shape_cast %swap3A_507 : vector<1x16xf32> to vector<16xf32>
        %swap3A_509 = vector.shape_cast %mul3A_504 : vector<16xf32> to vector<1x16xf32>
        tpu.vector_store %arg8[%swap3A_505, %swap3A_506], %swap3A_509 {strides = array<i32>} : memref<32x128xf32, #tpu.memory_space<vmem>>, vector<1x16xf32>,
        %mul3A_510 = vector.broadcast %select_n3A_468 : f32 to vector<16xf32>
        %mul3A_511 = arith.mulf %add3A_390, %mul3A_510 : vector<16xf32>
        %swap3A_512 = arith.index_cast %sub3A_271 : i32 to index
        %swap3A_513 = arith.constant 96 : index
        %swap3A_514 = tpu.vector_load %arg8[%swap3A_512, %swap3A_513] {strides = array<i32>} : memref<32x128xf32, #tpu.memory_space<vmem>>, vector<1x16xf32>,
        %swap3A_515 = vector.shape_cast %swap3A_514 : vector<1x16xf32> to vector<16xf32>
        %swap3A_516 = vector.shape_cast %mul3A_511 : vector<16xf32> to vector<1x16xf32>
        tpu.vector_store %arg8[%swap3A_512, %swap3A_513], %swap3A_516 {strides = array<i32>} : memref<32x128xf32, #tpu.memory_space<vmem>>, vector<1x16xf32>,
        %mul3A_517 = vector.broadcast %select_n3A_468 : f32 to vector<16xf32>
        %mul3A_518 = arith.mulf %add3A_407, %mul3A_517 : vector<16xf32>
        %swap3A_519 = arith.index_cast %sub3A_271 : i32 to index
        %swap3A_520 = arith.constant 112 : index
        %swap3A_521 = tpu.vector_load %arg8[%swap3A_519, %swap3A_520] {strides = array<i32>} : memref<32x128xf32, #tpu.memory_space<vmem>>, vector<1x16xf32>,
        %swap3A_522 = vector.shape_cast %swap3A_521 : vector<1x16xf32> to vector<16xf32>
        %swap3A_523 = vector.shape_cast %mul3A_518 : vector<16xf32> to vector<1x16xf32>
        tpu.vector_store %arg8[%swap3A_519, %swap3A_520], %swap3A_523 {strides = array<i32>} : memref<32x128xf32, #tpu.memory_space<vmem>>, vector<1x16xf32>,
      }
    }
    "tpu.region"() ({
      %run_scoped3A = tpu.sem_alloc : memref<!tpu.dma_semaphore, #tpu.memory_space<semaphore_mem>>
      %dma_start3A = arith.constant 0 : i32
      %dma_start3A_43 = tpu.memref_slice %arg5[%mul3A_2, %dma_start3A] : memref<1024x128xf32, #tpu.memory_space<hbm>> -> memref<32x128xf32, #tpu.memory_space<hbm>>
      %dma_start3A_44 = arith.constant 0 : i32
      %dma_start3A_45 = tpu.memref_slice %arg5[%mul3A_2, %dma_start3A_44] : memref<1024x128xf32, #tpu.memory_space<hbm>> -> memref<32x128xf32, #tpu.memory_space<hbm>>
      tpu.enqueue_dma source(%arg8 : memref<32x128xf32, #tpu.memory_space<vmem>>) target(%dma_start3A_45 : memref<32x128xf32, #tpu.memory_space<hbm>>) target_semaphore(%run_scoped3A : memref<!tpu.dma_semaphore, #tpu.memory_space<semaphore_mem>>)
      %dma_wait3A = arith.constant 0 : i32
      %dma_wait3A_46 = tpu.memref_slice %arg5[%mul3A_2, %dma_wait3A] : memref<1024x128xf32, #tpu.memory_space<hbm>> -> memref<32x128xf32, #tpu.memory_space<hbm>>
      %dma_wait3A_47 = arith.constant 0 : i32
      %dma_wait3A_48 = tpu.memref_slice %arg5[%mul3A_2, %dma_wait3A_47] : memref<1024x128xf32, #tpu.memory_space<hbm>> -> memref<32x128xf32, #tpu.memory_space<hbm>>
      tpu.wait_dma2 semaphore(%run_scoped3A : memref<!tpu.dma_semaphore, #tpu.memory_space<semaphore_mem>>) src(%arg8 : memref<32x128xf32, #tpu.memory_space<vmem>>) dst(%dma_wait3A_48 : memref<32x128xf32, #tpu.memory_space<hbm>>)
      tpu.yield
    }) : () -> ()
    return
  }
}

module attributes {stable_mosaic.version = 14 : i64} {
  func.func @_loss_body(%arg0: memref<1000x128xf32, #tpu.memory_space<vmem>>, %arg1: memref<1x1xf32, #tpu.memory_space<smem>>) attributes {dimension_semantics = [], scalar_prefetch = 0 : i64, scratch_operands = 0 : i64, tpu.core_type = #tpu.core_type<tc>} {
    %get3A = arith.constant 0 : index
    %get3A_0 = arith.constant 0 : index
    %get3A_1 = vector.load %arg0[%get3A, %get3A_0] : memref<1000x128xf32, #tpu.memory_space<vmem>>, vector<1000x128xf32>
    %dot_general3A = arith.constant dense<0.000000e+00> : vector<1000x1000xf32>
    %dot_general3A_2 = tpu.matmul %get3A_1, %get3A_1, %dot_general3A {dimension_numbers = #tpu.dot_dimension_numbers<[1], [1], [0], [0], [0, 0, 1, 0], [], []>, transpose_lhs_hint = false} : vector<1000x128xf32>, vector<1000x128xf32>, vector<1000x1000xf32> -> vector<1000x1000xf32>
    %mul3A = arith.constant 1.000000e+01 : f32
    %mul3A_3 = vector.broadcast %mul3A : f32 to vector<1000x1000xf32>
    %mul3A_4 = arith.mulf %dot_general3A_2, %mul3A_3 : vector<1000x1000xf32>
    %exp3A = math.exp %mul3A_4 : vector<1000x1000xf32>
    %iota3A = tpu.iota {dimensions = array<i32: 0>} : vector<1000x1000xi32>
    %iota3A_5 = tpu.iota {dimensions = array<i32: 1>} : vector<1000x1000xi32>
    %ne3A = arith.cmpi ne, %iota3A, %iota3A_5 : vector<1000x1000xi32>
    %jit3A = arith.constant 0.000000e+00 : f32
    %broadcast_in_dim3A = vector.broadcast %jit3A : f32 to vector<1000x1000xf32>
    %select_n3A = arith.select %ne3A, %exp3A, %broadcast_in_dim3A : vector<1000x1000xi1>, vector<1000x1000xf32>
    %reduce_sum3A = arith.constant dense<0.000000e+00> : vector<1000xf32>
    %reduce_sum3A_6 = vector.multi_reduction <add>, %select_n3A, %reduce_sum3A [1] : vector<1000x1000xf32> to vector<1000xf32>
    %jit3A_7 = arith.constant 0.000000e+00 : f32
    %broadcast_in_dim3A_8 = vector.broadcast %jit3A_7 : f32 to vector<1000x1000xf32>
    %select_n3A_9 = arith.select %ne3A, %broadcast_in_dim3A_8, %exp3A : vector<1000x1000xi1>, vector<1000x1000xf32>
    %reduce_max3A = arith.constant dense<0xFF800000> : vector<1000xf32>
    %reduce_max3A_10 = vector.multi_reduction <maximumf>, %select_n3A_9, %reduce_max3A [1] : vector<1000x1000xf32> to vector<1000xf32>
    %mul3A_11 = arith.constant 0.00100100099 : f32
    %mul3A_12 = vector.broadcast %mul3A_11 : f32 to vector<1000xf32>
    %mul3A_13 = arith.mulf %reduce_sum3A_6, %mul3A_12 : vector<1000xf32>
    %log3A = math.log %mul3A_13 : vector<1000xf32>
    %is_finite3A = tpu.weird %reduce_max3A_10 : vector<1000xf32> -> vector<1000xi1>
    %is_finite3A_14 = arith.constant dense<true> : vector<1000xi1>
    %is_finite3A_15 = arith.xori %is_finite3A, %is_finite3A_14 : vector<1000xi1>
    %jit3A_16 = arith.constant 0.000000e+00 : f32
    %broadcast_in_dim3A_17 = vector.broadcast %jit3A_16 : f32 to vector<1000xf32>
    %select_n3A_18 = arith.select %is_finite3A_15, %log3A, %broadcast_in_dim3A_17 : vector<1000xi1>, vector<1000xf32>
    %reduce_sum3A_19 = vector.shape_cast %select_n3A_18 : vector<1000xf32> to vector<1x1000xf32>
    %reduce_sum3A_20 = arith.constant dense<0.000000e+00> : vector<1xf32>
    %reduce_sum3A_21 = vector.multi_reduction <add>, %reduce_sum3A_19, %reduce_sum3A_20 [1] : vector<1x1000xf32> to vector<1xf32>
    %reduce_sum3A_22 = vector.shape_cast %reduce_sum3A_21 : vector<1xf32> to vector<1x1xf32>
    %reduce_sum3A_23 = vector.extract %reduce_sum3A_22[0, 0] : f32 from vector<1x1xf32>
    %convert_element_type3A = arith.extui %is_finite3A_15 : vector<1000xi1> to vector<1000xi32>
    %reduce_sum3A_24 = vector.shape_cast %convert_element_type3A : vector<1000xi32> to vector<1x1000xi32>
    %reduce_sum3A_25 = arith.constant dense<0> : vector<1xi32>
    %reduce_sum3A_26 = vector.multi_reduction <add>, %reduce_sum3A_24, %reduce_sum3A_25 [1] : vector<1x1000xi32> to vector<1xi32>
    %reduce_sum3A_27 = vector.shape_cast %reduce_sum3A_26 : vector<1xi32> to vector<1x1xi32>
    %reduce_sum3A_28 = vector.extract %reduce_sum3A_27[0, 0] : i32 from vector<1x1xi32>
    %max3A = arith.constant 1 : i32
    %max3A_29 = arith.maxsi %reduce_sum3A_28, %max3A : i32
    %convert_element_type3A_30 = arith.sitofp %max3A_29 : i32 to f32
    %mul3A_31 = arith.constant 1.000000e+00 : f32
    %mul3A_32 = arith.mulf %mul3A_31, %reduce_sum3A_23 : f32
    %div3A = arith.divf %mul3A_32, %convert_element_type3A_30 : f32
    %swap3A = arith.constant 0 : index
    %swap3A_33 = arith.constant 0 : index
    %swap3A_34 = memref.load %arg1[%swap3A, %swap3A_33] : memref<1x1xf32, #tpu.memory_space<smem>>
    memref.store %div3A, %arg1[%swap3A, %swap3A_33] : memref<1x1xf32, #tpu.memory_space<smem>>
    return
  }
}

</mosaic_0001>

<sc_bundles>
// kernel: kernel.4.cloned.1.call-start
scs
__scs_entry_jumppad:
0x0: {  	(pc) =	sbr.rel $0x88, $3  }
0x1: {  	(tag) =	ssettag $0x0;
	lr =	simm.s32 $0x1  }
0x2: {  	[smem:$0x3F9E] =	sst lr;
	_ =	strace $0xD0000000  }
0x3: {  	_ = 	snop  }
0x4: {  	_ = 	snop  }
0x5: {  	_ = 	snop  }
0x6: {  	_ = 	snop  }
0x7: {  	_ = 	snop  }
__scs_overlays_trampoline_lowered:
0x8: {  	[smem:$0x3FAD] =	sst s0  }
0x9: {  	[smem:$0x3FAE] =	sst s1  }
0xa: {  	[smem:$0x3FAF] =	sst s2  }
0xb: {  	[smem:$0x3FB0] =	sst s3  }
0xc: {  	[smem:$0x3FB1] =	sst s4  }
0xd: {  	[smem:$0x3FB2] =	sst s5  }
0xe: {  	[smem:$0x3FB3] =	sst s6  }
0xf: {  	[smem:$0x3FB4] =	sst s7  }
0x10: {  	[smem:$0x3FB5] =	sst s8  }
0x11: {  	[smem:$0x3FB6] =	sst s9;
	s0 =	simm.s32 @!p0 $0x0  }
0x12: {  	s1 =	sld [smem:$0x3F9C];
	s0 =	simm.s32 @p0 $0x1  }
0x13: {  	[smem:$0x3FB7] =	sst s0;
	s0 =	simm.s32 @!p1 $0x0  }
0x14: {  	s2 =	sld [smem:$0x3F9B];
	s0 =	simm.s32 @p1 $0x1  }
0x15: {  	[smem:$0x3FB8] =	sst s0;
	s0 =	simm.s32 @!p2 $0x0  }
0x16: {  	s3 =	sld [smem:$0x3FDB];
	s0 =	simm.s32 @p2 $0x1  }
0x17: {  	s4 =	simm.s32 $0x1BF5;
	[smem:$0x3FBA] =	sst s0  }
0x18: {  	s0 =	sld [smem:$0x3F9D];
	_ =	swait.ge [sflag:s4], $0x0  }
0x19: {  	s7 =	sld [smem:$0x3F9E]  }
0x1a: {  	s8 =	sadd.s32 $0xFFFFE003, lr  }
0x1b: {  	s9 =	sadd.s32 $0xFFFFFEF7, lr;
	s5 =	simm.s32 $0xFFFFFFFF;
	p2 =	slt.u32 s8, $0xFFFFF086  }
0x1c: {  	p1 =	slt.u32 s9, $0xF7A;
	s5 =	simm.s32 @!p2 $0x0  }
0x1d: {  	s5 =	simm.s32 @p1 $0x1;
	p0 =	seq.s32 s7, s2  }
0x1e: {  	s7 =	smul.u32 @!p0 $0xF7A, s2;
	p2 =	seq.s32 @!p0 s5, $0x0  }
0x1f: {  	s9 =	smul.u32 $0xF7A, s1;
	s8 =	simm.s32 @!p0 $0x1BF5;
	p2 =	por !p2, p0  }
0x20: {  	[sflag:s8] =	ssyncset.s32 @!p0 $0xFFFFF086;
	s6 =	sadd.s32 @!p0 s3, s7;
	s7 =	simm.s32 @!p0 $0x108  }
0x21: {  	s3 =	sadd.s32 s3, s9;
	s6 =	sadd.s32 @!p0 $0x88, s6;
	s7 =	simm.s32 @p2 $0x1082  }
0x22: {  	[simem:s7], [sflag:s8] =	dma.local @!p0 [hbm:s6], $0xF7A  }
0x23: {  	s9 =	sor.u32 $0xD0000000, s2;
	s6 =	simm.s32 $0x108;
	_ =	swait.ge @!p0 [sflag:s8], $0x0  }
0x24: {  	s3 =	sadd.s32 $0x88, s3;
	s6 =	simm.s32 @!p1 $0x1082;
	[sflag:s4] =	ssyncset.s32 $0xFFFFF086  }
0x25: {  	[simem:s6], [sflag:s4] =	dma.local [hbm:s3], $0xF7A  }
0x26: {  	[smem:$0x3F9E] =	sst s1;
	(tag) =	ssettag s2;
	_ =	strace s9  }
0x27: {  	s1 =	sld [smem:$0x3FAE]  }
0x28: {  	s2 =	sld [smem:$0x3FAF]  }
0x29: {  	s4 =	sld [smem:$0x3FB1]  }
0x2a: {  	p0 =	seq.s32 s5, $0x0;
	s5 =	sld [smem:$0x3FB2]  }
0x2b: {  	s6 =	sld [smem:$0x3FB3]  }
0x2c: {  	s7 =	sld [smem:$0x3FB4]  }
0x2d: {  	s3 =	simm.s32 $0x108;
	s8 =	sld [smem:$0x3FB5]  }
0x2e: {  	s3 =	simm.s32 @!p0 $0x1082;
	s9 =	sld [smem:$0x3FB6]  }
0x2f: {  	lr =	sadd.s32 s0, s3;
	s0 =	sld [smem:$0x3FAD]  }
0x30: {  	s3 =	sld [smem:$0x3FB0]  }
0x31: {  	[smem:$0x3FB9] =	sst s10  }
0x32: {  	s10 =	sld [smem:$0x3FB7];
	_ =	sdelay $0x3  }
0x33: {  	p0 =	seq.s32 s10, $0x1;
	s10 =	sld [smem:$0x3FB9];
	_ =	sdelay $0x3  }
0x34: {  	[smem:$0x3FB9] =	sst s10  }
0x35: {  	s10 =	sld [smem:$0x3FB8];
	_ =	sdelay $0x3  }
0x36: {  	p1 =	seq.s32 s10, $0x1;
	s10 =	sld [smem:$0x3FB9];
	_ =	sdelay $0x3  }
0x37: {  	[smem:$0x3FB9] =	sst s10  }
0x38: {  	s10 =	sld [smem:$0x3FBA]  }
0x39: {  	_ = 	snop;
	(pc) =	sbr.ind lr, $3  }
0x3a: {  	_ = 	snop  }
0x3b: {  	_ = 	snop  }
0x3c: {  	p2 =	seq.s32 s10, $0x1;
	s10 =	sld [smem:$0x3FB9]  }
0x3d: {  	_ =	shalt  }
0x3e: {  	_ =	shalt  }
0x3f: {  	_ =	shalt  }
0x40: {  	_ =	shalt  }
0x41: {  	_ =	shalt  }
0x42: {  	_ =	shalt  }
0x43: {  	_ =	shalt  }
0x44: {  	_ =	shalt  }
0x45: {  	_ =	shalt  }
0x46: {  	_ =	shalt  }
0x47: {  	_ =	shalt  }
0x48: {  	_ =	shalt  }
0x49: {  	_ =	shalt  }
0x4a: {  	_ =	shalt  }
0x4b: {  	_ =	shalt  }
0x4c: {  	_ =	shalt  }
0x4d: {  	_ =	shalt  }
0x4e: {  	_ =	shalt  }
0x4f: {  	_ =	shalt  }
0x50: {  	_ =	shalt  }
0x51: {  	_ =	shalt  }
0x52: {  	_ =	shalt  }
0x53: {  	_ =	shalt  }
0x54: {  	_ =	shalt  }
0x55: {  	_ =	shalt  }
0x56: {  	_ =	shalt  }
0x57: {  	_ =	shalt  }
0x58: {  	_ =	shalt  }
0x59: {  	_ =	shalt  }
0x5a: {  	_ =	shalt  }
0x5b: {  	_ =	shalt  }
0x5c: {  	_ =	shalt  }
0x5d: {  	_ =	shalt  }
0x5e: {  	_ =	shalt  }
0x5f: {  	_ =	shalt  }
0x60: {  	_ =	shalt  }
0x61: {  	_ =	shalt  }
0x62: {  	_ =	shalt  }
0x63: {  	_ =	shalt  }
0x64: {  	_ =	shalt  }
0x65: {  	_ =	shalt  }
0x66: {  	_ =	shalt  }
0x67: {  	_ =	shalt  }
0x68: {  	_ =	shalt  }
0x69: {  	_ =	shalt  }
0x6a: {  	_ =	shalt  }
0x6b: {  	_ =	shalt  }
0x6c: {  	_ =	shalt  }
0x6d: {  	_ =	shalt  }
0x6e: {  	_ =	shalt  }
0x6f: {  	_ =	shalt  }
0x70: {  	_ =	shalt  }
0x71: {  	_ =	shalt  }
0x72: {  	_ =	shalt  }
0x73: {  	_ =	shalt  }
0x74: {  	_ =	shalt  }
0x75: {  	_ =	shalt  }
0x76: {  	_ =	shalt  }
0x77: {  	_ =	shalt  }
0x78: {  	_ =	shalt  }
0x79: {  	_ =	shalt  }
0x7a: {  	_ =	shalt  }
0x7b: {  	_ =	shalt  }
0x7c: {  	_ =	shalt  }
0x7d: {  	_ =	shalt  }
0x7e: {  	_ =	shalt  }
0x7f: {  	_ =	shalt  }
0x80: {  	_ =	shalt  }
0x81: {  	_ =	shalt  }
0x82: {  	_ =	shalt  }
0x83: {  	_ =	shalt  }
0x84: {  	_ =	shalt  }
0x85: {  	_ =	shalt  }
0x86: {  	_ =	shalt  }
0x87: {  	_ =	shalt  }
.Lfunc_end0:
.L_simem_size_0:
called_computation_lowered:
.L_overlay_start_0:
0x88: {  	s2 =	sld [smem:$0x3FD9]  }
0x89: {  	s3 =	sld [smem:$0x3FFE];
	_ =	sdelay $0x1  }
0x8a: {  	s1 =	srdreg.scid  }
0x8b: {  	s0 =	sand.u32 $0x1, s1  }
0x8c: {  	s17 =	sshll.u32 s0, $0xA;
	s2 =	sadd.s32 s3, s2  }
0x8d: {  	s2 =	sadd.s32 s2, s17  }
0x8e: {  	[smem:$0x3FC5] =	sst s2  }
0x8f: {  	_ = 	snop  }
0x90: {  	s2 =	sld [smem:$0x3FC9]  }
0x91: {  	s18 =	sld [smem:$0x3FC8];
	(tm) =	ssettm $0x1  }
0x92: {  	s4 =	sld [smem:$0x3FFB];
	_ =	sdelay $0x3  }
0x93: {  	_ =	strace s4  }
0x94: {  	s4 =	sld [smem:$0x3FFC];
	_ =	sdelay $0x3  }
0x95: {  	_ =	strace s4  }
0x96: {  	s4 =	sld [smem:$0x3FFD];
	_ =	sdelay $0x3  }
0x97: {  	_ =	strace s4  }
0x98: {  	_ =	strace $0x8FFFFFFF  }
0x99: {  	s19 =	sld [smem:$0x3FDB];
	_ =	sdelay $0x1  }
0x9a: {  	s5 =	simm.s32 $_scs_section_size  }
0x9b: {  	s6 =	simm.s32 $_size__tile_overlayer_lowered;
	s7 =	simm.s32 $_tile_overlayer_lowered  }
0x9c: {  	s22 =	simm.s32 $0x1BFF;
	s21 =	sshll.u32 s7, $0x1;
	s4 =	sadd.s32 s5, s19  }
0x9d: {  	s8 =	simm.s32 $0x0;
	s20 =	sshll.u32 s6, $0x1;
	s6 =	sadd.s32 s21, s4  }
0x9e: {  	[timem:s8], [sflag:s22] =	dma.local [hbm:s6], s20  }
0x9f: {  	_ =	swait.ge [sflag:s22], s20  }
0xa0: {  	s5 =	ssub.s32 $0x0, s20;
	[sflag:s22] =	ssyncset.done $0x0  }
0xa1: {  	[sflag:s22] =	ssyncadd.s32 s5;
	_ =	sdelay $0x1  }
0xa2: {  	s23 =	simm.s32 $0x1B8B  }
0xa3: {  	_ =	swait.ge [sflag:s23], $0x1  }
0xa4: {  	[sflag:s23] =	ssyncset.done $0x0  }
0xa5: {  	s25 =	simm.s32 $0x1B8E;
	s24 =	sld [smem:$0x3FFE];
	[sflag:s23] =	ssyncadd.s32 $0xFFFFFFFF  }
0xa6: {  	s26 =	simm.s32 $execute0_lowered;
	[smem:$0x3FD2] =	sst s25  }
0xa7: {  	s6 =	sshll.u32 s26, $0x1;
	_ =	strace $0x80000046;
	[dreg:$0x1] =	wrdreg $0xFFFFFFFF  }
0xa8: {  	s28 =	simm.s32 $_size_execute0_lowered;
	s4 =	sadd.s32 s4, s6;
	[dreg:$0x0] =	wrdreg $0x0  }
0xa9: {  	s6 =	sshll.u32 s28, $0x1;
	[dreg:$0x2] =	wrdreg s4  }
0xaa: {  	[dreg:$0x3] =	wrdreg s6  }
0xab: {  	[dreg:$0x4] =	wrdreg $0xC0  }
0xac: {  	_ =	task [dreg:s8], $0x5FFFF  }
0xad: {  	[dreg:$0x1] =	wrdreg $0xFFFFFFFF  }
0xae: {  	[dreg:$0x0] =	wrdreg $0x60  }
0xaf: {  	[dreg:$0x2] =	wrdreg s2  }
0xb0: {  	[dreg:$0x3] =	wrdreg s18  }
0xb1: {  	[dreg:$0x4] =	wrdreg s24  }
0xb2: {  	[dreg:$0x5] =	wrdreg $0x39000  }
0xb3: {  	[dreg:$0x6] =	wrdreg $0x9  }
0xb4: {  	_ =	task.clear_ibuf [dreg:s8], $0x7FFFF;
	_ =	strace $0x90000046  }
0xb5: {  	s29 =	simm.s32 $0x9;
	_ =	strace $0x80000048  }
0xb6: {  	_ =	swait.ge [sflag:s29], $0x1  }
0xb7: {  	[sflag:s29] =	ssyncadd.s32 $0xFFFFFFFF  }
0xb8: {  	_ =	strace $0x90000048  }
0xb9: {  	_ =	sfence  }
0xba: {  	s30 =	sld [smem:$0x0];
	_ =	sdelay $0x2  }
0xbb: {  	s31 =	sshll.u32 s1, $0xD;
	s1 =	sshrl.u32 s1, $0x2  }
0xbc: {  	s3 =	sand.u32 $0x4000, s31;
	s1 =	sadd.s32 s1, s30  }
0xbd: {  	s0 =	sor.u32 s3, s0;
	s1 =	sshll.u32 s1, $0x11  }
0xbe: {  	s0 =	sor.u32 s1, s0  }
0xbf: {  	s0 =	sadd.s32 $0x8F2B, s0  }
0xc0: {  	[sflag:s0] =	ssyncadd.remote.s32 $0x1  }
0xc1: {  	_ =	sfence.sel $0xFFFF  }
0xc2: {  	[dreg:$0x0] =	wrdreg $0xFFFFFFFF;
	(pc) =	sbr.abs _section_cstart, $3  }
0xc3: {  	[dreg:$0x1] =	wrdreg $0xFFFFFFFF  }
0xc4: {  	_ =	task.clear_ibuf [dreg:s8], $0x2FFFF;
	_ =	strace $0x9FFFFFFF  }
0xc5: {  	(tm) =	ssettm $0x7FFFFFFF  }
tec
execute0_lowered:
.L_overlay_start_1:
0x0: {  	(tag) =	ssettag $0x1  }
0x1: {  	s0 =	srdreg.scid;
	s1 =	rddreg [dreg:$0x2]  }
0x2: {  	s2 =	stileid.u32;
	s3 =	rddreg [dreg:$0x3];
	s6 =	simm.s32 $0x0  }
0x3: {  	s12 =	simm.s32 $0x1;
	s14 =	simm.s32 $0x3180;
	s15 =	simm.s32 $0x3200  }
0x4: {  	v0 =	vimm.s32 $0x8040201;
	s16 =	simm.s32 $0x3280;
	s17 =	simm.s32 $0x3300;
	s18 =	simm.s32 $0x3380  }
0x5: {  	v1 =	vimm.s32 $0x80402010;
	s19 =	simm.s32 $0x3400;
	s20 =	simm.s32 $0x3480;
	s21 =	simm.s32 $0x3500  }
0x6: {  	s22 =	simm.s32 $0x3580;
	s23 =	simm.s32 $0x3600;
	s24 =	simm.s32 $0x3680;
	v0 =	vunpack.c.0.s8.s32 v0;
	v1 =	vunpack.c.0.s8.s32 v1  }
0x7: {  	vm0 =	vcmask $0xF00;
	s25 =	simm.s32 $0x3700;
	s26 =	simm.s32 $0x3780;
	s28 =	simm.s32 $0x3800  }
0x8: {  	vm8 =	vcmask $0x1F10;
	s29 =	simm.s32 $0x3880;
	s0 =	sand.u32 $0x1, s0;
	s4 =	sshll.u32 s2, $0x6;
	v0 =	vnsel vm0, $0x8000, v0;
	v1 =	vand.u32 $0xFF, v1  }
0x9: {  	vm9 =	vcmask $0x2320;
	[smem:$0x7FF] =	sst s6;
	s5 =	sshll.u32 s0, $0x5;
	s0 =	ssub.s32 $0x2, s0;
	v0 =	vsel vm8, v1, v0  }
0xa: {  	vm10 =	vcmask $0x2724;
	p0 =	sne.s32 s2, $0x0;
	s5 =	sor.u32 s5, s4;
	s30 =	sshrl.u32 s0, $0x1;
	v0 =	vsel vm9, $0x100, v0  }
0xb: {  	vm11 =	vcmask $0x2B28;
	s2 =	simm.s32 $0x2100;
	s4 =	sshll.u32 s5, $0x4;
	s0 =	ssub.s32 s0, s30;
	v0 =	vsel vm10, $0x200, v0  }
.Ltmp0:
0xc: {  	vm12 =	vcmask $0x2F2C;
	s1 =	sadd.s32 s4, s1;
	s0 =	smax.u32 s0, $0x1;
	v0 =	vsel vm11, $0x400, v0;
	(pc) =	sbr.rel .LBB2_1-.Ltmp0, $4  }
0xd: {  	vm13 =	vcmask $0x3330;
	_ =	strace $0x80000047;
	v1 =	vlaneseq.u32;
	s7 =	sadd.s32 $0x400, s1;
	[dreg:$0x7] =	wrdreg s0;
	v0 =	vsel vm12, $0x800, v0  }
0xe: {  	vm14 =	vcmask $0x3734;
	s13 =	smov.u32 s3;
	v3 =	vmul.u32 $0xFFFFFFFF, v1;
	s1 =	sadd.s32 $0x4400, s1;
	[dreg:$0x5] =	wrdreg s7;
	v2 =	vsel vm13, $0x1000, v0  }
0xf: {  	vm15 =	vcmask $0x3B38;
	s31 =	sadd.s32 $0x20, s5;
	v1 =	vmov s5;
	s0 =	sshrl.u32 @!p0 s3, $0x3;
	[dreg:$0x6] =	wrdreg s1;
	v2 =	vsel vm14, $0x2000, v2  }
0x10: {  	s3 =	simm.s32 $0x0;
	s1 =	simm.s32 $0x2;
	[dreg:$0x8] =	wrdreg s0;
	v3 =	vadd.s32 $0xF, v3;
	v0 =	vmov s31;
	v2 =	vsel vm15, $0x4000, v2  }
.LBB2_12:
0x11: {  	s6 =	simm.s32 $0x0  }
0x12: {  	s0 =	rddreg [dreg:$0x6];
	s2 =	simm.s32 $0x2100;
	s1 =	simm.s32 $0x2  }
0x13: {  	[hbm4b:s0+s6] =	stream.linear.scatter [tilespmem:s2], [sflag:$0x2], $0x1000, $0x38;
	[tilespmem:$0xB900] =	vst v63  }
0x14: {  	_ =	swait.ge [sflag:s1], $0x1000  }
0x15: {  	s3 =	rddreg [dreg:$0x9]  }
0x16: {  	s31 =	rddreg [dreg:$0x7];
	s3 =	sadd.s32 $0x1, s3  }
0x17: {  	p1 =	sne.s32 s3, s31  }
.Ltmp1:
0x18: {  	_ = 	snop;
	(pc) =	sbr.rel @!p1 .LBB2_13-.Ltmp1, $3  }
0x19: {  	_ =	sdelay $0x1  }
0x1a: {  	[sflag:s1] =	ssyncset.done $0x0  }
0x1b: {  	[sflag:s1] =	ssyncadd.s32 $0xFFFFF000  }
.LBB2_1:
0x1c: {  	[dreg:$0x9] =	wrdreg s3  }
0x1d: {  	s0 =	rddreg [dreg:$0x1]  }
0x1e: {  	[tilespmem:s6], [sflag:$0x2] =	stream.linear.gather [hbm4b:s0+s6], $0x1000, $0x38;
	[tilespmem:$0xB900] =	vst v63  }
0x1f: {  	_ =	swait.ge [sflag:s1], $0x1000  }
0x20: {  	[sflag:s1] =	ssyncset.done $0x0  }
0x21: {  	s31 =	rddreg [dreg:$0x5];
	[sflag:s1] =	ssyncadd.s32 $0xFFFFF000  }
0x22: {  	[tilespmem:s2], [sflag:$0x2] =	stream.linear.gather [hbm4b:s31+s6], $0x1000, $0x38;
	[tilespmem:$0xB900] =	vst v63  }
0x23: {  	_ =	swait.ge [sflag:s1], $0x1000  }
0x24: {  	[sflag:s1] =	ssyncset.done $0x0  }
0x25: {  	s2 =	rddreg [dreg:$0x8];
	[sflag:s1] =	ssyncadd.s32 $0xFFFFF000  }
0x26: {  	s0 =	simm.s32 @!p0 $0x1C02;
	s1 =	rddreg [dreg:$0x0]  }
0x27: {  	[spmem:s2], [sflag:s0] =	dma.local @!p0 [hbm:s1], $0x10000  }
.Ltmp2:
0x28: {  	_ = 	snop;
	(pc) =	sbr.rel .LBB2_2-.Ltmp2, $4  }
0x29: {  	s0 =	simm.s32 @!p0 $0x2  }
0x2a: {  	_ =	swait.ge @!p0 [sflag:s0], $0x10000  }
0x2b: {  	s10 =	simm.s32 $0x0;
	[sflag:s0] =	ssyncset.done @!p0 $0x0  }
0x2c: {  	s1 =	simm.s32 $0x0;
	[sflag:s0] =	ssyncadd.s32 @!p0 $0xFFFF0000;
	s0 =	simm.s32 $0xF  }
.LBB2_4:
0x2d: {  	s0 =	sadd.s32 $0x10, s0  }
0x2e: {  	p1 =	sne.s32 s0, $0x100F  }
.Ltmp3:
0x2f: {  	_ = 	snop;
	(pc) =	sbr.rel @!p1 .LBB2_5-.Ltmp3, $2  }
0x30: {  	_ =	sdelay $0x2  }
0x31: {  	s1 =	sadd.s32 $0x10, s1  }
.LBB2_2:
0x32: {  	v4 =	vld [tilespmem:s1+$0x0];
	_ =	sdelay $0x4  }
0x33: {  	vm0 =	vge.s32 v4, v1;
	vm1 =	vlt.s32 v4, v0  }
0x34: {  	vm0 =	vmand vm0, vm1  }
0x35: {  	v4 =	vnsel vm0, $0x0, v2  }
0x36: {  	v5 =	vperm.xlane v4, v3;
	_ =	sdelay $0x1  }
0x37: {  	v4 =	vadd.s32 v5, v4  }
0x38: {  	(v2sf) =	vpush v4, $0x0  }
0x39: {  	(v2sf) =	vpush v4, $0x1  }
0x3a: {  	(v2sf) =	vpush v4, $0x2  }
0x3b: {  	(v2sf) =	vpush v4, $0x3  }
0x3c: {  	(v2sf) =	vpush v4, $0x4  }
0x3d: {  	(v2sf) =	vpush v4, $0x5  }
0x3e: {  	(v2sf) =	vpush v4, $0x6  }
0x3f: {  	(v2sf) =	vpush v4, $0x7;
	_ =	sdelay $0x7  }
0x40: {  	s2 =	spop (v2sf)  }
0x41: {  	s4 =	spop (v2sf)  }
0x42: {  	s2 =	sadd.s32 s4, s2;
	s7 =	spop (v2sf)  }
0x43: {  	s2 =	sadd.s32 s7, s2;
	s8 =	spop (v2sf)  }
0x44: {  	s2 =	sadd.s32 s8, s2;
	s9 =	spop (v2sf)  }
0x45: {  	s2 =	sadd.s32 s9, s2;
	s11 =	spop (v2sf)  }
0x46: {  	s2 =	sadd.s32 s11, s2;
	s30 =	spop (v2sf)  }
0x47: {  	s2 =	sadd.s32 s30, s2;
	s31 =	spop (v2sf)  }
0x48: {  	s2 =	sadd.s32 s31, s2  }
0x49: {  	p1 =	seq.s32 s2, $0x0  }
.Ltmp4:
0x4a: {  	_ = 	snop;
	(pc) =	sbr.rel @p1 .LBB2_4-.Ltmp4, $1  }
0x4b: {  	_ =	sdelay $0x3  }
0x4c: {  	s4 =	sand.u32 $0x1, s2;
	s6 =	sshrl.u32 s2, $0x1;
	s7 =	sadd.s32 $0xFFFFFFF1, s0  }
0x4d: {  	s8 =	sadd.s32 $0xFFFFFFF2, s0;
	s11 =	sshrl.u32 s2, $0x2;
	s31 =	sadd.s32 $0xFFFFFFF3, s0  }
0x4e: {  	s9 =	sshrl.u32 s2, $0x3;
	s30 =	sshrl.u32 s2, $0x4;
	s3 =	sshrl.u32 s2, $0x5  }
0x4f: {  	s4 =	sadd.s32 s10, s4;
	s6 =	sand.u32 $0x1, s6;
	s11 =	sand.u32 $0x1, s11  }
0x50: {  	s9 =	sand.u32 $0x1, s9;
	v4 =	vmov s7;
	s7 =	sadd.s32 $0xFFFFFFF4, s0;
	s6 =	sadd.s32 s6, s4  }
0x51: {  	s30 =	sand.u32 $0x1, s30;
	[tilespmem:s10+$0x1080] =	vst v4;
	v4 =	vmov s8;
	s8 =	sadd.s32 $0xFFFFFFF5, s0;
	s11 =	sadd.s32 s11, s6  }
0x52: {  	[tilespmem:s4+$0x1080] =	vst v4;
	v4 =	vmov s31;
	s4 =	sadd.s32 $0xFFFFFFF6, s0;
	s31 =	sadd.s32 $0xFFFFFFF7, s0;
	s9 =	sadd.s32 s9, s11  }
0x53: {  	[tilespmem:s6+$0x1080] =	vst v4;
	v4 =	vmov s7;
	s10 =	sadd.s32 s30, s9;
	s30 =	sand.u32 $0x1, s3;
	s3 =	sshrl.u32 s2, $0x6  }
0x54: {  	[tilespmem:s11+$0x1080] =	vst v4;
	v4 =	vmov s8;
	s8 =	sadd.s32 $0xFFFFFFF9, s0;
	s6 =	sadd.s32 s30, s10;
	s7 =	sand.u32 $0x1, s3  }
0x55: {  	s3 =	sshrl.u32 s2, $0x7;
	[tilespmem:s9+$0x1080] =	vst v4;
	v4 =	vmov s4;
	s4 =	sadd.s32 $0xFFFFFFF8, s0;
	s30 =	sshrl.u32 s2, $0x8  }
0x56: {  	s7 =	sadd.s32 s7, s6;
	s3 =	sand.u32 $0x1, s3;
	[tilespmem:s10+$0x1080] =	vst v4;
	v4 =	vmov s31;
	s31 =	sand.u32 $0x1, s30  }
0x57: {  	s30 =	sshrl.u32 s2, $0xA;
	s9 =	sadd.s32 s3, s7;
	s3 =	sshrl.u32 s2, $0x9  }
0x58: {  	s10 =	sadd.s32 $0xFFFFFFFB, s0;
	[tilespmem:s6+$0x1080] =	vst v4;
	v4 =	vmov s4;
	s4 =	sadd.s32 s31, s9;
	s11 =	sand.u32 $0x1, s3  }
0x59: {  	[tilespmem:s7+$0x1080] =	vst v4;
	v4 =	vmov s8;
	s31 =	sadd.s32 $0xFFFFFFFA, s0;
	s3 =	sand.u32 $0x1, s30;
	s6 =	sadd.s32 s11, s4  }
0x5a: {  	s30 =	sadd.s32 $0xFFFFFFFC, s0;
	[tilespmem:s9+$0x1080] =	vst v4;
	v4 =	vmov s31;
	s11 =	sshrl.u32 s2, $0xB;
	s8 =	sadd.s32 s3, s6  }
0x5b: {  	[tilespmem:s4+$0x1080] =	vst v4;
	v4 =	vmov s10;
	s31 =	sand.u32 $0x1, s11;
	s3 =	sshrl.u32 s2, $0xC;
	s10 =	sadd.s32 $0xFFFFFFFD, s0  }
0x5c: {  	[tilespmem:s6+$0x1080] =	vst v4;
	v4 =	vmov s30;
	s4 =	sadd.s32 s31, s8;
	s11 =	sand.u32 $0x1, s3;
	s31 =	sadd.s32 $0xFFFFFFFE, s0  }
.Ltmp5:
0x5d: {  	s3 =	sshrl.u32 s2, $0xD;
	[tilespmem:s8+$0x1080] =	vst v4;
	v4 =	vmov s10;
	s30 =	sadd.s32 s11, s4;
	(pc) =	sbr.rel .LBB2_4-.Ltmp5, $4  }
0x5e: {  	s9 =	sand.u32 $0x1, s3;
	s10 =	sadd.s32 $0xFFFFFFFF, s0;
	s11 =	sshrl.u32 s2, $0xE;
	[tilespmem:s4+$0x1080] =	vst v4;
	v4 =	vmov s31  }
0x5f: {  	s4 =	sadd.s32 s9, s30;
	s31 =	sshrl.u32 s2, $0xF;
	[tilespmem:s30+$0x1080] =	vst v4;
	v4 =	vmov s10;
	s30 =	sand.u32 $0x1, s11  }
0x60: {  	s2 =	sand.u32 $0x1, s31;
	[tilespmem:s4+$0x1080] =	vst v4;
	s4 =	sadd.s32 s30, s4;
	v4 =	vmov s0  }
0x61: {  	[tilespmem:s4+$0x1080] =	vst v4;
	s10 =	sadd.s32 s2, s4  }
.LBB2_5:
0x62: {  	s0 =	sadd.s32 $0xF, s10  }
0x63: {  	s1 =	sand.u32 $0xF, s0  }
0x64: {  	s2 =	sshra.s32 s0, $0x1F;
	p1 =	slt.s32 s0, $0x1;
	p2 =	sne.s32 s1, $0x0  }
0x65: {  	s31 =	sshrl.u32 s2, $0x1C;
	p1 =	por !p1, !p2  }
0x66: {  	s1 =	simm.s32 $0x1;
	s0 =	sadd.s32 s31, s0;
	p1 =	por !p1, !p1  }
0x67: {  	s0 =	sshra.s32 s0, $0x4;
	s1 =	simm.s32 @!p1 $0x0  }
0x68: {  	s2 =	ssub.s32 s0, s1  }
0x69: {  	p1 =	slt.s32 s2, $0x1  }
.Ltmp6:
0x6a: {  	_ = 	snop;
	(pc) =	sbr.rel @p1 .LBB2_12-.Ltmp6, $2  }
0x6b: {  	_ =	sdelay $0x1  }
0x6c: {  	[bflag:$0x0] =	sbarrier.arrive $0xFFFF;
	_ =	sdelay $0x1  }
.Ltmp7:
0x6d: {  	(pc) =	sbr.rel .LBB2_7-.Ltmp7, $2  }
0x6e: {  	_ =	sdelay $0x2  }
0x6f: {  	s0 =	simm.s32 $0x0;
	s11 =	simm.s32 $0x1080;
	s31 =	smov.u32 s10  }
.LBB2_10:
0x70: {  	s4 =	simm.s32 @!p2 $0x5368D4A5  }
0x71: {  	v11 =	vmul.f32 s4, v11  }
0x72: {  	v7 =	vmul.f32 s4, v7  }
0x73: {  	v6 =	vmul.f32 s4, v6;
	[tilespmem:s7+$0x2170] =	vst v11  }
0x74: {  	v8 =	vmul.f32 s4, v8;
	[tilespmem:s7+$0x2130] =	vst v7  }
0x75: {  	v62 =	vmul.f32 s4, v9;
	[tilespmem:s7+$0x2110] =	vst v6  }
0x76: {  	v63 =	vmul.f32 s4, v10;
	[tilespmem:s7+$0x2140] =	vst v8  }
0x77: {  	v4 =	vmul.f32 s4, v4;
	[tilespmem:s7+$0x2150] =	vst v62  }
0x78: {  	v5 =	vmul.f32 s4, v5;
	[tilespmem:s7+$0x2160] =	vst v63  }
0x79: {  	[tilespmem:s7+$0x2100] =	vst v4  }
0x7a: {  	[tilespmem:s7+$0x2120] =	vst v5  }
.LBB2_11:
0x7b: {  	s0 =	sadd.s32 $0x1, s0  }
0x7c: {  	p1 =	sne.s32 s0, s2  }
.Ltmp8:
0x7d: {  	_ = 	snop;
	(pc) =	sbr.rel @!p1 .LBB2_12-.Ltmp8, $2  }
0x7e: {  	_ =	sdelay $0x2  }
0x7f: {  	s31 =	sadd.s32 $0xFFFFFFF0, s31;
	s11 =	sadd.s32 $0x10, s11  }
.LBB2_7:
0x80: {  	s1 =	sshll.u32 s0, $0x4  }
0x81: {  	v4 =	vld [tilespmem:s1+$0x1080];
	_ =	sdelay $0x4  }
0x82: {  	vm0 =	vgt.s32 v4, $0x0  }
0x83: {  	v4 =	vnsel vm0, $0x0, v4  }
0x84: {  	v4 =	vmin.u32 v4, $0xFFF  }
0x85: {  	v4 =	vshll.u32 v4, $0x7  }
0x86: {  	v4 =	vadd.s32 s13, v4  }
0x87: {  	(v2sf) =	vpush v4, $0x0;
	_ =	sdelay $0x1  }
0x88: {  	(v2sf) =	vpush v4, $0x1;
	_ =	sdelay $0x1  }
0x89: {  	(v2sf) =	vpush v4, $0x2;
	_ =	sdelay $0x1  }
0x8a: {  	(v2sf) =	vpush v4, $0x3;
	_ =	sdelay $0x1  }
0x8b: {  	(v2sf) =	vpush v4, $0x4;
	_ =	sdelay $0x1  }
0x8c: {  	(v2sf) =	vpush v4, $0x5;
	_ =	sdelay $0x1  }
0x8d: {  	(v2sf) =	vpush v4, $0x6;
	_ =	sdelay $0x1  }
0x8e: {  	(v2sf) =	vpush v4, $0x7  }
0x8f: {  	s3 =	simm.s32 $0x3100;
	s4 =	spop (v2sf)  }
0x90: {  	(v2sf) =	vpush v4, $0x8;
	[tilespmem:s3], [sflag:$0x1] =	stream.linear.gather [spmem:s4], $0x80, $0x38;
	[tilespmem:$0xB900] =	vst v63  }
0x91: {  	s8 =	spop (v2sf)  }
0x92: {  	(v2sf) =	vpush v4, $0x9;
	[tilespmem:s14], [sflag:$0x1] =	stream.linear.gather [spmem:s8], $0x80, $0x38;
	[tilespmem:$0xB900] =	vst v63  }
0x93: {  	s9 =	spop (v2sf)  }
0x94: {  	(v2sf) =	vpush v4, $0xA;
	[tilespmem:s15], [sflag:$0x1] =	stream.linear.gather [spmem:s9], $0x80, $0x38;
	[tilespmem:$0xB900] =	vst v63  }
0x95: {  	s30 =	spop (v2sf)  }
0x96: {  	(v2sf) =	vpush v4, $0xB;
	[tilespmem:s16], [sflag:$0x1] =	stream.linear.gather [spmem:s30], $0x80, $0x38;
	[tilespmem:$0xB900] =	vst v63  }
0x97: {  	s3 =	spop (v2sf)  }
0x98: {  	(v2sf) =	vpush v4, $0xC;
	[tilespmem:s17], [sflag:$0x1] =	stream.linear.gather [spmem:s3], $0x80, $0x38;
	[tilespmem:$0xB900] =	vst v63  }
0x99: {  	s6 =	spop (v2sf)  }
0x9a: {  	(v2sf) =	vpush v4, $0xD;
	[tilespmem:s18], [sflag:$0x1] =	stream.linear.gather [spmem:s6], $0x80, $0x38;
	[tilespmem:$0xB900] =	vst v63  }
0x9b: {  	s7 =	spop (v2sf)  }
0x9c: {  	(v2sf) =	vpush v4, $0xE;
	[tilespmem:s19], [sflag:$0x1] =	stream.linear.gather [spmem:s7], $0x80, $0x38;
	[tilespmem:$0xB900] =	vst v63  }
0x9d: {  	s8 =	spop (v2sf)  }
0x9e: {  	(v2sf) =	vpush v4, $0xF;
	[tilespmem:s20], [sflag:$0x1] =	stream.linear.gather [spmem:s8], $0x80, $0x38;
	[tilespmem:$0xB900] =	vst v63  }
0x9f: {  	s9 =	spop (v2sf)  }
0xa0: {  	[tilespmem:s21], [sflag:$0x1] =	stream.linear.gather [spmem:s9], $0x80, $0x38;
	[tilespmem:$0xB900] =	vst v63  }
0xa1: {  	s30 =	spop (v2sf)  }
0xa2: {  	[tilespmem:s22], [sflag:$0x1] =	stream.linear.gather [spmem:s30], $0x80, $0x38;
	[tilespmem:$0xB900] =	vst v63  }
0xa3: {  	s3 =	spop (v2sf)  }
0xa4: {  	[tilespmem:s23], [sflag:$0x1] =	stream.linear.gather [spmem:s3], $0x80, $0x38;
	[tilespmem:$0xB900] =	vst v63  }
0xa5: {  	s6 =	spop (v2sf)  }
0xa6: {  	[tilespmem:s24], [sflag:$0x1] =	stream.linear.gather [spmem:s6], $0x80, $0x38;
	[tilespmem:$0xB900] =	vst v63  }
0xa7: {  	s7 =	spop (v2sf)  }
0xa8: {  	[tilespmem:s25], [sflag:$0x1] =	stream.linear.gather [spmem:s7], $0x80, $0x38;
	[tilespmem:$0xB900] =	vst v63  }
0xa9: {  	s1 =	ssub.s32 s10, s1;
	s8 =	spop (v2sf)  }
0xaa: {  	[tilespmem:s26], [sflag:$0x1] =	stream.linear.gather [spmem:s8], $0x80, $0x38;
	[tilespmem:$0xB900] =	vst v63  }
0xab: {  	p1 =	slt.s32 s1, $0x1;
	s9 =	spop (v2sf)  }
0xac: {  	[tilespmem:s28], [sflag:$0x1] =	stream.linear.gather [spmem:s9], $0x80, $0x38;
	[tilespmem:$0xB900] =	vst v63  }
.Ltmp9:
0xad: {  	s30 =	spop (v2sf);
	(pc) =	sbr.rel @p1 .LBB2_11-.Ltmp9, $4  }
0xae: {  	[tilespmem:s29], [sflag:$0x1] =	stream.linear.gather [spmem:s30], $0x80, $0x38;
	[tilespmem:$0xB900] =	vst v63  }
0xaf: {  	_ =	swait.ge [sflag:s12], $0x800  }
0xb0: {  	[sflag:s12] =	ssyncset.done $0x0  }
0xb1: {  	[sflag:s12] =	ssyncadd.s32 $0xFFFFF800  }
0xb2: {  	v4 =	vld [tilespmem:s11+$0x0];
	_ =	sdelay $0x4  }
0xb3: {  	(v2sf) =	vpush v4, $0x0;
	_ =	sdelay $0xe  }
0xb4: {  	s1 =	spop (v2sf)  }
0xb5: {  	v4 =	vld [tilespmem:s1+$0x0];
	_ =	sdelay $0x4  }
0xb6: {  	(v2sf) =	vpush v4, $0x0;
	_ =	sdelay $0xe  }
0xb7: {  	s6 =	simm.s32 $0x3140;
	s30 =	spop (v2sf)  }
0xb8: {  	v5 =	vld [tilespmem:s6+$0xFFFFFFE0];
	s1 =	ssub.s32 s30, s5  }
0xb9: {  	v6 =	vld [tilespmem:s6+$0xFFFFFFC0];
	s1 =	sshll.u32 s1, $0x9  }
0xba: {  	v4 =	vld [tilespmem:s6+$0xFFFFFFD0];
	s7 =	sshra.s32 s1, $0x2  }
0xbb: {  	v7 =	vld [tilespmem:s7+$0x2100]  }
0xbc: {  	v8 =	vld [tilespmem:s7+$0x2110]  }
0xbd: {  	v9 =	vld [tilespmem:s7+$0x2120]  }
0xbe: {  	v10 =	vld [tilespmem:s6+$0xFFFFFFF0]  }
0xbf: {  	v12 =	vld [tilespmem:s6+$0x0]  }
0xc0: {  	v6 =	vmul.f32 $9.999999770e-03, v6;
	v11 =	vld [tilespmem:s7+$0x2130];
	v7 =	vmul.f32 $9.900000090e-01, v7  }
0xc1: {  	v13 =	vmul.f32 $9.999999770e-03, v4;
	v14 =	vld [tilespmem:s7+$0x2140];
	v8 =	vmul.f32 $9.900000090e-01, v8  }
0xc2: {  	v5 =	vmul.f32 $9.999999770e-03, v5;
	v4 =	vadd.f32 v6, v7;
	v7 =	vmul.f32 $9.900000090e-01, v9;
	v9 =	vld [tilespmem:s6+$0x10]  }
0xc3: {  	v6 =	vadd.f32 v13, v8;
	v8 =	vld [tilespmem:s7+$0x2150]  }
0xc4: {  	v10 =	vmul.f32 $9.999999770e-03, v10;
	v57 =	vmul.f32 v4, v4;
	v5 =	vadd.f32 v5, v7  }
0xc5: {  	v16 =	vld [tilespmem:s7+$0x2160];
	v7 =	vmul.f32 $9.900000090e-01, v11;
	v15 =	vmul.f32 v6, v6  }
0xc6: {  	v12 =	vmul.f32 $9.999999770e-03, v12;
	v11 =	vld [tilespmem:s6+$0x20];
	v17 =	vmul.f32 v5, v5  }
0xc7: {  	v58 =	vld [tilespmem:s6+$0x30];
	v7 =	vadd.f32 v10, v7;
	v10 =	vmul.f32 $9.900000090e-01, v14;
	v13 =	vadd.f32 v15, v57  }
0xc8: {  	v59 =	vld [tilespmem:s7+$0x2170];
	v9 =	vmul.f32 $9.999999770e-03, v9;
	v18 =	vmul.f32 $9.900000090e-01, v8  }
0xc9: {  	v19 =	vmul.f32 v7, v7;
	v8 =	vadd.f32 v12, v10;
	v10 =	vadd.f32 v17, v13  }
0xca: {  	v60 =	vmul.f32 $9.900000090e-01, v16;
	v9 =	vadd.f32 v9, v18  }
0xcb: {  	v11 =	vmul.f32 $9.999999770e-03, v11;
	v12 =	vmul.f32 v8, v8;
	v61 =	vadd.f32 v19, v10  }
0xcc: {  	v14 =	vmul.f32 $9.999999770e-03, v58;
	v62 =	vmul.f32 v9, v9  }
0xcd: {  	v10 =	vadd.f32 v11, v60;
	v11 =	vmul.f32 $9.900000090e-01, v59;
	v12 =	vadd.f32 v12, v61;
	_ =	sdelay $0x1  }
0xce: {  	v13 =	vmul.f32 v10, v10;
	v11 =	vadd.f32 v14, v11;
	v12 =	vadd.f32 v62, v12;
	_ =	sdelay $0x1  }
0xcf: {  	v14 =	vmul.f32 v11, v11;
	v12 =	vadd.f32 v13, v12;
	_ =	sdelay $0x1  }
0xd0: {  	v12 =	vadd.f32 v14, v12;
	_ =	sdelay $0x1  }
0xd1: {  	v63 =	vperm.xlane v12, v3;
	_ =	sdelay $0x1  }
0xd2: {  	v12 =	vadd.f32 v12, v63;
	_ =	sdelay $0x1  }
0xd3: {  	(v2sf) =	vpush v12, $0x2  }
0xd4: {  	(v2sf) =	vpush v12, $0x0  }
0xd5: {  	(v2sf) =	vpush v12, $0x1;
	_ =	sdelay $0x3  }
0xd6: {  	(v2sf) =	vpush v12, $0x3;
	_ =	sdelay $0x1  }
0xd7: {  	(v2sf) =	vpush v12, $0x4;
	_ =	sdelay $0x1  }
0xd8: {  	(v2sf) =	vpush v12, $0x5;
	_ =	sdelay $0x1  }
0xd9: {  	(v2sf) =	vpush v12, $0x6;
	_ =	sdelay $0x1  }
0xda: {  	(v2sf) =	vpush v12, $0x7  }
0xdb: {  	s3 =	spop (v2sf)  }
0xdc: {  	s4 =	spop (v2sf)  }
0xdd: {  	s8 =	spop (v2sf)  }
0xde: {  	s4 =	sadd.f32 s8, s4;
	_ =	sdelay $0x1  }
0xdf: {  	s1 =	sadd.f32 s4, s3  }
0xe0: {  	s9 =	spop (v2sf)  }
0xe1: {  	s1 =	sadd.f32 s1, s9  }
0xe2: {  	s30 =	spop (v2sf)  }
0xe3: {  	s1 =	sadd.f32 s1, s30  }
0xe4: {  	s3 =	spop (v2sf)  }
0xe5: {  	s1 =	sadd.f32 s1, s3  }
0xe6: {  	s8 =	spop (v2sf)  }
0xe7: {  	s1 =	sadd.f32 s1, s8  }
0xe8: {  	s9 =	spop (v2sf)  }
0xe9: {  	s1 =	sadd.f32 s1, s9;
	_ =	sdelay $0x1  }
0xea: {  	s1 =	smax.f32 s1, $1.000000000e-30  }
0xeb: {  	s30 =	sshra.s32 s1, $0x1;
	s3 =	smul.f32 $5.000000000e-01, s1  }
0xec: {  	s4 =	ssub.s32 $0x5F3759DF, s30  }
0xed: {  	s9 =	smul.f32 s4, s3;
	_ =	sdelay $0x1  }
0xee: {  	s9 =	smul.f32 s4, s9;
	_ =	sdelay $0x1  }
0xef: {  	s9 =	ssub.f32 $1.500000000e+00, s9;
	_ =	sdelay $0x1  }
0xf0: {  	s4 =	smul.f32 s4, s9;
	_ =	sdelay $0x1  }
0xf1: {  	s9 =	smul.f32 s4, s3;
	_ =	sdelay $0x1  }
0xf2: {  	s9 =	smul.f32 s9, s4;
	_ =	sdelay $0x1  }
0xf3: {  	s9 =	ssub.f32 $1.500000000e+00, s9;
	_ =	sdelay $0x1  }
0xf4: {  	s4 =	smul.f32 s9, s4;
	_ =	sdelay $0x1  }
0xf5: {  	s8 =	smul.f32 s4, s3;
	_ =	sdelay $0x1  }
0xf6: {  	s8 =	smul.f32 s8, s4  }
0xf7: {  	p1 =	sgt.s32 s31, $0x1;
	s9 =	smov.u32 s31  }
0xf8: {  	s9 =	simm.s32 @!p1 $0x1;
	s8 =	ssub.f32 $1.500000000e+00, s8  }
0xf9: {  	s30 =	smin.u32 s9, $0x10  }
0xfa: {  	p1 =	sne.s32 s30, $0x1;
	s4 =	smul.f32 s8, s4  }
.Ltmp10:
0xfb: {  	_ = 	snop;
	(pc) =	sbr.rel @!p1 .LBB2_10-.Ltmp10, $3  }
0xfc: {  	s1 =	smul.f32 s4, s1;
	_ =	sdelay $0x1  }
0xfd: {  	p2 =	sgt.f32 s1, $9.999999960e-13  }
0xfe: {  	s8 =	sadd.s32 $0xFFFFFFFF, s30;
	s1 =	smov.u32 s11  }
.LBB2_9:
0xff: {  	s4 =	simm.s32 @!p2 $0x5368D4A5;
	s1 =	sadd.s32 $0x1, s1;
	s6 =	sadd.s32 $0x80, s6  }
0x100: {  	p1 =	sne.s32 s8, $0x1;
	s8 =	sadd.s32 $0xFFFFFFFF, s8;
	v6 =	vmul.f32 s4, v6;
	v11 =	vmul.f32 s4, v11  }
0x101: {  	v7 =	vmul.f32 s4, v7;
	v8 =	vmul.f32 s4, v8  }
0x102: {  	v5 =	vmul.f32 s4, v5;
	v10 =	vmul.f32 s4, v10;
	[tilespmem:s7+$0x2170] =	vst v11  }
0x103: {  	v4 =	vmul.f32 s4, v4;
	[tilespmem:s7+$0x2130] =	vst v7;
	v7 =	vmul.f32 s4, v9  }
0x104: {  	[tilespmem:s7+$0x2110] =	vst v6  }
0x105: {  	[tilespmem:s7+$0x2140] =	vst v8  }
0x106: {  	[tilespmem:s7+$0x2150] =	vst v7  }
0x107: {  	[tilespmem:s7+$0x2160] =	vst v10  }
0x108: {  	[tilespmem:s7+$0x2100] =	vst v4  }
0x109: {  	[tilespmem:s7+$0x2120] =	vst v5  }
0x10a: {  	v4 =	vld [tilespmem:s1+$0x0];
	_ =	sdelay $0x4  }
0x10b: {  	(v2sf) =	vpush v4, $0x0;
	_ =	sdelay $0xe  }
0x10c: {  	s4 =	spop (v2sf)  }
0x10d: {  	v4 =	vld [tilespmem:s4+$0x0];
	_ =	sdelay $0x4  }
0x10e: {  	(v2sf) =	vpush v4, $0x0;
	_ =	sdelay $0xe  }
0x10f: {  	s4 =	spop (v2sf)  }
0x110: {  	s4 =	ssub.s32 s4, s5;
	v5 =	vld [tilespmem:s6+$0xFFFFFFE0]  }
0x111: {  	s4 =	sshll.u32 s4, $0x9;
	v4 =	vld [tilespmem:s6+$0xFFFFFFD0]  }
0x112: {  	s7 =	sshra.s32 s4, $0x2;
	v6 =	vld [tilespmem:s6+$0xFFFFFFC0]  }
0x113: {  	v7 =	vld [tilespmem:s7+$0x2100]  }
0x114: {  	v8 =	vld [tilespmem:s7+$0x2110]  }
0x115: {  	v9 =	vld [tilespmem:s7+$0x2120]  }
0x116: {  	v10 =	vld [tilespmem:s6+$0xFFFFFFF0]  }
0x117: {  	v11 =	vmul.f32 $9.999999770e-03, v4;
	v12 =	vld [tilespmem:s7+$0x2130]  }
0x118: {  	v6 =	vmul.f32 $9.999999770e-03, v6;
	v4 =	vmul.f32 $9.900000090e-01, v7;
	v7 =	vld [tilespmem:s6+$0x0]  }
0x119: {  	v8 =	vmul.f32 $9.900000090e-01, v8;
	v13 =	vld [tilespmem:s7+$0x2140]  }
0x11a: {  	v5 =	vmul.f32 $9.999999770e-03, v5;
	v4 =	vadd.f32 v6, v4;
	v9 =	vmul.f32 $9.900000090e-01, v9;
	v14 =	vld [tilespmem:s6+$0x10]  }
0x11b: {  	v6 =	vadd.f32 v11, v8;
	v8 =	vmul.f32 $9.999999770e-03, v10;
	v10 =	vld [tilespmem:s7+$0x2150]  }
0x11c: {  	v11 =	vmul.f32 v4, v4;
	v5 =	vadd.f32 v5, v9;
	v9 =	vmul.f32 $9.900000090e-01, v12;
	v12 =	vld [tilespmem:s6+$0x20]  }
0x11d: {  	v15 =	vmul.f32 v6, v6;
	v16 =	vmul.f32 $9.999999770e-03, v7;
	v17 =	vld [tilespmem:s7+$0x2160]  }
0x11e: {  	v18 =	vmul.f32 v5, v5;
	v7 =	vadd.f32 v8, v9;
	v8 =	vmul.f32 $9.900000090e-01, v13;
	v13 =	vld [tilespmem:s6+$0x30]  }
0x11f: {  	v9 =	vadd.f32 v15, v11;
	v11 =	vmul.f32 $9.999999770e-03, v14;
	v14 =	vld [tilespmem:s7+$0x2170]  }
0x120: {  	v15 =	vmul.f32 v7, v7;
	v8 =	vadd.f32 v16, v8;
	v10 =	vmul.f32 $9.900000090e-01, v10  }
0x121: {  	v16 =	vadd.f32 v18, v9;
	v12 =	vmul.f32 $9.999999770e-03, v12  }
0x122: {  	v18 =	vmul.f32 v8, v8;
	v9 =	vadd.f32 v11, v10;
	v10 =	vmul.f32 $9.900000090e-01, v17  }
0x123: {  	v11 =	vadd.f32 v15, v16;
	v13 =	vmul.f32 $9.999999770e-03, v13  }
0x124: {  	v15 =	vmul.f32 v9, v9;
	v10 =	vadd.f32 v12, v10;
	v12 =	vmul.f32 $9.900000090e-01, v14  }
0x125: {  	v14 =	vadd.f32 v18, v11  }
0x126: {  	v16 =	vmul.f32 v10, v10;
	v11 =	vadd.f32 v13, v12  }
0x127: {  	v12 =	vadd.f32 v15, v14  }
0x128: {  	v13 =	vmul.f32 v11, v11  }
0x129: {  	v12 =	vadd.f32 v16, v12;
	_ =	sdelay $0x1  }
0x12a: {  	v12 =	vadd.f32 v13, v12;
	_ =	sdelay $0x1  }
0x12b: {  	v13 =	vperm.xlane v12, v3;
	_ =	sdelay $0x1  }
0x12c: {  	v12 =	vadd.f32 v12, v13;
	_ =	sdelay $0x1  }
0x12d: {  	(v2sf) =	vpush v12, $0x2  }
0x12e: {  	(v2sf) =	vpush v12, $0x0  }
0x12f: {  	(v2sf) =	vpush v12, $0x1;
	_ =	sdelay $0x3  }
0x130: {  	(v2sf) =	vpush v12, $0x3;
	_ =	sdelay $0x1  }
0x131: {  	(v2sf) =	vpush v12, $0x4;
	_ =	sdelay $0x1  }
0x132: {  	(v2sf) =	vpush v12, $0x5;
	_ =	sdelay $0x1  }
0x133: {  	(v2sf) =	vpush v12, $0x6;
	_ =	sdelay $0x1  }
0x134: {  	(v2sf) =	vpush v12, $0x7  }
0x135: {  	s4 =	spop (v2sf)  }
0x136: {  	s9 =	spop (v2sf)  }
0x137: {  	s30 =	spop (v2sf)  }
0x138: {  	s9 =	sadd.f32 s30, s9;
	_ =	sdelay $0x1  }
0x139: {  	s4 =	sadd.f32 s9, s4  }
0x13a: {  	s9 =	spop (v2sf)  }
0x13b: {  	s4 =	sadd.f32 s4, s9  }
0x13c: {  	s9 =	spop (v2sf)  }
0x13d: {  	s4 =	sadd.f32 s4, s9  }
0x13e: {  	s9 =	spop (v2sf)  }
0x13f: {  	s4 =	sadd.f32 s4, s9  }
0x140: {  	s9 =	spop (v2sf)  }
0x141: {  	s4 =	sadd.f32 s4, s9  }
0x142: {  	s9 =	spop (v2sf)  }
0x143: {  	s4 =	sadd.f32 s4, s9;
	_ =	sdelay $0x1  }
0x144: {  	s9 =	smax.f32 s4, $1.000000000e-30  }
0x145: {  	s4 =	sshra.s32 s9, $0x1;
	s30 =	smul.f32 $5.000000000e-01, s9  }
0x146: {  	s4 =	ssub.s32 $0x5F3759DF, s4  }
0x147: {  	s3 =	smul.f32 s4, s30;
	_ =	sdelay $0x1  }
0x148: {  	s3 =	smul.f32 s4, s3;
	_ =	sdelay $0x1  }
0x149: {  	s3 =	ssub.f32 $1.500000000e+00, s3;
	_ =	sdelay $0x1  }
0x14a: {  	s3 =	smul.f32 s4, s3;
	_ =	sdelay $0x1  }
0x14b: {  	s4 =	smul.f32 s3, s30;
	_ =	sdelay $0x1  }
0x14c: {  	s4 =	smul.f32 s4, s3;
	_ =	sdelay $0x1  }
0x14d: {  	s4 =	ssub.f32 $1.500000000e+00, s4;
	_ =	sdelay $0x1  }
0x14e: {  	s3 =	smul.f32 s4, s3;
	_ =	sdelay $0x1  }
0x14f: {  	s4 =	smul.f32 s3, s30;
	_ =	sdelay $0x1  }
0x150: {  	s4 =	smul.f32 s4, s3;
	_ =	sdelay $0x1  }
0x151: {  	s4 =	ssub.f32 $1.500000000e+00, s4;
	_ =	sdelay $0x1  }
0x152: {  	s4 =	smul.f32 s4, s3  }
.Ltmp11:
0x153: {  	(pc) =	sbr.rel @p1 .LBB2_9-.Ltmp11, $3  }
0x154: {  	_ = 	snop  }
0x155: {  	s3 =	smul.f32 s4, s9;
	_ =	sdelay $0x1  }
0x156: {  	p2 =	sgt.f32 s3, $9.999999960e-13  }
.Ltmp12:
0x157: {  	_ = 	snop;
	(pc) =	sbr.rel .LBB2_10-.Ltmp12, $1  }
0x158: {  	_ =	sdelay $0x3  }
.LBB2_13:
0x159: {  	_ =	sfence.sel $0x180000  }
0x15a: {  	[bflag:$0x0] =	sbarrier.arrive $0xFFFF  }
0x15b: {  	_ =	strace $0x90000047  }
0x15c: {  	[bflag:$0x2] =	sbarrier.arrive $0xFFFF  }
0x15d: {  	s0 =	rddreg [dreg:$0x4]  }
0x15e: {  	s0 =	sadd.s32 @!p0 $0x100000, s0  }
0x15f: {  	[sflag:s0] =	ssyncadd.tile.s32 @!p0 $0x1;
	_ =	shalt  }
.Lfunc_end2:
_tile_overlayer_lowered:
.L_overlay_start_2:
0x160: {  	(tag) =	ssettag $0x2  }
0x161: {  	s0 =	rddreg [dreg:$0x0];
	s2 =	stileid.u32  }
0x162: {  	s1 =	rddreg [dreg:$0x1];
	p0 =	sne.s32 s2, $0x0  }
0x163: {  	s3 =	rddreg [dreg:$0x2];
	[bflag:$0x3] =	sbarrier.arrive $0xFFFF;
	s2 =	simm.s32 @!p0 $0x1C02  }
0x164: {  	[timem:s3], [sflag:s2] =	dma.local @!p0 [hbm:s0], s1  }
0x165: {  	s0 =	simm.s32 @!p0 $0x2  }
0x166: {  	_ =	swait.ge @!p0 [sflag:s0], s1  }
0x167: {  	s1 =	ssub.s32 @!p0 $0x0, s1;
	[sflag:s0] =	ssyncset.done @!p0 $0x0  }
0x168: {  	[sflag:s0] =	ssyncadd.s32 @!p0 s1  }
0x169: {  	[bflag:$0x3] =	sbarrier.arrive $0xFFFF  }
0x16a: {  	_ =	shalt  }

</sc_bundles>
